<compile_context>
chip_gen: v7x
topology: tpu7x:2x2x1
jax: 0.10.2.dev20260603
libtpu: 0.0.44.dev20260713+nightly
codegen_flags: <defaults>
</compile_context>

<pallas_src>
import functools

import jax
import jax.numpy as jnp
from jax import lax
from jax.experimental import pallas as pl
from jax.experimental.pallas import tpu as pltpu
from jax.experimental.pallas import tpu_sc as plsc

_HID = 128
_EB = 2000
_NB = 1000
_CH = 128
_NC = 2
_NS = 16
_NW = _NC * _NS

_f32 = jnp.float32


def _dot(a, b):
    return jnp.dot(a, b, preferred_element_type=_f32)


def _dot_hi(a, b):
    return jnp.dot(a, b, preferred_element_type=_f32,
                   precision=lax.Precision.HIGHEST)



def _precompute(x, w_es, w_ms, w_er):
    n, nin = x.shape

    def body(x_ref, wes_ref, wms_ref, wer_ref, ts_ref, tr_ref):
        xb = x_ref[...]
        ts_ref[:, 0:_HID] = _dot(xb, wes_ref[...])
        ts_ref[:, _HID:2 * _HID] = _dot(xb, wms_ref[...])
        tr_ref[...] = _dot(xb, wer_ref[...])

    return pl.pallas_call(
        body,
        grid=(n // _NB,),
        in_specs=[
            pl.BlockSpec((_NB, nin), lambda i: (i, 0)),
            pl.BlockSpec((nin, _HID), lambda i: (0, 0)),
            pl.BlockSpec((nin, _HID), lambda i: (0, 0)),
            pl.BlockSpec((nin, _HID), lambda i: (0, 0)),
        ],
        out_specs=(
            pl.BlockSpec((_NB, 2 * _HID), lambda i: (i, 0)),
            pl.BlockSpec((_NB, _HID), lambda i: (i, 0)),
        ),
        out_shape=(
            jax.ShapeDtypeStruct((n, 2 * _HID), _f32),
            jax.ShapeDtypeStruct((n, _HID), _f32),
        ),
    )(x, w_es, w_ms, w_er)



def _sc_gather(ts, tr, send, rec):
    e_tot = send.shape[0]
    n_chunks = e_tot // _CH
    iters = (n_chunks + _NW - 1) // _NW
    mesh = plsc.VectorSubcoreMesh(core_axis_name="c", subcore_axis_name="s")

    @functools.partial(
        pl.kernel,
        out_type=(
            jax.ShapeDtypeStruct((e_tot, 2 * _HID), _f32),
            jax.ShapeDtypeStruct((e_tot, _HID), _f32),
        ),
        mesh=mesh,
        scratch_types=[
            pltpu.VMEM((_CH,), jnp.int32),
            pltpu.VMEM((_CH,), jnp.int32),
            pltpu.VMEM((_CH, 2 * _HID), _f32),
            pltpu.VMEM((_CH, _HID), _f32),
            pltpu.SemaphoreType.DMA,
        ],
    )
    def k(ts_hbm, tr_hbm, send_hbm, rec_hbm, gs_hbm, gr_hbm,
          idx_s, idx_r, buf_s, buf_r, sem):
        wid = lax.axis_index("c") * _NS + lax.axis_index("s")

        @pl.loop(0, iters)
        def _(i):
            g = i * _NW + wid

            @pl.when(g < n_chunks)
            def _():
                base = g * _CH
                pltpu.sync_copy(send_hbm.at[pl.ds(base, _CH)], idx_s)
                pltpu.sync_copy(rec_hbm.at[pl.ds(base, _CH)], idx_r)
                a = pltpu.async_copy(ts_hbm.at[idx_s], buf_s, sem)
                b = pltpu.async_copy(tr_hbm.at[idx_r], buf_r, sem)
                a.wait()
                b.wait()
                pltpu.sync_copy(buf_s, gs_hbm.at[pl.ds(base, _CH)])
                pltpu.sync_copy(buf_r, gr_hbm.at[pl.ds(base, _CH)])

    return k(ts, tr, send, rec)



def _sc_scatter(m, rec, zeros_nd):
    e_tot = m.shape[0]
    n = zeros_nd.shape[0]
    n_chunks = e_tot // _CH
    per_core = n_chunks // _NC
    iters = (per_core + _NS - 1) // _NS
    rows_per_tile = (n // _NS) // 8 * 8
    rows_rem = n - rows_per_tile * _NS
    mesh = plsc.VectorSubcoreMesh(core_axis_name="c", subcore_axis_name="s")

    @functools.partial(
        pl.kernel,
        out_type=jax.ShapeDtypeStruct((_NC, n, _HID), _f32),
        mesh=mesh,
        scratch_types=[
            pltpu.VMEM((_CH,), jnp.int32),
            pltpu.VMEM((_CH, _HID), _f32),
            pltpu.VMEM_SHARED((n, _HID), _f32),
        ],
    )
    def k(m_hbm, rec_hbm, z_hbm, p_hbm, idx, buf, shared):
        cid = lax.axis_index("c")
        sid = lax.axis_index("s")

        @pl.when(sid == 0)
        def _():
            pltpu.sync_copy(z_hbm, shared)

        plsc.subcore_barrier()

        @pl.loop(0, iters)
        def _(i):
            local = i * _NS + sid

            @pl.when(local < per_core)
            def _():
                base = (cid * per_core + local) * _CH
                pltpu.sync_copy(rec_hbm.at[pl.ds(base, _CH)], idx)
                pltpu.sync_copy(m_hbm.at[pl.ds(base, _CH)], buf)
                pltpu.sync_copy(buf, shared.at[idx], add=True)

        plsc.subcore_barrier()
        r0 = sid * rows_per_tile
        pltpu.sync_copy(shared.at[pl.ds(r0, rows_per_tile)],
                        p_hbm.at[cid, pl.ds(r0, rows_per_tile)])
        if rows_rem:
            @pl.when(sid == 0)
            def _():
                rr = rows_per_tile * _NS
                pltpu.sync_copy(shared.at[pl.ds(rr, rows_rem)],
                                p_hbm.at[cid, pl.ds(rr, rows_rem)])

    return k(m, rec, zeros_nd)



def _edge_msg(gs, gr, e, w_ee, be1, we2, be2, w_me, bm1, wm2, bm2, wm3, bm3):
    e_tot = gs.shape[0]
    ein = e.shape[1]

    def body(gs_ref, gr_ref, e_ref, wee_ref, be1_ref, we2_ref, be2_ref,
             wme_ref, bm1_ref, wm2_ref, bm2_ref, wm3_ref, bm3_ref,
             ea_ref, m_ref):
        gsb = gs_ref[...]
        if ein == 1:
            ec = e_ref[...] * wee_ref[...]
        else:
            ec = _dot(e_ref[...], wee_ref[...])
        h1 = jnp.maximum(gsb[:, 0:_HID] + gr_ref[...] + ec + be1_ref[...], 0.0)
        ea = _dot(h1, we2_ref[...]) + be2_ref[...]
        ea_ref[...] = ea
        h2 = jnp.maximum(gsb[:, _HID:2 * _HID] + _dot(ea, wme_ref[...])
                         + bm1_ref[...], 0.0)
        h3 = jnp.maximum(_dot(h2, wm2_ref[...]) + bm2_ref[...], 0.0)
        m_ref[...] = _dot(h3, wm3_ref[...]) + bm3_ref[...]

    full = lambda s: pl.BlockSpec(s, lambda i: tuple(0 for _ in s))
    return pl.pallas_call(
        body,
        grid=(e_tot // _EB,),
        in_specs=[
            pl.BlockSpec((_EB, 2 * _HID), lambda i: (i, 0)),
            pl.BlockSpec((_EB, _HID), lambda i: (i, 0)),
            pl.BlockSpec((_EB, ein), lambda i: (i, 0)),
            full((ein, _HID)),
            full((1, _HID)),
            full((_HID, _HID)),
            full((1, _HID)),
            full((_HID, _HID)),
            full((1, _HID)),
            full((_HID, _HID)),
            full((1, _HID)),
            full((_HID, _HID)),
            full((1, _HID)),
        ],
        out_specs=(
            pl.BlockSpec((_EB, _HID), lambda i: (i, 0)),
            pl.BlockSpec((_EB, _HID), lambda i: (i, 0)),
        ),
        out_shape=(
            jax.ShapeDtypeStruct((e_tot, _HID), _f32),
            jax.ShapeDtypeStruct((e_tot, _HID), _f32),
        ),
    )(gs, gr, e, w_ee, be1, we2, be2, w_me, bm1, wm2, bm2, wm3, bm3)



def _node(x, p, w_nx, w_na, bn1, wn2, bn2, wn3, bn3, w_es2, w_ms2, w_er2):
    n, nin = x.shape

    def body(x_ref, p_ref, wnx_ref, wna_ref, b1_ref, w2_ref, b2_ref,
             w3_ref, b3_ref, wes_ref, wms_ref, wer_ref,
             xn_ref, ts_ref, tr_ref):
        agg = p_ref[0] + p_ref[1]
        h = jnp.maximum(_dot(x_ref[...], wnx_ref[...]) + _dot(agg, wna_ref[...])
                        + b1_ref[...], 0.0)
        h = jnp.maximum(_dot(h, w2_ref[...]) + b2_ref[...], 0.0)
        xn = _dot(h, w3_ref[...]) + b3_ref[...]
        xn_ref[...] = xn
        ts_ref[:, 0:_HID] = _dot(xn, wes_ref[...])
        ts_ref[:, _HID:2 * _HID] = _dot(xn, wms_ref[...])
        tr_ref[...] = _dot(xn, wer_ref[...])

    full = lambda s: pl.BlockSpec(s, lambda i: tuple(0 for _ in s))
    return pl.pallas_call(
        body,
        grid=(n // _NB,),
        in_specs=[
            pl.BlockSpec((_NB, nin), lambda i: (i, 0)),
            pl.BlockSpec((_NC, _NB, _HID), lambda i: (0, i, 0)),
            full((nin, _HID)),
            full((_HID, _HID)),
            full((1, _HID)),
            full((_HID, _HID)),
            full((1, _HID)),
            full((_HID, _HID)),
            full((1, _HID)),
            full((_HID, _HID)),
            full((_HID, _HID)),
            full((_HID, _HID)),
        ],
        out_specs=(
            pl.BlockSpec((_NB, _HID), lambda i: (i, 0)),
            pl.BlockSpec((_NB, 2 * _HID), lambda i: (i, 0)),
            pl.BlockSpec((_NB, _HID), lambda i: (i, 0)),
        ),
        out_shape=(
            jax.ShapeDtypeStruct((n, _HID), _f32),
            jax.ShapeDtypeStruct((n, 2 * _HID), _f32),
            jax.ShapeDtypeStruct((n, _HID), _f32),
        ),
    )(x, p, w_nx, w_na, bn1, wn2, bn2, wn3, bn3, w_es2, w_ms2, w_er2)



def _node_head(x, p, w_nx, w_na, bn1, wn2, bn2, wn3, bn3,
               batch2, n_graphs, wg1, bg1, gamma, beta, wg2, bg2):
    n, nin = x.shape
    grid = n // _NB

    def body(x_ref, p_ref, wnx_ref, wna_ref, b1_ref, w2_ref, b2_ref,
             w3_ref, b3_ref, bt_ref, wg1_ref, bg1_ref, gm_ref, bb_ref,
             wg2_ref, bg2_ref, u_ref, sums, cnts):
        i = pl.program_id(0)

        @pl.when(i == 0)
        def _():
            sums[...] = jnp.zeros((n_graphs, _HID), _f32)
            cnts[...] = jnp.zeros((n_graphs, _HID), _f32)

        agg = p_ref[0] + p_ref[1]
        h = jnp.maximum(_dot(x_ref[...], wnx_ref[...]) + _dot(agg, wna_ref[...])
                        + b1_ref[...], 0.0)
        h = jnp.maximum(_dot(h, w2_ref[...]) + b2_ref[...], 0.0)
        xn = _dot(h, w3_ref[...]) + b3_ref[...]

        mask = (bt_ref[...] == lax.broadcasted_iota(jnp.int32, (_NB, n_graphs), 1)
                ).astype(_f32)
        sums[...] += lax.dot_general(mask, xn, (((0,), (0,)), ((), ())),
                                     preferred_element_type=_f32,
                                     precision=lax.Precision.HIGHEST)
        cnts[...] += lax.dot_general(mask, jnp.ones((_NB, _HID), _f32),
                                     (((0,), (0,)), ((), ())),
                                     preferred_element_type=_f32,
                                     precision=lax.Precision.HIGHEST)

        @pl.when(i == grid - 1)
        def _():
            pooled = sums[...] / jnp.maximum(cnts[...], 1.0)
            g = _dot_hi(pooled, wg1_ref[...]) + bg1_ref[...]
            mu = jnp.mean(g, axis=0, keepdims=True)
            var = jnp.mean((g - mu) ** 2, axis=0, keepdims=True)
            g = (g - mu) / jnp.sqrt(var + 1e-5) * gm_ref[...] + bb_ref[...]
            g = jnp.maximum(g, 0.0)
            u_ref[...] = _dot_hi(g, wg2_ref[...]) + bg2_ref[...]

    full = lambda s: pl.BlockSpec(s, lambda i: tuple(0 for _ in s))
    return pl.pallas_call(
        body,
        grid=(grid,),
        in_specs=[
            pl.BlockSpec((_NB, nin), lambda i: (i, 0)),
            pl.BlockSpec((_NC, _NB, _HID), lambda i: (0, i, 0)),
            full((nin, _HID)),
            full((_HID, _HID)),
            full((1, _HID)),
            full((_HID, _HID)),
            full((1, _HID)),
            full((_HID, _HID)),
            full((1, _HID)),
            pl.BlockSpec((_NB, 1), lambda i: (i, 0)),
            full((_HID, _HID)),
            full((1, _HID)),
            full((1, _HID)),
            full((1, _HID)),
            full((_HID, 1)),
            full((1, 1)),
        ],
        out_specs=pl.BlockSpec((n_graphs, 1), lambda i: (0, 0)),
        out_shape=jax.ShapeDtypeStruct((n_graphs, 1), _f32),
        scratch_shapes=[
            pltpu.VMEM((n_graphs, _HID), _f32),
            pltpu.VMEM((n_graphs, _HID), _f32),
        ],
    )(x, p, w_nx, w_na, bn1, wn2, bn2, wn3, bn3,
      batch2, wg1, bg1, gamma, beta, wg2, bg2)



def _row(b):
    return b.reshape(1, -1)


def kernel(x, edge_index, edge_attr, u, batch, params):
    n_nodes = x.shape[0]
    n_graphs = u.shape[0]
    send = edge_index[0].astype(jnp.int32)
    rec = edge_index[1].astype(jnp.int32)
    batch2 = batch.astype(jnp.int32).reshape(n_nodes, 1)
    zeros_nd = jnp.zeros((n_nodes, _HID), _f32)

    def splits(lp, nin, pad):
        we1 = lp["edge"][0]["W"]
        wm1 = lp["msg"][0]["W"]
        wn1 = lp["node"][0]["W"]
        w_es, w_er, w_ee = we1[:nin], we1[nin:2 * nin], we1[2 * nin:]
        w_ms, w_me = wm1[:nin], wm1[nin:]
        w_nx, w_na = wn1[:nin], wn1[nin:]
        if pad:
            z = ((0, pad - nin), (0, 0))
            w_es, w_er, w_ms, w_nx = (jnp.pad(w, z) for w in (w_es, w_er, w_ms, w_nx))
        return w_es, w_er, w_ee, w_ms, w_me, w_nx, w_na

    nin0 = x.shape[1]
    xp = jnp.pad(x, ((0, 0), (0, 8 - nin0)))
    sp = [splits(params[0], nin0, 8),
          splits(params[1], _HID, 0),
          splits(params[2], _HID, 0)]

    ts, tr = _precompute(xp, sp[0][0], sp[0][3], sp[0][1])
    cur_x = xp
    e = edge_attr

    for l in range(len(params)):
        lp = params[l]
        w_es, w_er, w_ee, w_ms, w_me, w_nx, w_na = sp[l]
        gs, gr = _sc_gather(ts, tr, send, rec)
        ea, m = _edge_msg(
            gs, gr, e,
            w_ee, _row(lp["edge"][0]["b"]),
            lp["edge"][1]["W"], _row(lp["edge"][1]["b"]),
            w_me, _row(lp["msg"][0]["b"]),
            lp["msg"][1]["W"], _row(lp["msg"][1]["b"]),
            lp["msg"][2]["W"], _row(lp["msg"][2]["b"]),
        )
        part = _sc_scatter(m, rec, zeros_nd)
        nb = [_row(lp["node"][0]["b"]), lp["node"][1]["W"], _row(lp["node"][1]["b"]),
              lp["node"][2]["W"], _row(lp["node"][2]["b"])]
        if l + 1 < len(params):
            nxt = sp[l + 1]
            cur_x, ts, tr = _node(cur_x, part, w_nx, w_na, *nb,
                                  nxt[0], nxt[3], nxt[1])
            e = ea
        else:
            gl = lp["glob"]
            u_out = _node_head(cur_x, part, w_nx, w_na, *nb,
                               batch2, n_graphs,
                               gl["l1"]["W"], _row(gl["l1"]["b"]),
                               _row(gl["gamma"]), _row(gl["beta"]),
                               gl["l2"]["W"], _row(gl["l2"]["b"]))
    return u_out

# --- scband reference (transcript-rebuilt; emitter-appended) ---
"""Pipeline reference for scband-interaction-network-multi-73650099192118 (READ-ONLY COPY).

The authoritative reference and input builder live on the scoring server;
editing this copy changes nothing except your own understanding.
"""

import jax, jax.numpy as jnp
import numpy as np

LAYERS = 3
HIDDEN = 128
N_NODES = 10000
N_EDGES = 160000
N_GRAPHS = 8


def _lin_init(key, fan_in, fan_out):
    W = jax.random.normal(key, (fan_in, fan_out), dtype=jnp.float32) * np.sqrt(2.0 / fan_in)
    b = jnp.zeros((fan_out,), dtype=jnp.float32)
    return {"W": W, "b": b}


def _layer_params(key, node_in, edge_in, hidden):
    ks = jax.random.split(key, 10)
    return {
        "edge": [_lin_init(ks[0], 2 * node_in + edge_in, hidden), _lin_init(ks[1], hidden, hidden)],
        "msg": [_lin_init(ks[2], node_in + hidden, hidden), _lin_init(ks[3], hidden, hidden), _lin_init(ks[4], hidden, hidden)],
        "node": [_lin_init(ks[5], node_in + hidden, hidden), _lin_init(ks[6], hidden, hidden), _lin_init(ks[7], hidden, hidden)],
        "glob": {"l1": _lin_init(ks[8], hidden, hidden), "gamma": jnp.ones((hidden,), jnp.float32), "beta": jnp.zeros((hidden,), jnp.float32), "l2": _lin_init(ks[9], hidden, 1)},
    }


def setup_inputs(seed: int = 0):
    key = jax.random.key(seed)
    k = jax.random.split(key, 4 + LAYERS)
    x = jax.random.normal(k[0], (N_NODES, 3), dtype=jnp.float32)
    edge_index = jax.random.randint(k[1], (2, N_EDGES), 0, N_NODES)
    edge_attr = jax.random.normal(k[2], (N_EDGES, 1), dtype=jnp.float32)
    u = jnp.zeros((N_GRAPHS, 1), dtype=jnp.float32)
    batch = jnp.sort(jax.random.randint(k[3], (N_NODES,), 0, N_GRAPHS))
    params = []
    for l in range(LAYERS):
        node_in = 3 if l == 0 else HIDDEN
        edge_in = 1 if l == 0 else HIDDEN
        params.append(_layer_params(k[4 + l], node_in, edge_in, HIDDEN))
    return {"x": x, "edge_index": edge_index, "edge_attr": edge_attr, "u": u, "batch": batch, "params": params}


def _lin(h, p):
    return h @ p["W"] + p["b"]


def _mlp2(h, ps):
    return _lin(jax.nn.relu(_lin(h, ps[0])), ps[1])


def _mlp3(h, ps):
    h = jax.nn.relu(_lin(h, ps[0]))
    h = jax.nn.relu(_lin(h, ps[1]))
    return _lin(h, ps[2])


def _meta_layer(x, edge_index, edge_attr, batch, lp):
    send, rec = edge_index[0], edge_index[1]
    # EdgeModel: cat(src, dest, edge_attr) -> Lin,ReLU,Lin
    ea = _mlp2(jnp.concatenate([x[send], x[rec], edge_attr], axis=1), lp["edge"])
    # NodeModel: message_function(cat(x[send], ea)), scatter_add over rec, node_mlp(cat(x, agg))
    m = _mlp3(jnp.concatenate([x[send], ea], axis=1), lp["msg"])
    agg = jax.ops.segment_sum(m, rec, num_segments=x.shape[0])
    x_new = _mlp3(jnp.concatenate([x, agg], axis=1), lp["node"])
    # GlobalModel: scatter_mean(x, batch) -> Lin, BatchNorm1d(train), ReLU, Lin
    sums = jax.ops.segment_sum(x_new, batch, num_segments=N_GRAPHS)
    cnt = jax.ops.segment_sum(jnp.ones((x_new.shape[0],), jnp.float32), batch, num_segments=N_GRAPHS)
    pooled = sums / jnp.maximum(cnt, 1.0)[:, None]
    g = _lin(pooled, lp["glob"]["l1"])
    mu = jnp.mean(g, axis=0)
    var = jnp.mean((g - mu) ** 2, axis=0)
    g = (g - mu) / jnp.sqrt(var + 1e-5) * lp["glob"]["gamma"] + lp["glob"]["beta"]
    g = jax.nn.relu(g)
    u_out = _lin(g, lp["glob"]["l2"])
    return x_new, ea, u_out


def reference(x, edge_index, edge_attr, u, batch, params):
    for lp in params:
        x, edge_attr, u = _meta_layer(x, edge_index, edge_attr, batch, lp)
    return u

if __name__ == "__main__":
    import jax
    _d = setup_inputs()
    print(jax.jit(kernel)(*tuple(_d.values())))

</pallas_src>

<mosaic_0001>
#map = affine_map<(d0, d1) -> (0, 0)>
#map1 = affine_map<(d0, d1) -> (0)>
module attributes {stable_mosaic.version = 14 : i64} {
  func.func @k(%arg0: i32, %arg1: i32, %arg2: memref<10000x256xf32, #tpu.memory_space<hbm>>, %arg3: memref<10000x128xf32, #tpu.memory_space<hbm>>, %arg4: memref<160000xi32, #tpu.memory_space<hbm>>, %arg5: memref<160000xi32, #tpu.memory_space<hbm>>, %arg6: memref<160000x256xf32, #tpu.memory_space<hbm>>, %arg7: memref<160000x128xf32, #tpu.memory_space<hbm>>, %arg8: memref<128xi32, #tpu.memory_space<vmem>>, %arg9: memref<128xi32, #tpu.memory_space<vmem>>, %arg10: memref<128x256xf32, #tpu.memory_space<vmem>>, %arg11: memref<128x128xf32, #tpu.memory_space<vmem>>, %arg12: memref<!tpu.dma_semaphore, #tpu.memory_space<semaphore_mem>>) attributes {dimension_semantics = [#tpu.dimension_semantics<core_parallel>, #tpu.dimension_semantics<subcore_parallel>], iteration_bounds = array<i64: 2, 16>, scalar_prefetch = 0 : i64, scratch_operands = 5 : i64, tpu.core_type = #tpu.core_type<sc_vector_subcore>, window_params = [{transform_indices = #map}, {transform_indices = #map}, {transform_indices = #map1}, {transform_indices = #map1}, {transform_indices = #map}, {transform_indices = #map}]} {
    %mul3A = arith.constant 16 : i32
    %mul3A_0 = arith.muli %arg0, %mul3A : i32
    %add3A = arith.addi %mul3A_0, %arg1 : i32
    %scan3A = arith.constant 0 : i32
    %scan3A_1 = arith.constant 40 : i32
    %scan3A_2 = arith.addi %scan3A, %scan3A_1 : i32
    %scan3A_3 = arith.constant 1 : i32
    scf.for %scan3A_5 = %scan3A to %scan3A_2 step %scan3A_3  : i32 {
      %mul3A_6 = arith.constant 1 : i32
      %mul3A_7 = arith.muli %scan3A_5, %mul3A_6 : i32
      %add3A_8 = arith.constant 0 : i32
      %add3A_9 = arith.addi %add3A_8, %mul3A_7 : i32
      %mul3A_10 = arith.constant 32 : i32
      %mul3A_11 = arith.muli %add3A_9, %mul3A_10 : i32
      %add3A_12 = arith.addi %mul3A_11, %add3A : i32
      %lt3A = arith.constant 1250 : i32
      %lt3A_13 = arith.cmpi slt, %add3A_12, %lt3A : i32
      %convert_element_type3A = arith.extui %lt3A_13 : i1 to i32
      %cond3A = arith.constant 0 : i32
      %cond3A_14 = arith.cmpi ne, %convert_element_type3A, %cond3A : i32
      scf.if %cond3A_14 {
        %mul3A_15 = arith.constant 128 : i32
        %mul3A_16 = arith.muli %add3A_12, %mul3A_15 : i32
        "tpu.region"() ({
          %run_scoped3A = tpu.sem_alloc : memref<!tpu.dma_semaphore, #tpu.memory_space<semaphore_mem>>
          %dma_start3A_27 = tpu.memref_slice %arg4[%mul3A_16] : memref<160000xi32, #tpu.memory_space<hbm>> -> memref<128xi32, #tpu.memory_space<hbm>>
          %dma_start3A_28 = tpu.memref_slice %arg4[%mul3A_16] : memref<160000xi32, #tpu.memory_space<hbm>> -> memref<128xi32, #tpu.memory_space<hbm>>
          tpu.enqueue_dma source(%dma_start3A_28 : memref<128xi32, #tpu.memory_space<hbm>>) target(%arg8 : memref<128xi32, #tpu.memory_space<vmem>>) target_semaphore(%run_scoped3A : memref<!tpu.dma_semaphore, #tpu.memory_space<semaphore_mem>>)
          %dma_wait3A_29 = tpu.memref_slice %arg4[%mul3A_16] : memref<160000xi32, #tpu.memory_space<hbm>> -> memref<128xi32, #tpu.memory_space<hbm>>
          %dma_wait3A_30 = tpu.memref_slice %arg4[%mul3A_16] : memref<160000xi32, #tpu.memory_space<hbm>> -> memref<128xi32, #tpu.memory_space<hbm>>
          tpu.wait_dma2 semaphore(%run_scoped3A : memref<!tpu.dma_semaphore, #tpu.memory_space<semaphore_mem>>) src(%dma_wait3A_30 : memref<128xi32, #tpu.memory_space<hbm>>) dst(%arg8 : memref<128xi32, #tpu.memory_space<vmem>>)
          tpu.yield
        }) : () -> ()
        "tpu.region"() ({
          %run_scoped3A = tpu.sem_alloc : memref<!tpu.dma_semaphore, #tpu.memory_space<semaphore_mem>>
          %dma_start3A_27 = tpu.memref_slice %arg5[%mul3A_16] : memref<160000xi32, #tpu.memory_space<hbm>> -> memref<128xi32, #tpu.memory_space<hbm>>
          %dma_start3A_28 = tpu.memref_slice %arg5[%mul3A_16] : memref<160000xi32, #tpu.memory_space<hbm>> -> memref<128xi32, #tpu.memory_space<hbm>>
          tpu.enqueue_dma source(%dma_start3A_28 : memref<128xi32, #tpu.memory_space<hbm>>) target(%arg9 : memref<128xi32, #tpu.memory_space<vmem>>) target_semaphore(%run_scoped3A : memref<!tpu.dma_semaphore, #tpu.memory_space<semaphore_mem>>)
          %dma_wait3A_29 = tpu.memref_slice %arg5[%mul3A_16] : memref<160000xi32, #tpu.memory_space<hbm>> -> memref<128xi32, #tpu.memory_space<hbm>>
          %dma_wait3A_30 = tpu.memref_slice %arg5[%mul3A_16] : memref<160000xi32, #tpu.memory_space<hbm>> -> memref<128xi32, #tpu.memory_space<hbm>>
          tpu.wait_dma2 semaphore(%run_scoped3A : memref<!tpu.dma_semaphore, #tpu.memory_space<semaphore_mem>>) src(%dma_wait3A_30 : memref<128xi32, #tpu.memory_space<hbm>>) dst(%arg9 : memref<128xi32, #tpu.memory_space<vmem>>)
          tpu.yield
        }) : () -> ()
        %dma_start3A = arith.constant 0 : i32
        %dma_start3A_17 = arith.constant 0 : i32
        %dma_start3A_18 = tpu.memref_slice %arg2[%dma_start3A, %dma_start3A_17] : memref<10000x256xf32, #tpu.memory_space<hbm>> -> memref<10000x256xf32, #tpu.memory_space<hbm>>
        tpu.enqueue_indirect_dma source(%dma_start3A_18 : memref<10000x256xf32, #tpu.memory_space<hbm>>) target(%arg10 : memref<128x256xf32, #tpu.memory_space<vmem>>) offsets(%arg8 : memref<128xi32, #tpu.memory_space<vmem>>) semaphore(%arg12 : memref<!tpu.dma_semaphore, #tpu.memory_space<semaphore_mem>>)
        %dma_start3A_19 = arith.constant 0 : i32
        %dma_start3A_20 = arith.constant 0 : i32
        %dma_start3A_21 = tpu.memref_slice %arg3[%dma_start3A_19, %dma_start3A_20] : memref<10000x128xf32, #tpu.memory_space<hbm>> -> memref<10000x128xf32, #tpu.memory_space<hbm>>
        tpu.enqueue_indirect_dma source(%dma_start3A_21 : memref<10000x128xf32, #tpu.memory_space<hbm>>) target(%arg11 : memref<128x128xf32, #tpu.memory_space<vmem>>) offsets(%arg9 : memref<128xi32, #tpu.memory_space<vmem>>) semaphore(%arg12 : memref<!tpu.dma_semaphore, #tpu.memory_space<semaphore_mem>>)
        %dma_wait3A = arith.constant 0 : i32
        %dma_wait3A_22 = arith.constant 0 : i32
        %dma_wait3A_23 = tpu.memref_slice %arg2[%dma_wait3A, %dma_wait3A_22] : memref<10000x256xf32, #tpu.memory_space<hbm>> -> memref<10000x256xf32, #tpu.memory_space<hbm>>
        tpu.wait_indirect_dma semaphore(%arg12 : memref<!tpu.dma_semaphore, #tpu.memory_space<semaphore_mem>>) src(%dma_wait3A_23 : memref<10000x256xf32, #tpu.memory_space<hbm>>) dst(%arg10 : memref<128x256xf32, #tpu.memory_space<vmem>>)
        %dma_wait3A_24 = arith.constant 0 : i32
        %dma_wait3A_25 = arith.constant 0 : i32
        %dma_wait3A_26 = tpu.memref_slice %arg3[%dma_wait3A_24, %dma_wait3A_25] : memref<10000x128xf32, #tpu.memory_space<hbm>> -> memref<10000x128xf32, #tpu.memory_space<hbm>>
        tpu.wait_indirect_dma semaphore(%arg12 : memref<!tpu.dma_semaphore, #tpu.memory_space<semaphore_mem>>) src(%dma_wait3A_26 : memref<10000x128xf32, #tpu.memory_space<hbm>>) dst(%arg11 : memref<128x128xf32, #tpu.memory_space<vmem>>)
        "tpu.region"() ({
          %run_scoped3A = tpu.sem_alloc : memref<!tpu.dma_semaphore, #tpu.memory_space<semaphore_mem>>
          %dma_start3A_27 = arith.constant 0 : i32
          %dma_start3A_28 = tpu.memref_slice %arg6[%mul3A_16, %dma_start3A_27] : memref<160000x256xf32, #tpu.memory_space<hbm>> -> memref<128x256xf32, #tpu.memory_space<hbm>>
          %dma_start3A_29 = arith.constant 0 : i32
          %dma_start3A_30 = tpu.memref_slice %arg6[%mul3A_16, %dma_start3A_29] : memref<160000x256xf32, #tpu.memory_space<hbm>> -> memref<128x256xf32, #tpu.memory_space<hbm>>
          tpu.enqueue_dma source(%arg10 : memref<128x256xf32, #tpu.memory_space<vmem>>) target(%dma_start3A_30 : memref<128x256xf32, #tpu.memory_space<hbm>>) target_semaphore(%run_scoped3A : memref<!tpu.dma_semaphore, #tpu.memory_space<semaphore_mem>>)
          %dma_wait3A_31 = arith.constant 0 : i32
          %dma_wait3A_32 = tpu.memref_slice %arg6[%mul3A_16, %dma_wait3A_31] : memref<160000x256xf32, #tpu.memory_space<hbm>> -> memref<128x256xf32, #tpu.memory_space<hbm>>
          %dma_wait3A_33 = arith.constant 0 : i32
          %dma_wait3A_34 = tpu.memref_slice %arg6[%mul3A_16, %dma_wait3A_33] : memref<160000x256xf32, #tpu.memory_space<hbm>> -> memref<128x256xf32, #tpu.memory_space<hbm>>
          tpu.wait_dma2 semaphore(%run_scoped3A : memref<!tpu.dma_semaphore, #tpu.memory_space<semaphore_mem>>) src(%arg10 : memref<128x256xf32, #tpu.memory_space<vmem>>) dst(%dma_wait3A_34 : memref<128x256xf32, #tpu.memory_space<hbm>>)
          tpu.yield
        }) : () -> ()
        "tpu.region"() ({
          %run_scoped3A = tpu.sem_alloc : memref<!tpu.dma_semaphore, #tpu.memory_space<semaphore_mem>>
          %dma_start3A_27 = arith.constant 0 : i32
          %dma_start3A_28 = tpu.memref_slice %arg7[%mul3A_16, %dma_start3A_27] : memref<160000x128xf32, #tpu.memory_space<hbm>> -> memref<128x128xf32, #tpu.memory_space<hbm>>
          %dma_start3A_29 = arith.constant 0 : i32
          %dma_start3A_30 = tpu.memref_slice %arg7[%mul3A_16, %dma_start3A_29] : memref<160000x128xf32, #tpu.memory_space<hbm>> -> memref<128x128xf32, #tpu.memory_space<hbm>>
          tpu.enqueue_dma source(%arg11 : memref<128x128xf32, #tpu.memory_space<vmem>>) target(%dma_start3A_30 : memref<128x128xf32, #tpu.memory_space<hbm>>) target_semaphore(%run_scoped3A : memref<!tpu.dma_semaphore, #tpu.memory_space<semaphore_mem>>)
          %dma_wait3A_31 = arith.constant 0 : i32
          %dma_wait3A_32 = tpu.memref_slice %arg7[%mul3A_16, %dma_wait3A_31] : memref<160000x128xf32, #tpu.memory_space<hbm>> -> memref<128x128xf32, #tpu.memory_space<hbm>>
          %dma_wait3A_33 = arith.constant 0 : i32
          %dma_wait3A_34 = tpu.memref_slice %arg7[%mul3A_16, %dma_wait3A_33] : memref<160000x128xf32, #tpu.memory_space<hbm>> -> memref<128x128xf32, #tpu.memory_space<hbm>>
          tpu.wait_dma2 semaphore(%run_scoped3A : memref<!tpu.dma_semaphore, #tpu.memory_space<semaphore_mem>>) src(%arg11 : memref<128x128xf32, #tpu.memory_space<vmem>>) dst(%dma_wait3A_34 : memref<128x128xf32, #tpu.memory_space<hbm>>)
          tpu.yield
        }) : () -> ()
      } else {
      }
    }
    %scan3A_4 = arith.constant 40 : i32
    return
  }
}

#map = affine_map<(d0, d1) -> (0, 0)>
#map1 = affine_map<(d0, d1) -> (0)>
#map2 = affine_map<(d0, d1) -> (0, 0, 0)>
module attributes {stable_mosaic.version = 14 : i64} {
  func.func @k(%arg0: i32, %arg1: i32, %arg2: memref<160000x128xf32, #tpu.memory_space<hbm>>, %arg3: memref<160000xi32, #tpu.memory_space<hbm>>, %arg4: memref<10000x128xf32, #tpu.memory_space<hbm>>, %arg5: memref<2x10000x128xf32, #tpu.memory_space<hbm>>, %arg6: memref<128xi32, #tpu.memory_space<vmem>>, %arg7: memref<128x128xf32, #tpu.memory_space<vmem>>, %arg8: memref<10000x128xf32, #tpu.memory_space<vmem_shared>>) attributes {dimension_semantics = [#tpu.dimension_semantics<core_parallel>, #tpu.dimension_semantics<subcore_parallel>], iteration_bounds = array<i64: 2, 16>, scalar_prefetch = 0 : i64, scratch_operands = 3 : i64, tpu.core_type = #tpu.core_type<sc_vector_subcore>, window_params = [{transform_indices = #map}, {transform_indices = #map1}, {transform_indices = #map}, {transform_indices = #map2}]} {
    %eq3A = arith.constant 0 : i32
    %eq3A_0 = arith.cmpi eq, %arg1, %eq3A : i32
    %convert_element_type3A = arith.extui %eq3A_0 : i1 to i32
    %cond3A = arith.constant 0 : i32
    %cond3A_1 = arith.cmpi ne, %convert_element_type3A, %cond3A : i32
    scf.if %cond3A_1 {
      "tpu.region"() ({
        %run_scoped3A = tpu.sem_alloc : memref<!tpu.dma_semaphore, #tpu.memory_space<semaphore_mem>>
        tpu.enqueue_dma source(%arg4 : memref<10000x128xf32, #tpu.memory_space<hbm>>) target(%arg8 : memref<10000x128xf32, #tpu.memory_space<vmem_shared>>) target_semaphore(%run_scoped3A : memref<!tpu.dma_semaphore, #tpu.memory_space<semaphore_mem>>)
        tpu.wait_dma2 semaphore(%run_scoped3A : memref<!tpu.dma_semaphore, #tpu.memory_space<semaphore_mem>>) src(%arg4 : memref<10000x128xf32, #tpu.memory_space<hbm>>) dst(%arg8 : memref<10000x128xf32, #tpu.memory_space<vmem_shared>>)
        tpu.yield
      }) : () -> ()
    } else {
    }
    %barrier3A = arith.constant 0 : index
    tpu.barrier barrier_id(%barrier3A)
    %scan3A = arith.constant 0 : i32
    %scan3A_2 = arith.constant 40 : i32
    %scan3A_3 = arith.addi %scan3A, %scan3A_2 : i32
    %scan3A_4 = arith.constant 1 : i32
    scf.for %scan3A_13 = %scan3A to %scan3A_3 step %scan3A_4  : i32 {
      %mul3A_14 = arith.constant 1 : i32
      %mul3A_15 = arith.muli %scan3A_13, %mul3A_14 : i32
      %add3A = arith.constant 0 : i32
      %add3A_16 = arith.addi %add3A, %mul3A_15 : i32
      %mul3A_17 = arith.constant 16 : i32
      %mul3A_18 = arith.muli %add3A_16, %mul3A_17 : i32
      %add3A_19 = arith.addi %mul3A_18, %arg1 : i32
      %lt3A = arith.constant 625 : i32
      %lt3A_20 = arith.cmpi slt, %add3A_19, %lt3A : i32
      %convert_element_type3A_21 = arith.extui %lt3A_20 : i1 to i32
      %cond3A_22 = arith.constant 0 : i32
      %cond3A_23 = arith.cmpi ne, %convert_element_type3A_21, %cond3A_22 : i32
      scf.if %cond3A_23 {
        %mul3A_24 = arith.constant 625 : i32
        %mul3A_25 = arith.muli %arg0, %mul3A_24 : i32
        %add3A_26 = arith.addi %mul3A_25, %add3A_19 : i32
        %mul3A_27 = arith.constant 128 : i32
        %mul3A_28 = arith.muli %add3A_26, %mul3A_27 : i32
        "tpu.region"() ({
          %run_scoped3A = tpu.sem_alloc : memref<!tpu.dma_semaphore, #tpu.memory_space<semaphore_mem>>
          %dma_start3A = tpu.memref_slice %arg3[%mul3A_28] : memref<160000xi32, #tpu.memory_space<hbm>> -> memref<128xi32, #tpu.memory_space<hbm>>
          %dma_start3A_29 = tpu.memref_slice %arg3[%mul3A_28] : memref<160000xi32, #tpu.memory_space<hbm>> -> memref<128xi32, #tpu.memory_space<hbm>>
          tpu.enqueue_dma source(%dma_start3A_29 : memref<128xi32, #tpu.memory_space<hbm>>) target(%arg6 : memref<128xi32, #tpu.memory_space<vmem>>) target_semaphore(%run_scoped3A : memref<!tpu.dma_semaphore, #tpu.memory_space<semaphore_mem>>)
          %dma_wait3A = tpu.memref_slice %arg3[%mul3A_28] : memref<160000xi32, #tpu.memory_space<hbm>> -> memref<128xi32, #tpu.memory_space<hbm>>
          %dma_wait3A_30 = tpu.memref_slice %arg3[%mul3A_28] : memref<160000xi32, #tpu.memory_space<hbm>> -> memref<128xi32, #tpu.memory_space<hbm>>
          tpu.wait_dma2 semaphore(%run_scoped3A : memref<!tpu.dma_semaphore, #tpu.memory_space<semaphore_mem>>) src(%dma_wait3A_30 : memref<128xi32, #tpu.memory_space<hbm>>) dst(%arg6 : memref<128xi32, #tpu.memory_space<vmem>>)
          tpu.yield
        }) : () -> ()
        "tpu.region"() ({
          %run_scoped3A = tpu.sem_alloc : memref<!tpu.dma_semaphore, #tpu.memory_space<semaphore_mem>>
          %dma_start3A = arith.constant 0 : i32
          %dma_start3A_29 = tpu.memref_slice %arg2[%mul3A_28, %dma_start3A] : memref<160000x128xf32, #tpu.memory_space<hbm>> -> memref<128x128xf32, #tpu.memory_space<hbm>>
          %dma_start3A_30 = arith.constant 0 : i32
          %dma_start3A_31 = tpu.memref_slice %arg2[%mul3A_28, %dma_start3A_30] : memref<160000x128xf32, #tpu.memory_space<hbm>> -> memref<128x128xf32, #tpu.memory_space<hbm>>
          tpu.enqueue_dma source(%dma_start3A_31 : memref<128x128xf32, #tpu.memory_space<hbm>>) target(%arg7 : memref<128x128xf32, #tpu.memory_space<vmem>>) target_semaphore(%run_scoped3A : memref<!tpu.dma_semaphore, #tpu.memory_space<semaphore_mem>>)
          %dma_wait3A = arith.constant 0 : i32
          %dma_wait3A_32 = tpu.memref_slice %arg2[%mul3A_28, %dma_wait3A] : memref<160000x128xf32, #tpu.memory_space<hbm>> -> memref<128x128xf32, #tpu.memory_space<hbm>>
          %dma_wait3A_33 = arith.constant 0 : i32
          %dma_wait3A_34 = tpu.memref_slice %arg2[%mul3A_28, %dma_wait3A_33] : memref<160000x128xf32, #tpu.memory_space<hbm>> -> memref<128x128xf32, #tpu.memory_space<hbm>>
          tpu.wait_dma2 semaphore(%run_scoped3A : memref<!tpu.dma_semaphore, #tpu.memory_space<semaphore_mem>>) src(%dma_wait3A_34 : memref<128x128xf32, #tpu.memory_space<hbm>>) dst(%arg7 : memref<128x128xf32, #tpu.memory_space<vmem>>)
          tpu.yield
        }) : () -> ()
        "tpu.region"() ({
          %run_scoped3A = tpu.sem_alloc : memref<!tpu.dma_semaphore, #tpu.memory_space<semaphore_mem>>
          %dma_start3A = arith.constant 0 : i32
          %dma_start3A_29 = arith.constant 0 : i32
          %dma_start3A_30 = tpu.memref_slice %arg8[%dma_start3A, %dma_start3A_29] : memref<10000x128xf32, #tpu.memory_space<vmem_shared>> -> memref<10000x128xf32, #tpu.memory_space<vmem_shared>>
          tpu.enqueue_indirect_dma source(%arg7 : memref<128x128xf32, #tpu.memory_space<vmem>>) target(%dma_start3A_30 : memref<10000x128xf32, #tpu.memory_space<vmem_shared>>) offsets(%arg6 : memref<128xi32, #tpu.memory_space<vmem>>) semaphore(%run_scoped3A : memref<!tpu.dma_semaphore, #tpu.memory_space<semaphore_mem>>) {add = true}
          %dma_wait3A = arith.constant 0 : i32
          %dma_wait3A_31 = arith.constant 0 : i32
          %dma_wait3A_32 = tpu.memref_slice %arg8[%dma_wait3A, %dma_wait3A_31] : memref<10000x128xf32, #tpu.memory_space<vmem_shared>> -> memref<10000x128xf32, #tpu.memory_space<vmem_shared>>
          tpu.wait_indirect_dma semaphore(%run_scoped3A : memref<!tpu.dma_semaphore, #tpu.memory_space<semaphore_mem>>) src(%arg7 : memref<128x128xf32, #tpu.memory_space<vmem>>) dst(%dma_wait3A_32 : memref<10000x128xf32, #tpu.memory_space<vmem_shared>>)
          tpu.yield
        }) : () -> ()
      } else {
      }
    }
    %scan3A_5 = arith.constant 40 : i32
    %barrier3A_6 = arith.constant 0 : index
    tpu.barrier barrier_id(%barrier3A_6)
    %mul3A = arith.constant 624 : i32
    %mul3A_7 = arith.muli %arg1, %mul3A : i32
    "tpu.region"() ({
      %run_scoped3A = tpu.sem_alloc : memref<!tpu.dma_semaphore, #tpu.memory_space<semaphore_mem>>
      %dma_start3A = arith.constant 0 : i32
      %dma_start3A_13 = tpu.memref_slice %arg5[%arg0, %mul3A_7, %dma_start3A] : memref<2x10000x128xf32, #tpu.memory_space<hbm>> -> memref<1x624x128xf32, #tpu.memory_space<hbm>>
      %dma_start3A_14 = tpu.memref_squeeze %dma_start3A_13 : memref<1x624x128xf32, #tpu.memory_space<hbm>> -> memref<624x128xf32, #tpu.memory_space<hbm>>
      %dma_start3A_15 = arith.constant 0 : i32
      %dma_start3A_16 = tpu.memref_slice %arg8[%mul3A_7, %dma_start3A_15] : memref<10000x128xf32, #tpu.memory_space<vmem_shared>> -> memref<624x128xf32, #tpu.memory_space<vmem_shared>>
      tpu.enqueue_dma source(%dma_start3A_16 : memref<624x128xf32, #tpu.memory_space<vmem_shared>>) target(%dma_start3A_14 : memref<624x128xf32, #tpu.memory_space<hbm>>) target_semaphore(%run_scoped3A : memref<!tpu.dma_semaphore, #tpu.memory_space<semaphore_mem>>)
      %dma_wait3A = arith.constant 0 : i32
      %dma_wait3A_17 = tpu.memref_slice %arg5[%arg0, %mul3A_7, %dma_wait3A] : memref<2x10000x128xf32, #tpu.memory_space<hbm>> -> memref<1x624x128xf32, #tpu.memory_space<hbm>>
      %dma_wait3A_18 = tpu.memref_squeeze %dma_wait3A_17 : memref<1x624x128xf32, #tpu.memory_space<hbm>> -> memref<624x128xf32, #tpu.memory_space<hbm>>
      %dma_wait3A_19 = arith.constant 0 : i32
      %dma_wait3A_20 = tpu.memref_slice %arg8[%mul3A_7, %dma_wait3A_19] : memref<10000x128xf32, #tpu.memory_space<vmem_shared>> -> memref<624x128xf32, #tpu.memory_space<vmem_shared>>
      tpu.wait_dma2 semaphore(%run_scoped3A : memref<!tpu.dma_semaphore, #tpu.memory_space<semaphore_mem>>) src(%dma_wait3A_20 : memref<624x128xf32, #tpu.memory_space<vmem_shared>>) dst(%dma_wait3A_18 : memref<624x128xf32, #tpu.memory_space<hbm>>)
      tpu.yield
    }) : () -> ()
    %eq3A_8 = arith.constant 0 : i32
    %eq3A_9 = arith.cmpi eq, %arg1, %eq3A_8 : i32
    %convert_element_type3A_10 = arith.extui %eq3A_9 : i1 to i32
    %cond3A_11 = arith.constant 0 : i32
    %cond3A_12 = arith.cmpi ne, %convert_element_type3A_10, %cond3A_11 : i32
    scf.if %cond3A_12 {
      "tpu.region"() ({
        %run_scoped3A = tpu.sem_alloc : memref<!tpu.dma_semaphore, #tpu.memory_space<semaphore_mem>>
        %dma_start3A = arith.constant 9984 : i32
        %dma_start3A_13 = arith.constant 0 : i32
        %dma_start3A_14 = tpu.memref_slice %arg5[%arg0, %dma_start3A, %dma_start3A_13] : memref<2x10000x128xf32, #tpu.memory_space<hbm>> -> memref<1x16x128xf32, #tpu.memory_space<hbm>>
        %dma_start3A_15 = tpu.memref_squeeze %dma_start3A_14 : memref<1x16x128xf32, #tpu.memory_space<hbm>> -> memref<16x128xf32, #tpu.memory_space<hbm>>
        %dma_start3A_16 = arith.constant 9984 : i32
        %dma_start3A_17 = arith.constant 0 : i32
        %dma_start3A_18 = tpu.memref_slice %arg8[%dma_start3A_16, %dma_start3A_17] : memref<10000x128xf32, #tpu.memory_space<vmem_shared>> -> memref<16x128xf32, #tpu.memory_space<vmem_shared>>
        tpu.enqueue_dma source(%dma_start3A_18 : memref<16x128xf32, #tpu.memory_space<vmem_shared>>) target(%dma_start3A_15 : memref<16x128xf32, #tpu.memory_space<hbm>>) target_semaphore(%run_scoped3A : memref<!tpu.dma_semaphore, #tpu.memory_space<semaphore_mem>>)
        %dma_wait3A = arith.constant 9984 : i32
        %dma_wait3A_19 = arith.constant 0 : i32
        %dma_wait3A_20 = tpu.memref_slice %arg5[%arg0, %dma_wait3A, %dma_wait3A_19] : memref<2x10000x128xf32, #tpu.memory_space<hbm>> -> memref<1x16x128xf32, #tpu.memory_space<hbm>>
        %dma_wait3A_21 = tpu.memref_squeeze %dma_wait3A_20 : memref<1x16x128xf32, #tpu.memory_space<hbm>> -> memref<16x128xf32, #tpu.memory_space<hbm>>
        %dma_wait3A_22 = arith.constant 9984 : i32
        %dma_wait3A_23 = arith.constant 0 : i32
        %dma_wait3A_24 = tpu.memref_slice %arg8[%dma_wait3A_22, %dma_wait3A_23] : memref<10000x128xf32, #tpu.memory_space<vmem_shared>> -> memref<16x128xf32, #tpu.memory_space<vmem_shared>>
        tpu.wait_dma2 semaphore(%run_scoped3A : memref<!tpu.dma_semaphore, #tpu.memory_space<semaphore_mem>>) src(%dma_wait3A_24 : memref<16x128xf32, #tpu.memory_space<vmem_shared>>) dst(%dma_wait3A_21 : memref<16x128xf32, #tpu.memory_space<hbm>>)
        tpu.yield
      }) : () -> ()
    } else {
    }
    return
  }
}

#map = affine_map<(d0, d1) -> (0, 0)>
#map1 = affine_map<(d0, d1) -> (0)>
#map2 = affine_map<(d0, d1) -> (0, 0, 0)>
module attributes {stable_mosaic.version = 14 : i64} {
  func.func @k(%arg0: i32, %arg1: i32, %arg2: memref<160000x128xf32, #tpu.memory_space<hbm>>, %arg3: memref<160000xi32, #tpu.memory_space<hbm>>, %arg4: memref<10000x128xf32, #tpu.memory_space<hbm>>, %arg5: memref<2x10000x128xf32, #tpu.memory_space<hbm>>, %arg6: memref<128xi32, #tpu.memory_space<vmem>>, %arg7: memref<128x128xf32, #tpu.memory_space<vmem>>, %arg8: memref<10000x128xf32, #tpu.memory_space<vmem_shared>>) attributes {dimension_semantics = [#tpu.dimension_semantics<core_parallel>, #tpu.dimension_semantics<subcore_parallel>], iteration_bounds = array<i64: 2, 16>, scalar_prefetch = 0 : i64, scratch_operands = 3 : i64, tpu.core_type = #tpu.core_type<sc_vector_subcore>, window_params = [{transform_indices = #map}, {transform_indices = #map1}, {transform_indices = #map}, {transform_indices = #map2}]} {
    %eq3A = arith.constant 0 : i32
    %eq3A_0 = arith.cmpi eq, %arg1, %eq3A : i32
    %convert_element_type3A = arith.extui %eq3A_0 : i1 to i32
    %cond3A = arith.constant 0 : i32
    %cond3A_1 = arith.cmpi ne, %convert_element_type3A, %cond3A : i32
    scf.if %cond3A_1 {
      "tpu.region"() ({
        %run_scoped3A = tpu.sem_alloc : memref<!tpu.dma_semaphore, #tpu.memory_space<semaphore_mem>>
        tpu.enqueue_dma source(%arg4 : memref<10000x128xf32, #tpu.memory_space<hbm>>) target(%arg8 : memref<10000x128xf32, #tpu.memory_space<vmem_shared>>) target_semaphore(%run_scoped3A : memref<!tpu.dma_semaphore, #tpu.memory_space<semaphore_mem>>)
        tpu.wait_dma2 semaphore(%run_scoped3A : memref<!tpu.dma_semaphore, #tpu.memory_space<semaphore_mem>>) src(%arg4 : memref<10000x128xf32, #tpu.memory_space<hbm>>) dst(%arg8 : memref<10000x128xf32, #tpu.memory_space<vmem_shared>>)
        tpu.yield
      }) : () -> ()
    } else {
    }
    %barrier3A = arith.constant 0 : index
    tpu.barrier barrier_id(%barrier3A)
    %scan3A = arith.constant 0 : i32
    %scan3A_2 = arith.constant 40 : i32
    %scan3A_3 = arith.addi %scan3A, %scan3A_2 : i32
    %scan3A_4 = arith.constant 1 : i32
    scf.for %scan3A_13 = %scan3A to %scan3A_3 step %scan3A_4  : i32 {
      %mul3A_14 = arith.constant 1 : i32
      %mul3A_15 = arith.muli %scan3A_13, %mul3A_14 : i32
      %add3A = arith.constant 0 : i32
      %add3A_16 = arith.addi %add3A, %mul3A_15 : i32
      %mul3A_17 = arith.constant 16 : i32
      %mul3A_18 = arith.muli %add3A_16, %mul3A_17 : i32
      %add3A_19 = arith.addi %mul3A_18, %arg1 : i32
      %lt3A = arith.constant 625 : i32
      %lt3A_20 = arith.cmpi slt, %add3A_19, %lt3A : i32
      %convert_element_type3A_21 = arith.extui %lt3A_20 : i1 to i32
      %cond3A_22 = arith.constant 0 : i32
      %cond3A_23 = arith.cmpi ne, %convert_element_type3A_21, %cond3A_22 : i32
      scf.if %cond3A_23 {
        %mul3A_24 = arith.constant 625 : i32
        %mul3A_25 = arith.muli %arg0, %mul3A_24 : i32
        %add3A_26 = arith.addi %mul3A_25, %add3A_19 : i32
        %mul3A_27 = arith.constant 128 : i32
        %mul3A_28 = arith.muli %add3A_26, %mul3A_27 : i32
        "tpu.region"() ({
          %run_scoped3A = tpu.sem_alloc : memref<!tpu.dma_semaphore, #tpu.memory_space<semaphore_mem>>
          %dma_start3A = tpu.memref_slice %arg3[%mul3A_28] : memref<160000xi32, #tpu.memory_space<hbm>> -> memref<128xi32, #tpu.memory_space<hbm>>
          %dma_start3A_29 = tpu.memref_slice %arg3[%mul3A_28] : memref<160000xi32, #tpu.memory_space<hbm>> -> memref<128xi32, #tpu.memory_space<hbm>>
          tpu.enqueue_dma source(%dma_start3A_29 : memref<128xi32, #tpu.memory_space<hbm>>) target(%arg6 : memref<128xi32, #tpu.memory_space<vmem>>) target_semaphore(%run_scoped3A : memref<!tpu.dma_semaphore, #tpu.memory_space<semaphore_mem>>)
          %dma_wait3A = tpu.memref_slice %arg3[%mul3A_28] : memref<160000xi32, #tpu.memory_space<hbm>> -> memref<128xi32, #tpu.memory_space<hbm>>
          %dma_wait3A_30 = tpu.memref_slice %arg3[%mul3A_28] : memref<160000xi32, #tpu.memory_space<hbm>> -> memref<128xi32, #tpu.memory_space<hbm>>
          tpu.wait_dma2 semaphore(%run_scoped3A : memref<!tpu.dma_semaphore, #tpu.memory_space<semaphore_mem>>) src(%dma_wait3A_30 : memref<128xi32, #tpu.memory_space<hbm>>) dst(%arg6 : memref<128xi32, #tpu.memory_space<vmem>>)
          tpu.yield
        }) : () -> ()
        "tpu.region"() ({
          %run_scoped3A = tpu.sem_alloc : memref<!tpu.dma_semaphore, #tpu.memory_space<semaphore_mem>>
          %dma_start3A = arith.constant 0 : i32
          %dma_start3A_29 = tpu.memref_slice %arg2[%mul3A_28, %dma_start3A] : memref<160000x128xf32, #tpu.memory_space<hbm>> -> memref<128x128xf32, #tpu.memory_space<hbm>>
          %dma_start3A_30 = arith.constant 0 : i32
          %dma_start3A_31 = tpu.memref_slice %arg2[%mul3A_28, %dma_start3A_30] : memref<160000x128xf32, #tpu.memory_space<hbm>> -> memref<128x128xf32, #tpu.memory_space<hbm>>
          tpu.enqueue_dma source(%dma_start3A_31 : memref<128x128xf32, #tpu.memory_space<hbm>>) target(%arg7 : memref<128x128xf32, #tpu.memory_space<vmem>>) target_semaphore(%run_scoped3A : memref<!tpu.dma_semaphore, #tpu.memory_space<semaphore_mem>>)
          %dma_wait3A = arith.constant 0 : i32
          %dma_wait3A_32 = tpu.memref_slice %arg2[%mul3A_28, %dma_wait3A] : memref<160000x128xf32, #tpu.memory_space<hbm>> -> memref<128x128xf32, #tpu.memory_space<hbm>>
          %dma_wait3A_33 = arith.constant 0 : i32
          %dma_wait3A_34 = tpu.memref_slice %arg2[%mul3A_28, %dma_wait3A_33] : memref<160000x128xf32, #tpu.memory_space<hbm>> -> memref<128x128xf32, #tpu.memory_space<hbm>>
          tpu.wait_dma2 semaphore(%run_scoped3A : memref<!tpu.dma_semaphore, #tpu.memory_space<semaphore_mem>>) src(%dma_wait3A_34 : memref<128x128xf32, #tpu.memory_space<hbm>>) dst(%arg7 : memref<128x128xf32, #tpu.memory_space<vmem>>)
          tpu.yield
        }) : () -> ()
        "tpu.region"() ({
          %run_scoped3A = tpu.sem_alloc : memref<!tpu.dma_semaphore, #tpu.memory_space<semaphore_mem>>
          %dma_start3A = arith.constant 0 : i32
          %dma_start3A_29 = arith.constant 0 : i32
          %dma_start3A_30 = tpu.memref_slice %arg8[%dma_start3A, %dma_start3A_29] : memref<10000x128xf32, #tpu.memory_space<vmem_shared>> -> memref<10000x128xf32, #tpu.memory_space<vmem_shared>>
          tpu.enqueue_indirect_dma source(%arg7 : memref<128x128xf32, #tpu.memory_space<vmem>>) target(%dma_start3A_30 : memref<10000x128xf32, #tpu.memory_space<vmem_shared>>) offsets(%arg6 : memref<128xi32, #tpu.memory_space<vmem>>) semaphore(%run_scoped3A : memref<!tpu.dma_semaphore, #tpu.memory_space<semaphore_mem>>) {add = true}
          %dma_wait3A = arith.constant 0 : i32
          %dma_wait3A_31 = arith.constant 0 : i32
          %dma_wait3A_32 = tpu.memref_slice %arg8[%dma_wait3A, %dma_wait3A_31] : memref<10000x128xf32, #tpu.memory_space<vmem_shared>> -> memref<10000x128xf32, #tpu.memory_space<vmem_shared>>
          tpu.wait_indirect_dma semaphore(%run_scoped3A : memref<!tpu.dma_semaphore, #tpu.memory_space<semaphore_mem>>) src(%arg7 : memref<128x128xf32, #tpu.memory_space<vmem>>) dst(%dma_wait3A_32 : memref<10000x128xf32, #tpu.memory_space<vmem_shared>>)
          tpu.yield
        }) : () -> ()
      } else {
      }
    }
    %scan3A_5 = arith.constant 40 : i32
    %barrier3A_6 = arith.constant 0 : index
    tpu.barrier barrier_id(%barrier3A_6)
    %mul3A = arith.constant 624 : i32
    %mul3A_7 = arith.muli %arg1, %mul3A : i32
    "tpu.region"() ({
      %run_scoped3A = tpu.sem_alloc : memref<!tpu.dma_semaphore, #tpu.memory_space<semaphore_mem>>
      %dma_start3A = arith.constant 0 : i32
      %dma_start3A_13 = tpu.memref_slice %arg5[%arg0, %mul3A_7, %dma_start3A] : memref<2x10000x128xf32, #tpu.memory_space<hbm>> -> memref<1x624x128xf32, #tpu.memory_space<hbm>>
      %dma_start3A_14 = tpu.memref_squeeze %dma_start3A_13 : memref<1x624x128xf32, #tpu.memory_space<hbm>> -> memref<624x128xf32, #tpu.memory_space<hbm>>
      %dma_start3A_15 = arith.constant 0 : i32
      %dma_start3A_16 = tpu.memref_slice %arg8[%mul3A_7, %dma_start3A_15] : memref<10000x128xf32, #tpu.memory_space<vmem_shared>> -> memref<624x128xf32, #tpu.memory_space<vmem_shared>>
      tpu.enqueue_dma source(%dma_start3A_16 : memref<624x128xf32, #tpu.memory_space<vmem_shared>>) target(%dma_start3A_14 : memref<624x128xf32, #tpu.memory_space<hbm>>) target_semaphore(%run_scoped3A : memref<!tpu.dma_semaphore, #tpu.memory_space<semaphore_mem>>)
      %dma_wait3A = arith.constant 0 : i32
      %dma_wait3A_17 = tpu.memref_slice %arg5[%arg0, %mul3A_7, %dma_wait3A] : memref<2x10000x128xf32, #tpu.memory_space<hbm>> -> memref<1x624x128xf32, #tpu.memory_space<hbm>>
      %dma_wait3A_18 = tpu.memref_squeeze %dma_wait3A_17 : memref<1x624x128xf32, #tpu.memory_space<hbm>> -> memref<624x128xf32, #tpu.memory_space<hbm>>
      %dma_wait3A_19 = arith.constant 0 : i32
      %dma_wait3A_20 = tpu.memref_slice %arg8[%mul3A_7, %dma_wait3A_19] : memref<10000x128xf32, #tpu.memory_space<vmem_shared>> -> memref<624x128xf32, #tpu.memory_space<vmem_shared>>
      tpu.wait_dma2 semaphore(%run_scoped3A : memref<!tpu.dma_semaphore, #tpu.memory_space<semaphore_mem>>) src(%dma_wait3A_20 : memref<624x128xf32, #tpu.memory_space<vmem_shared>>) dst(%dma_wait3A_18 : memref<624x128xf32, #tpu.memory_space<hbm>>)
      tpu.yield
    }) : () -> ()
    %eq3A_8 = arith.constant 0 : i32
    %eq3A_9 = arith.cmpi eq, %arg1, %eq3A_8 : i32
    %convert_element_type3A_10 = arith.extui %eq3A_9 : i1 to i32
    %cond3A_11 = arith.constant 0 : i32
    %cond3A_12 = arith.cmpi ne, %convert_element_type3A_10, %cond3A_11 : i32
    scf.if %cond3A_12 {
      "tpu.region"() ({
        %run_scoped3A = tpu.sem_alloc : memref<!tpu.dma_semaphore, #tpu.memory_space<semaphore_mem>>
        %dma_start3A = arith.constant 9984 : i32
        %dma_start3A_13 = arith.constant 0 : i32
        %dma_start3A_14 = tpu.memref_slice %arg5[%arg0, %dma_start3A, %dma_start3A_13] : memref<2x10000x128xf32, #tpu.memory_space<hbm>> -> memref<1x16x128xf32, #tpu.memory_space<hbm>>
        %dma_start3A_15 = tpu.memref_squeeze %dma_start3A_14 : memref<1x16x128xf32, #tpu.memory_space<hbm>> -> memref<16x128xf32, #tpu.memory_space<hbm>>
        %dma_start3A_16 = arith.constant 9984 : i32
        %dma_start3A_17 = arith.constant 0 : i32
        %dma_start3A_18 = tpu.memref_slice %arg8[%dma_start3A_16, %dma_start3A_17] : memref<10000x128xf32, #tpu.memory_space<vmem_shared>> -> memref<16x128xf32, #tpu.memory_space<vmem_shared>>
        tpu.enqueue_dma source(%dma_start3A_18 : memref<16x128xf32, #tpu.memory_space<vmem_shared>>) target(%dma_start3A_15 : memref<16x128xf32, #tpu.memory_space<hbm>>) target_semaphore(%run_scoped3A : memref<!tpu.dma_semaphore, #tpu.memory_space<semaphore_mem>>)
        %dma_wait3A = arith.constant 9984 : i32
        %dma_wait3A_19 = arith.constant 0 : i32
        %dma_wait3A_20 = tpu.memref_slice %arg5[%arg0, %dma_wait3A, %dma_wait3A_19] : memref<2x10000x128xf32, #tpu.memory_space<hbm>> -> memref<1x16x128xf32, #tpu.memory_space<hbm>>
        %dma_wait3A_21 = tpu.memref_squeeze %dma_wait3A_20 : memref<1x16x128xf32, #tpu.memory_space<hbm>> -> memref<16x128xf32, #tpu.memory_space<hbm>>
        %dma_wait3A_22 = arith.constant 9984 : i32
        %dma_wait3A_23 = arith.constant 0 : i32
        %dma_wait3A_24 = tpu.memref_slice %arg8[%dma_wait3A_22, %dma_wait3A_23] : memref<10000x128xf32, #tpu.memory_space<vmem_shared>> -> memref<16x128xf32, #tpu.memory_space<vmem_shared>>
        tpu.wait_dma2 semaphore(%run_scoped3A : memref<!tpu.dma_semaphore, #tpu.memory_space<semaphore_mem>>) src(%dma_wait3A_24 : memref<16x128xf32, #tpu.memory_space<vmem_shared>>) dst(%dma_wait3A_21 : memref<16x128xf32, #tpu.memory_space<hbm>>)
        tpu.yield
      }) : () -> ()
    } else {
    }
    return
  }
}

#map = affine_map<(d0, d1) -> (0, 0)>
#map1 = affine_map<(d0, d1) -> (0)>
module attributes {stable_mosaic.version = 14 : i64} {
  func.func @k(%arg0: i32, %arg1: i32, %arg2: memref<10000x256xf32, #tpu.memory_space<hbm>>, %arg3: memref<10000x128xf32, #tpu.memory_space<hbm>>, %arg4: memref<160000xi32, #tpu.memory_space<hbm>>, %arg5: memref<160000xi32, #tpu.memory_space<hbm>>, %arg6: memref<160000x256xf32, #tpu.memory_space<hbm>>, %arg7: memref<160000x128xf32, #tpu.memory_space<hbm>>, %arg8: memref<128xi32, #tpu.memory_space<vmem>>, %arg9: memref<128xi32, #tpu.memory_space<vmem>>, %arg10: memref<128x256xf32, #tpu.memory_space<vmem>>, %arg11: memref<128x128xf32, #tpu.memory_space<vmem>>, %arg12: memref<!tpu.dma_semaphore, #tpu.memory_space<semaphore_mem>>) attributes {dimension_semantics = [#tpu.dimension_semantics<core_parallel>, #tpu.dimension_semantics<subcore_parallel>], iteration_bounds = array<i64: 2, 16>, scalar_prefetch = 0 : i64, scratch_operands = 5 : i64, tpu.core_type = #tpu.core_type<sc_vector_subcore>, window_params = [{transform_indices = #map}, {transform_indices = #map}, {transform_indices = #map1}, {transform_indices = #map1}, {transform_indices = #map}, {transform_indices = #map}]} {
    %mul3A = arith.constant 16 : i32
    %mul3A_0 = arith.muli %arg0, %mul3A : i32
    %add3A = arith.addi %mul3A_0, %arg1 : i32
    %scan3A = arith.constant 0 : i32
    %scan3A_1 = arith.constant 40 : i32
    %scan3A_2 = arith.addi %scan3A, %scan3A_1 : i32
    %scan3A_3 = arith.constant 1 : i32
    scf.for %scan3A_5 = %scan3A to %scan3A_2 step %scan3A_3  : i32 {
      %mul3A_6 = arith.constant 1 : i32
      %mul3A_7 = arith.muli %scan3A_5, %mul3A_6 : i32
      %add3A_8 = arith.constant 0 : i32
      %add3A_9 = arith.addi %add3A_8, %mul3A_7 : i32
      %mul3A_10 = arith.constant 32 : i32
      %mul3A_11 = arith.muli %add3A_9, %mul3A_10 : i32
      %add3A_12 = arith.addi %mul3A_11, %add3A : i32
      %lt3A = arith.constant 1250 : i32
      %lt3A_13 = arith.cmpi slt, %add3A_12, %lt3A : i32
      %convert_element_type3A = arith.extui %lt3A_13 : i1 to i32
      %cond3A = arith.constant 0 : i32
      %cond3A_14 = arith.cmpi ne, %convert_element_type3A, %cond3A : i32
      scf.if %cond3A_14 {
        %mul3A_15 = arith.constant 128 : i32
        %mul3A_16 = arith.muli %add3A_12, %mul3A_15 : i32
        "tpu.region"() ({
          %run_scoped3A = tpu.sem_alloc : memref<!tpu.dma_semaphore, #tpu.memory_space<semaphore_mem>>
          %dma_start3A_27 = tpu.memref_slice %arg4[%mul3A_16] : memref<160000xi32, #tpu.memory_space<hbm>> -> memref<128xi32, #tpu.memory_space<hbm>>
          %dma_start3A_28 = tpu.memref_slice %arg4[%mul3A_16] : memref<160000xi32, #tpu.memory_space<hbm>> -> memref<128xi32, #tpu.memory_space<hbm>>
          tpu.enqueue_dma source(%dma_start3A_28 : memref<128xi32, #tpu.memory_space<hbm>>) target(%arg8 : memref<128xi32, #tpu.memory_space<vmem>>) target_semaphore(%run_scoped3A : memref<!tpu.dma_semaphore, #tpu.memory_space<semaphore_mem>>)
          %dma_wait3A_29 = tpu.memref_slice %arg4[%mul3A_16] : memref<160000xi32, #tpu.memory_space<hbm>> -> memref<128xi32, #tpu.memory_space<hbm>>
          %dma_wait3A_30 = tpu.memref_slice %arg4[%mul3A_16] : memref<160000xi32, #tpu.memory_space<hbm>> -> memref<128xi32, #tpu.memory_space<hbm>>
          tpu.wait_dma2 semaphore(%run_scoped3A : memref<!tpu.dma_semaphore, #tpu.memory_space<semaphore_mem>>) src(%dma_wait3A_30 : memref<128xi32, #tpu.memory_space<hbm>>) dst(%arg8 : memref<128xi32, #tpu.memory_space<vmem>>)
          tpu.yield
        }) : () -> ()
        "tpu.region"() ({
          %run_scoped3A = tpu.sem_alloc : memref<!tpu.dma_semaphore, #tpu.memory_space<semaphore_mem>>
          %dma_start3A_27 = tpu.memref_slice %arg5[%mul3A_16] : memref<160000xi32, #tpu.memory_space<hbm>> -> memref<128xi32, #tpu.memory_space<hbm>>
          %dma_start3A_28 = tpu.memref_slice %arg5[%mul3A_16] : memref<160000xi32, #tpu.memory_space<hbm>> -> memref<128xi32, #tpu.memory_space<hbm>>
          tpu.enqueue_dma source(%dma_start3A_28 : memref<128xi32, #tpu.memory_space<hbm>>) target(%arg9 : memref<128xi32, #tpu.memory_space<vmem>>) target_semaphore(%run_scoped3A : memref<!tpu.dma_semaphore, #tpu.memory_space<semaphore_mem>>)
          %dma_wait3A_29 = tpu.memref_slice %arg5[%mul3A_16] : memref<160000xi32, #tpu.memory_space<hbm>> -> memref<128xi32, #tpu.memory_space<hbm>>
          %dma_wait3A_30 = tpu.memref_slice %arg5[%mul3A_16] : memref<160000xi32, #tpu.memory_space<hbm>> -> memref<128xi32, #tpu.memory_space<hbm>>
          tpu.wait_dma2 semaphore(%run_scoped3A : memref<!tpu.dma_semaphore, #tpu.memory_space<semaphore_mem>>) src(%dma_wait3A_30 : memref<128xi32, #tpu.memory_space<hbm>>) dst(%arg9 : memref<128xi32, #tpu.memory_space<vmem>>)
          tpu.yield
        }) : () -> ()
        %dma_start3A = arith.constant 0 : i32
        %dma_start3A_17 = arith.constant 0 : i32
        %dma_start3A_18 = tpu.memref_slice %arg2[%dma_start3A, %dma_start3A_17] : memref<10000x256xf32, #tpu.memory_space<hbm>> -> memref<10000x256xf32, #tpu.memory_space<hbm>>
        tpu.enqueue_indirect_dma source(%dma_start3A_18 : memref<10000x256xf32, #tpu.memory_space<hbm>>) target(%arg10 : memref<128x256xf32, #tpu.memory_space<vmem>>) offsets(%arg8 : memref<128xi32, #tpu.memory_space<vmem>>) semaphore(%arg12 : memref<!tpu.dma_semaphore, #tpu.memory_space<semaphore_mem>>)
        %dma_start3A_19 = arith.constant 0 : i32
        %dma_start3A_20 = arith.constant 0 : i32
        %dma_start3A_21 = tpu.memref_slice %arg3[%dma_start3A_19, %dma_start3A_20] : memref<10000x128xf32, #tpu.memory_space<hbm>> -> memref<10000x128xf32, #tpu.memory_space<hbm>>
        tpu.enqueue_indirect_dma source(%dma_start3A_21 : memref<10000x128xf32, #tpu.memory_space<hbm>>) target(%arg11 : memref<128x128xf32, #tpu.memory_space<vmem>>) offsets(%arg9 : memref<128xi32, #tpu.memory_space<vmem>>) semaphore(%arg12 : memref<!tpu.dma_semaphore, #tpu.memory_space<semaphore_mem>>)
        %dma_wait3A = arith.constant 0 : i32
        %dma_wait3A_22 = arith.constant 0 : i32
        %dma_wait3A_23 = tpu.memref_slice %arg2[%dma_wait3A, %dma_wait3A_22] : memref<10000x256xf32, #tpu.memory_space<hbm>> -> memref<10000x256xf32, #tpu.memory_space<hbm>>
        tpu.wait_indirect_dma semaphore(%arg12 : memref<!tpu.dma_semaphore, #tpu.memory_space<semaphore_mem>>) src(%dma_wait3A_23 : memref<10000x256xf32, #tpu.memory_space<hbm>>) dst(%arg10 : memref<128x256xf32, #tpu.memory_space<vmem>>)
        %dma_wait3A_24 = arith.constant 0 : i32
        %dma_wait3A_25 = arith.constant 0 : i32
        %dma_wait3A_26 = tpu.memref_slice %arg3[%dma_wait3A_24, %dma_wait3A_25] : memref<10000x128xf32, #tpu.memory_space<hbm>> -> memref<10000x128xf32, #tpu.memory_space<hbm>>
        tpu.wait_indirect_dma semaphore(%arg12 : memref<!tpu.dma_semaphore, #tpu.memory_space<semaphore_mem>>) src(%dma_wait3A_26 : memref<10000x128xf32, #tpu.memory_space<hbm>>) dst(%arg11 : memref<128x128xf32, #tpu.memory_space<vmem>>)
        "tpu.region"() ({
          %run_scoped3A = tpu.sem_alloc : memref<!tpu.dma_semaphore, #tpu.memory_space<semaphore_mem>>
          %dma_start3A_27 = arith.constant 0 : i32
          %dma_start3A_28 = tpu.memref_slice %arg6[%mul3A_16, %dma_start3A_27] : memref<160000x256xf32, #tpu.memory_space<hbm>> -> memref<128x256xf32, #tpu.memory_space<hbm>>
          %dma_start3A_29 = arith.constant 0 : i32
          %dma_start3A_30 = tpu.memref_slice %arg6[%mul3A_16, %dma_start3A_29] : memref<160000x256xf32, #tpu.memory_space<hbm>> -> memref<128x256xf32, #tpu.memory_space<hbm>>
          tpu.enqueue_dma source(%arg10 : memref<128x256xf32, #tpu.memory_space<vmem>>) target(%dma_start3A_30 : memref<128x256xf32, #tpu.memory_space<hbm>>) target_semaphore(%run_scoped3A : memref<!tpu.dma_semaphore, #tpu.memory_space<semaphore_mem>>)
          %dma_wait3A_31 = arith.constant 0 : i32
          %dma_wait3A_32 = tpu.memref_slice %arg6[%mul3A_16, %dma_wait3A_31] : memref<160000x256xf32, #tpu.memory_space<hbm>> -> memref<128x256xf32, #tpu.memory_space<hbm>>
          %dma_wait3A_33 = arith.constant 0 : i32
          %dma_wait3A_34 = tpu.memref_slice %arg6[%mul3A_16, %dma_wait3A_33] : memref<160000x256xf32, #tpu.memory_space<hbm>> -> memref<128x256xf32, #tpu.memory_space<hbm>>
          tpu.wait_dma2 semaphore(%run_scoped3A : memref<!tpu.dma_semaphore, #tpu.memory_space<semaphore_mem>>) src(%arg10 : memref<128x256xf32, #tpu.memory_space<vmem>>) dst(%dma_wait3A_34 : memref<128x256xf32, #tpu.memory_space<hbm>>)
          tpu.yield
        }) : () -> ()
        "tpu.region"() ({
          %run_scoped3A = tpu.sem_alloc : memref<!tpu.dma_semaphore, #tpu.memory_space<semaphore_mem>>
          %dma_start3A_27 = arith.constant 0 : i32
          %dma_start3A_28 = tpu.memref_slice %arg7[%mul3A_16, %dma_start3A_27] : memref<160000x128xf32, #tpu.memory_space<hbm>> -> memref<128x128xf32, #tpu.memory_space<hbm>>
          %dma_start3A_29 = arith.constant 0 : i32
          %dma_start3A_30 = tpu.memref_slice %arg7[%mul3A_16, %dma_start3A_29] : memref<160000x128xf32, #tpu.memory_space<hbm>> -> memref<128x128xf32, #tpu.memory_space<hbm>>
          tpu.enqueue_dma source(%arg11 : memref<128x128xf32, #tpu.memory_space<vmem>>) target(%dma_start3A_30 : memref<128x128xf32, #tpu.memory_space<hbm>>) target_semaphore(%run_scoped3A : memref<!tpu.dma_semaphore, #tpu.memory_space<semaphore_mem>>)
          %dma_wait3A_31 = arith.constant 0 : i32
          %dma_wait3A_32 = tpu.memref_slice %arg7[%mul3A_16, %dma_wait3A_31] : memref<160000x128xf32, #tpu.memory_space<hbm>> -> memref<128x128xf32, #tpu.memory_space<hbm>>
          %dma_wait3A_33 = arith.constant 0 : i32
          %dma_wait3A_34 = tpu.memref_slice %arg7[%mul3A_16, %dma_wait3A_33] : memref<160000x128xf32, #tpu.memory_space<hbm>> -> memref<128x128xf32, #tpu.memory_space<hbm>>
          tpu.wait_dma2 semaphore(%run_scoped3A : memref<!tpu.dma_semaphore, #tpu.memory_space<semaphore_mem>>) src(%arg11 : memref<128x128xf32, #tpu.memory_space<vmem>>) dst(%dma_wait3A_34 : memref<128x128xf32, #tpu.memory_space<hbm>>)
          tpu.yield
        }) : () -> ()
      } else {
      }
    }
    %scan3A_4 = arith.constant 40 : i32
    return
  }
}

#map = affine_map<(d0, d1) -> (0, 0)>
#map1 = affine_map<(d0, d1) -> (0)>
module attributes {stable_mosaic.version = 14 : i64} {
  func.func @k(%arg0: i32, %arg1: i32, %arg2: memref<10000x256xf32, #tpu.memory_space<hbm>>, %arg3: memref<10000x128xf32, #tpu.memory_space<hbm>>, %arg4: memref<160000xi32, #tpu.memory_space<hbm>>, %arg5: memref<160000xi32, #tpu.memory_space<hbm>>, %arg6: memref<160000x256xf32, #tpu.memory_space<hbm>>, %arg7: memref<160000x128xf32, #tpu.memory_space<hbm>>, %arg8: memref<128xi32, #tpu.memory_space<vmem>>, %arg9: memref<128xi32, #tpu.memory_space<vmem>>, %arg10: memref<128x256xf32, #tpu.memory_space<vmem>>, %arg11: memref<128x128xf32, #tpu.memory_space<vmem>>, %arg12: memref<!tpu.dma_semaphore, #tpu.memory_space<semaphore_mem>>) attributes {dimension_semantics = [#tpu.dimension_semantics<core_parallel>, #tpu.dimension_semantics<subcore_parallel>], iteration_bounds = array<i64: 2, 16>, scalar_prefetch = 0 : i64, scratch_operands = 5 : i64, tpu.core_type = #tpu.core_type<sc_vector_subcore>, window_params = [{transform_indices = #map}, {transform_indices = #map}, {transform_indices = #map1}, {transform_indices = #map1}, {transform_indices = #map}, {transform_indices = #map}]} {
    %mul3A = arith.constant 16 : i32
    %mul3A_0 = arith.muli %arg0, %mul3A : i32
    %add3A = arith.addi %mul3A_0, %arg1 : i32
    %scan3A = arith.constant 0 : i32
    %scan3A_1 = arith.constant 40 : i32
    %scan3A_2 = arith.addi %scan3A, %scan3A_1 : i32
    %scan3A_3 = arith.constant 1 : i32
    scf.for %scan3A_5 = %scan3A to %scan3A_2 step %scan3A_3  : i32 {
      %mul3A_6 = arith.constant 1 : i32
      %mul3A_7 = arith.muli %scan3A_5, %mul3A_6 : i32
      %add3A_8 = arith.constant 0 : i32
      %add3A_9 = arith.addi %add3A_8, %mul3A_7 : i32
      %mul3A_10 = arith.constant 32 : i32
      %mul3A_11 = arith.muli %add3A_9, %mul3A_10 : i32
      %add3A_12 = arith.addi %mul3A_11, %add3A : i32
      %lt3A = arith.constant 1250 : i32
      %lt3A_13 = arith.cmpi slt, %add3A_12, %lt3A : i32
      %convert_element_type3A = arith.extui %lt3A_13 : i1 to i32
      %cond3A = arith.constant 0 : i32
      %cond3A_14 = arith.cmpi ne, %convert_element_type3A, %cond3A : i32
      scf.if %cond3A_14 {
        %mul3A_15 = arith.constant 128 : i32
        %mul3A_16 = arith.muli %add3A_12, %mul3A_15 : i32
        "tpu.region"() ({
          %run_scoped3A = tpu.sem_alloc : memref<!tpu.dma_semaphore, #tpu.memory_space<semaphore_mem>>
          %dma_start3A_27 = tpu.memref_slice %arg4[%mul3A_16] : memref<160000xi32, #tpu.memory_space<hbm>> -> memref<128xi32, #tpu.memory_space<hbm>>
          %dma_start3A_28 = tpu.memref_slice %arg4[%mul3A_16] : memref<160000xi32, #tpu.memory_space<hbm>> -> memref<128xi32, #tpu.memory_space<hbm>>
          tpu.enqueue_dma source(%dma_start3A_28 : memref<128xi32, #tpu.memory_space<hbm>>) target(%arg8 : memref<128xi32, #tpu.memory_space<vmem>>) target_semaphore(%run_scoped3A : memref<!tpu.dma_semaphore, #tpu.memory_space<semaphore_mem>>)
          %dma_wait3A_29 = tpu.memref_slice %arg4[%mul3A_16] : memref<160000xi32, #tpu.memory_space<hbm>> -> memref<128xi32, #tpu.memory_space<hbm>>
          %dma_wait3A_30 = tpu.memref_slice %arg4[%mul3A_16] : memref<160000xi32, #tpu.memory_space<hbm>> -> memref<128xi32, #tpu.memory_space<hbm>>
          tpu.wait_dma2 semaphore(%run_scoped3A : memref<!tpu.dma_semaphore, #tpu.memory_space<semaphore_mem>>) src(%dma_wait3A_30 : memref<128xi32, #tpu.memory_space<hbm>>) dst(%arg8 : memref<128xi32, #tpu.memory_space<vmem>>)
          tpu.yield
        }) : () -> ()
        "tpu.region"() ({
          %run_scoped3A = tpu.sem_alloc : memref<!tpu.dma_semaphore, #tpu.memory_space<semaphore_mem>>
          %dma_start3A_27 = tpu.memref_slice %arg5[%mul3A_16] : memref<160000xi32, #tpu.memory_space<hbm>> -> memref<128xi32, #tpu.memory_space<hbm>>
          %dma_start3A_28 = tpu.memref_slice %arg5[%mul3A_16] : memref<160000xi32, #tpu.memory_space<hbm>> -> memref<128xi32, #tpu.memory_space<hbm>>
          tpu.enqueue_dma source(%dma_start3A_28 : memref<128xi32, #tpu.memory_space<hbm>>) target(%arg9 : memref<128xi32, #tpu.memory_space<vmem>>) target_semaphore(%run_scoped3A : memref<!tpu.dma_semaphore, #tpu.memory_space<semaphore_mem>>)
          %dma_wait3A_29 = tpu.memref_slice %arg5[%mul3A_16] : memref<160000xi32, #tpu.memory_space<hbm>> -> memref<128xi32, #tpu.memory_space<hbm>>
          %dma_wait3A_30 = tpu.memref_slice %arg5[%mul3A_16] : memref<160000xi32, #tpu.memory_space<hbm>> -> memref<128xi32, #tpu.memory_space<hbm>>
          tpu.wait_dma2 semaphore(%run_scoped3A : memref<!tpu.dma_semaphore, #tpu.memory_space<semaphore_mem>>) src(%dma_wait3A_30 : memref<128xi32, #tpu.memory_space<hbm>>) dst(%arg9 : memref<128xi32, #tpu.memory_space<vmem>>)
          tpu.yield
        }) : () -> ()
        %dma_start3A = arith.constant 0 : i32
        %dma_start3A_17 = arith.constant 0 : i32
        %dma_start3A_18 = tpu.memref_slice %arg2[%dma_start3A, %dma_start3A_17] : memref<10000x256xf32, #tpu.memory_space<hbm>> -> memref<10000x256xf32, #tpu.memory_space<hbm>>
        tpu.enqueue_indirect_dma source(%dma_start3A_18 : memref<10000x256xf32, #tpu.memory_space<hbm>>) target(%arg10 : memref<128x256xf32, #tpu.memory_space<vmem>>) offsets(%arg8 : memref<128xi32, #tpu.memory_space<vmem>>) semaphore(%arg12 : memref<!tpu.dma_semaphore, #tpu.memory_space<semaphore_mem>>)
        %dma_start3A_19 = arith.constant 0 : i32
        %dma_start3A_20 = arith.constant 0 : i32
        %dma_start3A_21 = tpu.memref_slice %arg3[%dma_start3A_19, %dma_start3A_20] : memref<10000x128xf32, #tpu.memory_space<hbm>> -> memref<10000x128xf32, #tpu.memory_space<hbm>>
        tpu.enqueue_indirect_dma source(%dma_start3A_21 : memref<10000x128xf32, #tpu.memory_space<hbm>>) target(%arg11 : memref<128x128xf32, #tpu.memory_space<vmem>>) offsets(%arg9 : memref<128xi32, #tpu.memory_space<vmem>>) semaphore(%arg12 : memref<!tpu.dma_semaphore, #tpu.memory_space<semaphore_mem>>)
        %dma_wait3A = arith.constant 0 : i32
        %dma_wait3A_22 = arith.constant 0 : i32
        %dma_wait3A_23 = tpu.memref_slice %arg2[%dma_wait3A, %dma_wait3A_22] : memref<10000x256xf32, #tpu.memory_space<hbm>> -> memref<10000x256xf32, #tpu.memory_space<hbm>>
        tpu.wait_indirect_dma semaphore(%arg12 : memref<!tpu.dma_semaphore, #tpu.memory_space<semaphore_mem>>) src(%dma_wait3A_23 : memref<10000x256xf32, #tpu.memory_space<hbm>>) dst(%arg10 : memref<128x256xf32, #tpu.memory_space<vmem>>)
        %dma_wait3A_24 = arith.constant 0 : i32
        %dma_wait3A_25 = arith.constant 0 : i32
        %dma_wait3A_26 = tpu.memref_slice %arg3[%dma_wait3A_24, %dma_wait3A_25] : memref<10000x128xf32, #tpu.memory_space<hbm>> -> memref<10000x128xf32, #tpu.memory_space<hbm>>
        tpu.wait_indirect_dma semaphore(%arg12 : memref<!tpu.dma_semaphore, #tpu.memory_space<semaphore_mem>>) src(%dma_wait3A_26 : memref<10000x128xf32, #tpu.memory_space<hbm>>) dst(%arg11 : memref<128x128xf32, #tpu.memory_space<vmem>>)
        "tpu.region"() ({
          %run_scoped3A = tpu.sem_alloc : memref<!tpu.dma_semaphore, #tpu.memory_space<semaphore_mem>>
          %dma_start3A_27 = arith.constant 0 : i32
          %dma_start3A_28 = tpu.memref_slice %arg6[%mul3A_16, %dma_start3A_27] : memref<160000x256xf32, #tpu.memory_space<hbm>> -> memref<128x256xf32, #tpu.memory_space<hbm>>
          %dma_start3A_29 = arith.constant 0 : i32
          %dma_start3A_30 = tpu.memref_slice %arg6[%mul3A_16, %dma_start3A_29] : memref<160000x256xf32, #tpu.memory_space<hbm>> -> memref<128x256xf32, #tpu.memory_space<hbm>>
          tpu.enqueue_dma source(%arg10 : memref<128x256xf32, #tpu.memory_space<vmem>>) target(%dma_start3A_30 : memref<128x256xf32, #tpu.memory_space<hbm>>) target_semaphore(%run_scoped3A : memref<!tpu.dma_semaphore, #tpu.memory_space<semaphore_mem>>)
          %dma_wait3A_31 = arith.constant 0 : i32
          %dma_wait3A_32 = tpu.memref_slice %arg6[%mul3A_16, %dma_wait3A_31] : memref<160000x256xf32, #tpu.memory_space<hbm>> -> memref<128x256xf32, #tpu.memory_space<hbm>>
          %dma_wait3A_33 = arith.constant 0 : i32
          %dma_wait3A_34 = tpu.memref_slice %arg6[%mul3A_16, %dma_wait3A_33] : memref<160000x256xf32, #tpu.memory_space<hbm>> -> memref<128x256xf32, #tpu.memory_space<hbm>>
          tpu.wait_dma2 semaphore(%run_scoped3A : memref<!tpu.dma_semaphore, #tpu.memory_space<semaphore_mem>>) src(%arg10 : memref<128x256xf32, #tpu.memory_space<vmem>>) dst(%dma_wait3A_34 : memref<128x256xf32, #tpu.memory_space<hbm>>)
          tpu.yield
        }) : () -> ()
        "tpu.region"() ({
          %run_scoped3A = tpu.sem_alloc : memref<!tpu.dma_semaphore, #tpu.memory_space<semaphore_mem>>
          %dma_start3A_27 = arith.constant 0 : i32
          %dma_start3A_28 = tpu.memref_slice %arg7[%mul3A_16, %dma_start3A_27] : memref<160000x128xf32, #tpu.memory_space<hbm>> -> memref<128x128xf32, #tpu.memory_space<hbm>>
          %dma_start3A_29 = arith.constant 0 : i32
          %dma_start3A_30 = tpu.memref_slice %arg7[%mul3A_16, %dma_start3A_29] : memref<160000x128xf32, #tpu.memory_space<hbm>> -> memref<128x128xf32, #tpu.memory_space<hbm>>
          tpu.enqueue_dma source(%arg11 : memref<128x128xf32, #tpu.memory_space<vmem>>) target(%dma_start3A_30 : memref<128x128xf32, #tpu.memory_space<hbm>>) target_semaphore(%run_scoped3A : memref<!tpu.dma_semaphore, #tpu.memory_space<semaphore_mem>>)
          %dma_wait3A_31 = arith.constant 0 : i32
          %dma_wait3A_32 = tpu.memref_slice %arg7[%mul3A_16, %dma_wait3A_31] : memref<160000x128xf32, #tpu.memory_space<hbm>> -> memref<128x128xf32, #tpu.memory_space<hbm>>
          %dma_wait3A_33 = arith.constant 0 : i32
          %dma_wait3A_34 = tpu.memref_slice %arg7[%mul3A_16, %dma_wait3A_33] : memref<160000x128xf32, #tpu.memory_space<hbm>> -> memref<128x128xf32, #tpu.memory_space<hbm>>
          tpu.wait_dma2 semaphore(%run_scoped3A : memref<!tpu.dma_semaphore, #tpu.memory_space<semaphore_mem>>) src(%arg11 : memref<128x128xf32, #tpu.memory_space<vmem>>) dst(%dma_wait3A_34 : memref<128x128xf32, #tpu.memory_space<hbm>>)
          tpu.yield
        }) : () -> ()
      } else {
      }
    }
    %scan3A_4 = arith.constant 40 : i32
    return
  }
}

#map = affine_map<(d0, d1) -> (0, 0)>
#map1 = affine_map<(d0, d1) -> (0)>
#map2 = affine_map<(d0, d1) -> (0, 0, 0)>
module attributes {stable_mosaic.version = 14 : i64} {
  func.func @k(%arg0: i32, %arg1: i32, %arg2: memref<160000x128xf32, #tpu.memory_space<hbm>>, %arg3: memref<160000xi32, #tpu.memory_space<hbm>>, %arg4: memref<10000x128xf32, #tpu.memory_space<hbm>>, %arg5: memref<2x10000x128xf32, #tpu.memory_space<hbm>>, %arg6: memref<128xi32, #tpu.memory_space<vmem>>, %arg7: memref<128x128xf32, #tpu.memory_space<vmem>>, %arg8: memref<10000x128xf32, #tpu.memory_space<vmem_shared>>) attributes {dimension_semantics = [#tpu.dimension_semantics<core_parallel>, #tpu.dimension_semantics<subcore_parallel>], iteration_bounds = array<i64: 2, 16>, scalar_prefetch = 0 : i64, scratch_operands = 3 : i64, tpu.core_type = #tpu.core_type<sc_vector_subcore>, window_params = [{transform_indices = #map}, {transform_indices = #map1}, {transform_indices = #map}, {transform_indices = #map2}]} {
    %eq3A = arith.constant 0 : i32
    %eq3A_0 = arith.cmpi eq, %arg1, %eq3A : i32
    %convert_element_type3A = arith.extui %eq3A_0 : i1 to i32
    %cond3A = arith.constant 0 : i32
    %cond3A_1 = arith.cmpi ne, %convert_element_type3A, %cond3A : i32
    scf.if %cond3A_1 {
      "tpu.region"() ({
        %run_scoped3A = tpu.sem_alloc : memref<!tpu.dma_semaphore, #tpu.memory_space<semaphore_mem>>
        tpu.enqueue_dma source(%arg4 : memref<10000x128xf32, #tpu.memory_space<hbm>>) target(%arg8 : memref<10000x128xf32, #tpu.memory_space<vmem_shared>>) target_semaphore(%run_scoped3A : memref<!tpu.dma_semaphore, #tpu.memory_space<semaphore_mem>>)
        tpu.wait_dma2 semaphore(%run_scoped3A : memref<!tpu.dma_semaphore, #tpu.memory_space<semaphore_mem>>) src(%arg4 : memref<10000x128xf32, #tpu.memory_space<hbm>>) dst(%arg8 : memref<10000x128xf32, #tpu.memory_space<vmem_shared>>)
        tpu.yield
      }) : () -> ()
    } else {
    }
    %barrier3A = arith.constant 0 : index
    tpu.barrier barrier_id(%barrier3A)
    %scan3A = arith.constant 0 : i32
    %scan3A_2 = arith.constant 40 : i32
    %scan3A_3 = arith.addi %scan3A, %scan3A_2 : i32
    %scan3A_4 = arith.constant 1 : i32
    scf.for %scan3A_13 = %scan3A to %scan3A_3 step %scan3A_4  : i32 {
      %mul3A_14 = arith.constant 1 : i32
      %mul3A_15 = arith.muli %scan3A_13, %mul3A_14 : i32
      %add3A = arith.constant 0 : i32
      %add3A_16 = arith.addi %add3A, %mul3A_15 : i32
      %mul3A_17 = arith.constant 16 : i32
      %mul3A_18 = arith.muli %add3A_16, %mul3A_17 : i32
      %add3A_19 = arith.addi %mul3A_18, %arg1 : i32
      %lt3A = arith.constant 625 : i32
      %lt3A_20 = arith.cmpi slt, %add3A_19, %lt3A : i32
      %convert_element_type3A_21 = arith.extui %lt3A_20 : i1 to i32
      %cond3A_22 = arith.constant 0 : i32
      %cond3A_23 = arith.cmpi ne, %convert_element_type3A_21, %cond3A_22 : i32
      scf.if %cond3A_23 {
        %mul3A_24 = arith.constant 625 : i32
        %mul3A_25 = arith.muli %arg0, %mul3A_24 : i32
        %add3A_26 = arith.addi %mul3A_25, %add3A_19 : i32
        %mul3A_27 = arith.constant 128 : i32
        %mul3A_28 = arith.muli %add3A_26, %mul3A_27 : i32
        "tpu.region"() ({
          %run_scoped3A = tpu.sem_alloc : memref<!tpu.dma_semaphore, #tpu.memory_space<semaphore_mem>>
          %dma_start3A = tpu.memref_slice %arg3[%mul3A_28] : memref<160000xi32, #tpu.memory_space<hbm>> -> memref<128xi32, #tpu.memory_space<hbm>>
          %dma_start3A_29 = tpu.memref_slice %arg3[%mul3A_28] : memref<160000xi32, #tpu.memory_space<hbm>> -> memref<128xi32, #tpu.memory_space<hbm>>
          tpu.enqueue_dma source(%dma_start3A_29 : memref<128xi32, #tpu.memory_space<hbm>>) target(%arg6 : memref<128xi32, #tpu.memory_space<vmem>>) target_semaphore(%run_scoped3A : memref<!tpu.dma_semaphore, #tpu.memory_space<semaphore_mem>>)
          %dma_wait3A = tpu.memref_slice %arg3[%mul3A_28] : memref<160000xi32, #tpu.memory_space<hbm>> -> memref<128xi32, #tpu.memory_space<hbm>>
          %dma_wait3A_30 = tpu.memref_slice %arg3[%mul3A_28] : memref<160000xi32, #tpu.memory_space<hbm>> -> memref<128xi32, #tpu.memory_space<hbm>>
          tpu.wait_dma2 semaphore(%run_scoped3A : memref<!tpu.dma_semaphore, #tpu.memory_space<semaphore_mem>>) src(%dma_wait3A_30 : memref<128xi32, #tpu.memory_space<hbm>>) dst(%arg6 : memref<128xi32, #tpu.memory_space<vmem>>)
          tpu.yield
        }) : () -> ()
        "tpu.region"() ({
          %run_scoped3A = tpu.sem_alloc : memref<!tpu.dma_semaphore, #tpu.memory_space<semaphore_mem>>
          %dma_start3A = arith.constant 0 : i32
          %dma_start3A_29 = tpu.memref_slice %arg2[%mul3A_28, %dma_start3A] : memref<160000x128xf32, #tpu.memory_space<hbm>> -> memref<128x128xf32, #tpu.memory_space<hbm>>
          %dma_start3A_30 = arith.constant 0 : i32
          %dma_start3A_31 = tpu.memref_slice %arg2[%mul3A_28, %dma_start3A_30] : memref<160000x128xf32, #tpu.memory_space<hbm>> -> memref<128x128xf32, #tpu.memory_space<hbm>>
          tpu.enqueue_dma source(%dma_start3A_31 : memref<128x128xf32, #tpu.memory_space<hbm>>) target(%arg7 : memref<128x128xf32, #tpu.memory_space<vmem>>) target_semaphore(%run_scoped3A : memref<!tpu.dma_semaphore, #tpu.memory_space<semaphore_mem>>)
          %dma_wait3A = arith.constant 0 : i32
          %dma_wait3A_32 = tpu.memref_slice %arg2[%mul3A_28, %dma_wait3A] : memref<160000x128xf32, #tpu.memory_space<hbm>> -> memref<128x128xf32, #tpu.memory_space<hbm>>
          %dma_wait3A_33 = arith.constant 0 : i32
          %dma_wait3A_34 = tpu.memref_slice %arg2[%mul3A_28, %dma_wait3A_33] : memref<160000x128xf32, #tpu.memory_space<hbm>> -> memref<128x128xf32, #tpu.memory_space<hbm>>
          tpu.wait_dma2 semaphore(%run_scoped3A : memref<!tpu.dma_semaphore, #tpu.memory_space<semaphore_mem>>) src(%dma_wait3A_34 : memref<128x128xf32, #tpu.memory_space<hbm>>) dst(%arg7 : memref<128x128xf32, #tpu.memory_space<vmem>>)
          tpu.yield
        }) : () -> ()
        "tpu.region"() ({
          %run_scoped3A = tpu.sem_alloc : memref<!tpu.dma_semaphore, #tpu.memory_space<semaphore_mem>>
          %dma_start3A = arith.constant 0 : i32
          %dma_start3A_29 = arith.constant 0 : i32
          %dma_start3A_30 = tpu.memref_slice %arg8[%dma_start3A, %dma_start3A_29] : memref<10000x128xf32, #tpu.memory_space<vmem_shared>> -> memref<10000x128xf32, #tpu.memory_space<vmem_shared>>
          tpu.enqueue_indirect_dma source(%arg7 : memref<128x128xf32, #tpu.memory_space<vmem>>) target(%dma_start3A_30 : memref<10000x128xf32, #tpu.memory_space<vmem_shared>>) offsets(%arg6 : memref<128xi32, #tpu.memory_space<vmem>>) semaphore(%run_scoped3A : memref<!tpu.dma_semaphore, #tpu.memory_space<semaphore_mem>>) {add = true}
          %dma_wait3A = arith.constant 0 : i32
          %dma_wait3A_31 = arith.constant 0 : i32
          %dma_wait3A_32 = tpu.memref_slice %arg8[%dma_wait3A, %dma_wait3A_31] : memref<10000x128xf32, #tpu.memory_space<vmem_shared>> -> memref<10000x128xf32, #tpu.memory_space<vmem_shared>>
          tpu.wait_indirect_dma semaphore(%run_scoped3A : memref<!tpu.dma_semaphore, #tpu.memory_space<semaphore_mem>>) src(%arg7 : memref<128x128xf32, #tpu.memory_space<vmem>>) dst(%dma_wait3A_32 : memref<10000x128xf32, #tpu.memory_space<vmem_shared>>)
          tpu.yield
        }) : () -> ()
      } else {
      }
    }
    %scan3A_5 = arith.constant 40 : i32
    %barrier3A_6 = arith.constant 0 : index
    tpu.barrier barrier_id(%barrier3A_6)
    %mul3A = arith.constant 624 : i32
    %mul3A_7 = arith.muli %arg1, %mul3A : i32
    "tpu.region"() ({
      %run_scoped3A = tpu.sem_alloc : memref<!tpu.dma_semaphore, #tpu.memory_space<semaphore_mem>>
      %dma_start3A = arith.constant 0 : i32
      %dma_start3A_13 = tpu.memref_slice %arg5[%arg0, %mul3A_7, %dma_start3A] : memref<2x10000x128xf32, #tpu.memory_space<hbm>> -> memref<1x624x128xf32, #tpu.memory_space<hbm>>
      %dma_start3A_14 = tpu.memref_squeeze %dma_start3A_13 : memref<1x624x128xf32, #tpu.memory_space<hbm>> -> memref<624x128xf32, #tpu.memory_space<hbm>>
      %dma_start3A_15 = arith.constant 0 : i32
      %dma_start3A_16 = tpu.memref_slice %arg8[%mul3A_7, %dma_start3A_15] : memref<10000x128xf32, #tpu.memory_space<vmem_shared>> -> memref<624x128xf32, #tpu.memory_space<vmem_shared>>
      tpu.enqueue_dma source(%dma_start3A_16 : memref<624x128xf32, #tpu.memory_space<vmem_shared>>) target(%dma_start3A_14 : memref<624x128xf32, #tpu.memory_space<hbm>>) target_semaphore(%run_scoped3A : memref<!tpu.dma_semaphore, #tpu.memory_space<semaphore_mem>>)
      %dma_wait3A = arith.constant 0 : i32
      %dma_wait3A_17 = tpu.memref_slice %arg5[%arg0, %mul3A_7, %dma_wait3A] : memref<2x10000x128xf32, #tpu.memory_space<hbm>> -> memref<1x624x128xf32, #tpu.memory_space<hbm>>
      %dma_wait3A_18 = tpu.memref_squeeze %dma_wait3A_17 : memref<1x624x128xf32, #tpu.memory_space<hbm>> -> memref<624x128xf32, #tpu.memory_space<hbm>>
      %dma_wait3A_19 = arith.constant 0 : i32
      %dma_wait3A_20 = tpu.memref_slice %arg8[%mul3A_7, %dma_wait3A_19] : memref<10000x128xf32, #tpu.memory_space<vmem_shared>> -> memref<624x128xf32, #tpu.memory_space<vmem_shared>>
      tpu.wait_dma2 semaphore(%run_scoped3A : memref<!tpu.dma_semaphore, #tpu.memory_space<semaphore_mem>>) src(%dma_wait3A_20 : memref<624x128xf32, #tpu.memory_space<vmem_shared>>) dst(%dma_wait3A_18 : memref<624x128xf32, #tpu.memory_space<hbm>>)
      tpu.yield
    }) : () -> ()
    %eq3A_8 = arith.constant 0 : i32
    %eq3A_9 = arith.cmpi eq, %arg1, %eq3A_8 : i32
    %convert_element_type3A_10 = arith.extui %eq3A_9 : i1 to i32
    %cond3A_11 = arith.constant 0 : i32
    %cond3A_12 = arith.cmpi ne, %convert_element_type3A_10, %cond3A_11 : i32
    scf.if %cond3A_12 {
      "tpu.region"() ({
        %run_scoped3A = tpu.sem_alloc : memref<!tpu.dma_semaphore, #tpu.memory_space<semaphore_mem>>
        %dma_start3A = arith.constant 9984 : i32
        %dma_start3A_13 = arith.constant 0 : i32
        %dma_start3A_14 = tpu.memref_slice %arg5[%arg0, %dma_start3A, %dma_start3A_13] : memref<2x10000x128xf32, #tpu.memory_space<hbm>> -> memref<1x16x128xf32, #tpu.memory_space<hbm>>
        %dma_start3A_15 = tpu.memref_squeeze %dma_start3A_14 : memref<1x16x128xf32, #tpu.memory_space<hbm>> -> memref<16x128xf32, #tpu.memory_space<hbm>>
        %dma_start3A_16 = arith.constant 9984 : i32
        %dma_start3A_17 = arith.constant 0 : i32
        %dma_start3A_18 = tpu.memref_slice %arg8[%dma_start3A_16, %dma_start3A_17] : memref<10000x128xf32, #tpu.memory_space<vmem_shared>> -> memref<16x128xf32, #tpu.memory_space<vmem_shared>>
        tpu.enqueue_dma source(%dma_start3A_18 : memref<16x128xf32, #tpu.memory_space<vmem_shared>>) target(%dma_start3A_15 : memref<16x128xf32, #tpu.memory_space<hbm>>) target_semaphore(%run_scoped3A : memref<!tpu.dma_semaphore, #tpu.memory_space<semaphore_mem>>)
        %dma_wait3A = arith.constant 9984 : i32
        %dma_wait3A_19 = arith.constant 0 : i32
        %dma_wait3A_20 = tpu.memref_slice %arg5[%arg0, %dma_wait3A, %dma_wait3A_19] : memref<2x10000x128xf32, #tpu.memory_space<hbm>> -> memref<1x16x128xf32, #tpu.memory_space<hbm>>
        %dma_wait3A_21 = tpu.memref_squeeze %dma_wait3A_20 : memref<1x16x128xf32, #tpu.memory_space<hbm>> -> memref<16x128xf32, #tpu.memory_space<hbm>>
        %dma_wait3A_22 = arith.constant 9984 : i32
        %dma_wait3A_23 = arith.constant 0 : i32
        %dma_wait3A_24 = tpu.memref_slice %arg8[%dma_wait3A_22, %dma_wait3A_23] : memref<10000x128xf32, #tpu.memory_space<vmem_shared>> -> memref<16x128xf32, #tpu.memory_space<vmem_shared>>
        tpu.wait_dma2 semaphore(%run_scoped3A : memref<!tpu.dma_semaphore, #tpu.memory_space<semaphore_mem>>) src(%dma_wait3A_24 : memref<16x128xf32, #tpu.memory_space<vmem_shared>>) dst(%dma_wait3A_21 : memref<16x128xf32, #tpu.memory_space<hbm>>)
        tpu.yield
      }) : () -> ()
    } else {
    }
    return
  }
}

module attributes {stable_mosaic.version = 14 : i64} {
  func.func @body(%arg0: i32, %arg1: memref<1000x8xf32, #tpu.memory_space<vmem>>, %arg2: memref<8x128xf32, #tpu.memory_space<vmem>>, %arg3: memref<8x128xf32, #tpu.memory_space<vmem>>, %arg4: memref<8x128xf32, #tpu.memory_space<vmem>>, %arg5: memref<1000x256xf32, #tpu.memory_space<vmem>>, %arg6: memref<1000x128xf32, #tpu.memory_space<vmem>>) attributes {dimension_semantics = [#tpu.dimension_semantics<arbitrary>], iteration_bounds = array<i64: 10>, scalar_prefetch = 0 : i64, scratch_operands = 0 : i64, tpu.core_type = #tpu.core_type<tc>, window_params = [{transform_indices = @transform_0, window_bounds = array<i64: 1000, 8>}, {pipeline_mode = #tpu.pipeline_mode<synchronous>, transform_indices = @transform_1, window_bounds = array<i64: 8, 128>}, {pipeline_mode = #tpu.pipeline_mode<synchronous>, transform_indices = @transform_2, window_bounds = array<i64: 8, 128>}, {pipeline_mode = #tpu.pipeline_mode<synchronous>, transform_indices = @transform_3, window_bounds = array<i64: 8, 128>}, {transform_indices = @transform_4, window_bounds = array<i64: 1000, 256>}, {transform_indices = @transform_5, window_bounds = array<i64: 1000, 128>}]} {
    %get3A = arith.constant 0 : index
    %get3A_0 = arith.constant 0 : index
    %get3A_1 = vector.load %arg1[%get3A, %get3A_0] : memref<1000x8xf32, #tpu.memory_space<vmem>>, vector<1000x8xf32>
    %get3A_2 = arith.constant 0 : index
    %get3A_3 = arith.constant 0 : index
    %get3A_4 = vector.load %arg2[%get3A_2, %get3A_3] : memref<8x128xf32, #tpu.memory_space<vmem>>, vector<8x128xf32>
    %dot_general3A = arith.constant dense<0.000000e+00> : vector<1000x128xf32>
    %dot_general3A_5 = tpu.matmul %get3A_1, %get3A_4, %dot_general3A {dimension_numbers = #tpu.dot_dimension_numbers<[1], [0], [0], [1], [0, 0, 1, 1], [], []>, transpose_lhs_hint = false} : vector<1000x8xf32>, vector<8x128xf32>, vector<1000x128xf32> -> vector<1000x128xf32>
    %swap3A = arith.constant 0 : index
    %swap3A_6 = arith.constant 0 : index
    %swap3A_7 = vector.load %arg5[%swap3A, %swap3A_6] : memref<1000x256xf32, #tpu.memory_space<vmem>>, vector<1000x128xf32>
    tpu.vector_store %arg5[%swap3A, %swap3A_6], %dot_general3A_5 {strides = array<i32>} : memref<1000x256xf32, #tpu.memory_space<vmem>>, vector<1000x128xf32>,
    %get3A_8 = arith.constant 0 : index
    %get3A_9 = arith.constant 0 : index
    %get3A_10 = vector.load %arg3[%get3A_8, %get3A_9] : memref<8x128xf32, #tpu.memory_space<vmem>>, vector<8x128xf32>
    %dot_general3A_11 = arith.constant dense<0.000000e+00> : vector<1000x128xf32>
    %dot_general3A_12 = tpu.matmul %get3A_1, %get3A_10, %dot_general3A_11 {dimension_numbers = #tpu.dot_dimension_numbers<[1], [0], [0], [1], [0, 0, 1, 1], [], []>, transpose_lhs_hint = false} : vector<1000x8xf32>, vector<8x128xf32>, vector<1000x128xf32> -> vector<1000x128xf32>
    %swap3A_13 = arith.constant 0 : index
    %swap3A_14 = arith.constant 128 : index
    %swap3A_15 = vector.load %arg5[%swap3A_13, %swap3A_14] : memref<1000x256xf32, #tpu.memory_space<vmem>>, vector<1000x128xf32>
    tpu.vector_store %arg5[%swap3A_13, %swap3A_14], %dot_general3A_12 {strides = array<i32>} : memref<1000x256xf32, #tpu.memory_space<vmem>>, vector<1000x128xf32>,
    %get3A_16 = arith.constant 0 : index
    %get3A_17 = arith.constant 0 : index
    %get3A_18 = vector.load %arg4[%get3A_16, %get3A_17] : memref<8x128xf32, #tpu.memory_space<vmem>>, vector<8x128xf32>
    %dot_general3A_19 = arith.constant dense<0.000000e+00> : vector<1000x128xf32>
    %dot_general3A_20 = tpu.matmul %get3A_1, %get3A_18, %dot_general3A_19 {dimension_numbers = #tpu.dot_dimension_numbers<[1], [0], [0], [1], [0, 0, 1, 1], [], []>, transpose_lhs_hint = false} : vector<1000x8xf32>, vector<8x128xf32>, vector<1000x128xf32> -> vector<1000x128xf32>
    %swap3A_21 = arith.constant 0 : index
    %swap3A_22 = arith.constant 0 : index
    %swap3A_23 = vector.load %arg6[%swap3A_21, %swap3A_22] : memref<1000x128xf32, #tpu.memory_space<vmem>>, vector<1000x128xf32>
    tpu.vector_store %arg6[%swap3A_21, %swap3A_22], %dot_general3A_20 {strides = array<i32>} : memref<1000x128xf32, #tpu.memory_space<vmem>>, vector<1000x128xf32>,
    return
  }
  func.func @transform_0(%arg0: i32) -> (i32, i32) {
    %c0_i32 = arith.constant 0 : i32
    %c0_i32_0 = arith.constant 0 : i32
    return %arg0, %c0_i32 : i32, i32
  }
  func.func @transform_1(%arg0: i32) -> (i32, i32) {
    %c0_i32 = arith.constant 0 : i32
    %c0_i32_0 = arith.constant 0 : i32
    %c0_i32_1 = arith.constant 0 : i32
    return %c0_i32, %c0_i32_0 : i32, i32
  }
  func.func @transform_2(%arg0: i32) -> (i32, i32) {
    %c0_i32 = arith.constant 0 : i32
    %c0_i32_0 = arith.constant 0 : i32
    %c0_i32_1 = arith.constant 0 : i32
    return %c0_i32, %c0_i32_0 : i32, i32
  }
  func.func @transform_3(%arg0: i32) -> (i32, i32) {
    %c0_i32 = arith.constant 0 : i32
    %c0_i32_0 = arith.constant 0 : i32
    %c0_i32_1 = arith.constant 0 : i32
    return %c0_i32, %c0_i32_0 : i32, i32
  }
  func.func @transform_4(%arg0: i32) -> (i32, i32) {
    %c0_i32 = arith.constant 0 : i32
    %c0_i32_0 = arith.constant 0 : i32
    return %arg0, %c0_i32 : i32, i32
  }
  func.func @transform_5(%arg0: i32) -> (i32, i32) {
    %c0_i32 = arith.constant 0 : i32
    %c0_i32_0 = arith.constant 0 : i32
    return %arg0, %c0_i32 : i32, i32
  }
}

module attributes {stable_mosaic.version = 14 : i64} {
  func.func @body(%arg0: i32, %arg1: memref<2000x256xf32, #tpu.memory_space<vmem>>, %arg2: memref<2000x128xf32, #tpu.memory_space<vmem>>, %arg3: memref<2000x1xf32, #tpu.memory_space<vmem>>, %arg4: memref<1x128xf32, #tpu.memory_space<vmem>>, %arg5: memref<1x128xf32, #tpu.memory_space<vmem>>, %arg6: memref<128x128xf32, #tpu.memory_space<vmem>>, %arg7: memref<1x128xf32, #tpu.memory_space<vmem>>, %arg8: memref<128x128xf32, #tpu.memory_space<vmem>>, %arg9: memref<1x128xf32, #tpu.memory_space<vmem>>, %arg10: memref<128x128xf32, #tpu.memory_space<vmem>>, %arg11: memref<1x128xf32, #tpu.memory_space<vmem>>, %arg12: memref<128x128xf32, #tpu.memory_space<vmem>>, %arg13: memref<1x128xf32, #tpu.memory_space<vmem>>, %arg14: memref<2000x128xf32, #tpu.memory_space<vmem>>, %arg15: memref<2000x128xf32, #tpu.memory_space<vmem>>) attributes {dimension_semantics = [#tpu.dimension_semantics<arbitrary>], iteration_bounds = array<i64: 80>, scalar_prefetch = 0 : i64, scratch_operands = 0 : i64, tpu.core_type = #tpu.core_type<tc>, window_params = [{transform_indices = @transform_0, window_bounds = array<i64: 2000, 256>}, {transform_indices = @transform_1, window_bounds = array<i64: 2000, 128>}, {transform_indices = @transform_2, window_bounds = array<i64: 2000, 1>}, {pipeline_mode = #tpu.pipeline_mode<synchronous>, transform_indices = @transform_3, window_bounds = array<i64: 1, 128>}, {pipeline_mode = #tpu.pipeline_mode<synchronous>, transform_indices = @transform_4, window_bounds = array<i64: 1, 128>}, {pipeline_mode = #tpu.pipeline_mode<synchronous>, transform_indices = @transform_5, window_bounds = array<i64: 128, 128>}, {pipeline_mode = #tpu.pipeline_mode<synchronous>, transform_indices = @transform_6, window_bounds = array<i64: 1, 128>}, {pipeline_mode = #tpu.pipeline_mode<synchronous>, transform_indices = @transform_7, window_bounds = array<i64: 128, 128>}, {pipeline_mode = #tpu.pipeline_mode<synchronous>, transform_indices = @transform_8, window_bounds = array<i64: 1, 128>}, {pipeline_mode = #tpu.pipeline_mode<synchronous>, transform_indices = @transform_9, window_bounds = array<i64: 128, 128>}, {pipeline_mode = #tpu.pipeline_mode<synchronous>, transform_indices = @transform_10, window_bounds = array<i64: 1, 128>}, {pipeline_mode = #tpu.pipeline_mode<synchronous>, transform_indices = @transform_11, window_bounds = array<i64: 128, 128>}, {pipeline_mode = #tpu.pipeline_mode<synchronous>, transform_indices = @transform_12, window_bounds = array<i64: 1, 128>}, {transform_indices = @transform_13, window_bounds = array<i64: 2000, 128>}, {transform_indices = @transform_14, window_bounds = array<i64: 2000, 128>}]} {
    %get3A = arith.constant 0 : index
    %get3A_0 = arith.constant 0 : index
    %get3A_1 = vector.load %arg1[%get3A, %get3A_0] : memref<2000x256xf32, #tpu.memory_space<vmem>>, vector<2000x256xf32>
    %get3A_2 = arith.constant 0 : index
    %get3A_3 = arith.constant 0 : index
    %get3A_4 = vector.load %arg3[%get3A_2, %get3A_3] : memref<2000x1xf32, #tpu.memory_space<vmem>>, vector<2000x1xf32>
    %get3A_5 = arith.constant 0 : index
    %get3A_6 = arith.constant 0 : index
    %get3A_7 = vector.load %arg4[%get3A_5, %get3A_6] : memref<1x128xf32, #tpu.memory_space<vmem>>, vector<1x128xf32>
    %mul3A = vector.broadcast %get3A_4 : vector<2000x1xf32> to vector<2000x128xf32>
    %mul3A_8 = vector.broadcast %get3A_7 : vector<1x128xf32> to vector<2000x128xf32>
    %mul3A_9 = arith.mulf %mul3A, %mul3A_8 : vector<2000x128xf32>
    %slice3A = vector.extract_strided_slice %get3A_1 {offsets = [0, 0], sizes = [2000, 128], strides = [1, 1]} : vector<2000x256xf32> to vector<2000x128xf32>
    %get3A_10 = arith.constant 0 : index
    %get3A_11 = arith.constant 0 : index
    %get3A_12 = vector.load %arg2[%get3A_10, %get3A_11] : memref<2000x128xf32, #tpu.memory_space<vmem>>, vector<2000x128xf32>
    %add3A = arith.addf %slice3A, %get3A_12 : vector<2000x128xf32>
    %add3A_13 = arith.addf %add3A, %mul3A_9 : vector<2000x128xf32>
    %get3A_14 = arith.constant 0 : index
    %get3A_15 = arith.constant 0 : index
    %get3A_16 = vector.load %arg5[%get3A_14, %get3A_15] : memref<1x128xf32, #tpu.memory_space<vmem>>, vector<1x128xf32>
    %add3A_17 = vector.broadcast %get3A_16 : vector<1x128xf32> to vector<2000x128xf32>
    %add3A_18 = arith.addf %add3A_13, %add3A_17 : vector<2000x128xf32>
    %max3A = arith.constant 0.000000e+00 : f32
    %max3A_19 = vector.broadcast %max3A : f32 to vector<2000x128xf32>
    %max3A_20 = arith.maximumf %add3A_18, %max3A_19 : vector<2000x128xf32>
    %get3A_21 = arith.constant 0 : index
    %get3A_22 = arith.constant 0 : index
    %get3A_23 = vector.load %arg6[%get3A_21, %get3A_22] : memref<128x128xf32, #tpu.memory_space<vmem>>, vector<128x128xf32>
    %dot_general3A = arith.constant dense<0.000000e+00> : vector<2000x128xf32>
    %dot_general3A_24 = tpu.matmul %max3A_20, %get3A_23, %dot_general3A {dimension_numbers = #tpu.dot_dimension_numbers<[1], [0], [0], [1], [0, 0, 1, 1], [], []>, transpose_lhs_hint = false} : vector<2000x128xf32>, vector<128x128xf32>, vector<2000x128xf32> -> vector<2000x128xf32>
    %get3A_25 = arith.constant 0 : index
    %get3A_26 = arith.constant 0 : index
    %get3A_27 = vector.load %arg7[%get3A_25, %get3A_26] : memref<1x128xf32, #tpu.memory_space<vmem>>, vector<1x128xf32>
    %add3A_28 = vector.broadcast %get3A_27 : vector<1x128xf32> to vector<2000x128xf32>
    %add3A_29 = arith.addf %dot_general3A_24, %add3A_28 : vector<2000x128xf32>
    %swap3A = arith.constant 0 : index
    %swap3A_30 = arith.constant 0 : index
    %swap3A_31 = vector.load %arg14[%swap3A, %swap3A_30] : memref<2000x128xf32, #tpu.memory_space<vmem>>, vector<2000x128xf32>
    tpu.vector_store %arg14[%swap3A, %swap3A_30], %add3A_29 {strides = array<i32>} : memref<2000x128xf32, #tpu.memory_space<vmem>>, vector<2000x128xf32>,
    %slice3A_32 = vector.extract_strided_slice %get3A_1 {offsets = [0, 128], sizes = [2000, 128], strides = [1, 1]} : vector<2000x256xf32> to vector<2000x128xf32>
    %get3A_33 = arith.constant 0 : index
    %get3A_34 = arith.constant 0 : index
    %get3A_35 = vector.load %arg8[%get3A_33, %get3A_34] : memref<128x128xf32, #tpu.memory_space<vmem>>, vector<128x128xf32>
    %dot_general3A_36 = arith.constant dense<0.000000e+00> : vector<2000x128xf32>
    %dot_general3A_37 = tpu.matmul %add3A_29, %get3A_35, %dot_general3A_36 {dimension_numbers = #tpu.dot_dimension_numbers<[1], [0], [0], [1], [0, 0, 1, 1], [], []>, transpose_lhs_hint = false} : vector<2000x128xf32>, vector<128x128xf32>, vector<2000x128xf32> -> vector<2000x128xf32>
    %add3A_38 = arith.addf %slice3A_32, %dot_general3A_37 : vector<2000x128xf32>
    %get3A_39 = arith.constant 0 : index
    %get3A_40 = arith.constant 0 : index
    %get3A_41 = vector.load %arg9[%get3A_39, %get3A_40] : memref<1x128xf32, #tpu.memory_space<vmem>>, vector<1x128xf32>
    %add3A_42 = vector.broadcast %get3A_41 : vector<1x128xf32> to vector<2000x128xf32>
    %add3A_43 = arith.addf %add3A_38, %add3A_42 : vector<2000x128xf32>
    %max3A_44 = arith.constant 0.000000e+00 : f32
    %max3A_45 = vector.broadcast %max3A_44 : f32 to vector<2000x128xf32>
    %max3A_46 = arith.maximumf %add3A_43, %max3A_45 : vector<2000x128xf32>
    %get3A_47 = arith.constant 0 : index
    %get3A_48 = arith.constant 0 : index
    %get3A_49 = vector.load %arg10[%get3A_47, %get3A_48] : memref<128x128xf32, #tpu.memory_space<vmem>>, vector<128x128xf32>
    %dot_general3A_50 = arith.constant dense<0.000000e+00> : vector<2000x128xf32>
    %dot_general3A_51 = tpu.matmul %max3A_46, %get3A_49, %dot_general3A_50 {dimension_numbers = #tpu.dot_dimension_numbers<[1], [0], [0], [1], [0, 0, 1, 1], [], []>, transpose_lhs_hint = false} : vector<2000x128xf32>, vector<128x128xf32>, vector<2000x128xf32> -> vector<2000x128xf32>
    %get3A_52 = arith.constant 0 : index
    %get3A_53 = arith.constant 0 : index
    %get3A_54 = vector.load %arg11[%get3A_52, %get3A_53] : memref<1x128xf32, #tpu.memory_space<vmem>>, vector<1x128xf32>
    %add3A_55 = vector.broadcast %get3A_54 : vector<1x128xf32> to vector<2000x128xf32>
    %add3A_56 = arith.addf %dot_general3A_51, %add3A_55 : vector<2000x128xf32>
    %max3A_57 = arith.constant 0.000000e+00 : f32
    %max3A_58 = vector.broadcast %max3A_57 : f32 to vector<2000x128xf32>
    %max3A_59 = arith.maximumf %add3A_56, %max3A_58 : vector<2000x128xf32>
    %get3A_60 = arith.constant 0 : index
    %get3A_61 = arith.constant 0 : index
    %get3A_62 = vector.load %arg12[%get3A_60, %get3A_61] : memref<128x128xf32, #tpu.memory_space<vmem>>, vector<128x128xf32>
    %dot_general3A_63 = arith.constant dense<0.000000e+00> : vector<2000x128xf32>
    %dot_general3A_64 = tpu.matmul %max3A_59, %get3A_62, %dot_general3A_63 {dimension_numbers = #tpu.dot_dimension_numbers<[1], [0], [0], [1], [0, 0, 1, 1], [], []>, transpose_lhs_hint = false} : vector<2000x128xf32>, vector<128x128xf32>, vector<2000x128xf32> -> vector<2000x128xf32>
    %get3A_65 = arith.constant 0 : index
    %get3A_66 = arith.constant 0 : index
    %get3A_67 = vector.load %arg13[%get3A_65, %get3A_66] : memref<1x128xf32, #tpu.memory_space<vmem>>, vector<1x128xf32>
    %add3A_68 = vector.broadcast %get3A_67 : vector<1x128xf32> to vector<2000x128xf32>
    %add3A_69 = arith.addf %dot_general3A_64, %add3A_68 : vector<2000x128xf32>
    %swap3A_70 = arith.constant 0 : index
    %swap3A_71 = arith.constant 0 : index
    %swap3A_72 = vector.load %arg15[%swap3A_70, %swap3A_71] : memref<2000x128xf32, #tpu.memory_space<vmem>>, vector<2000x128xf32>
    tpu.vector_store %arg15[%swap3A_70, %swap3A_71], %add3A_69 {strides = array<i32>} : memref<2000x128xf32, #tpu.memory_space<vmem>>, vector<2000x128xf32>,
    return
  }
  func.func @transform_0(%arg0: i32) -> (i32, i32) {
    %c0_i32 = arith.constant 0 : i32
    %c0_i32_0 = arith.constant 0 : i32
    return %arg0, %c0_i32 : i32, i32
  }
  func.func @transform_1(%arg0: i32) -> (i32, i32) {
    %c0_i32 = arith.constant 0 : i32
    %c0_i32_0 = arith.constant 0 : i32
    return %arg0, %c0_i32 : i32, i32
  }
  func.func @transform_2(%arg0: i32) -> (i32, i32) {
    %c0_i32 = arith.constant 0 : i32
    %c0_i32_0 = arith.constant 0 : i32
    return %arg0, %c0_i32 : i32, i32
  }
  func.func @transform_3(%arg0: i32) -> (i32, i32) {
    %c0_i32 = arith.constant 0 : i32
    %c0_i32_0 = arith.constant 0 : i32
    %c0_i32_1 = arith.constant 0 : i32
    return %c0_i32, %c0_i32_0 : i32, i32
  }
  func.func @transform_4(%arg0: i32) -> (i32, i32) {
    %c0_i32 = arith.constant 0 : i32
    %c0_i32_0 = arith.constant 0 : i32
    %c0_i32_1 = arith.constant 0 : i32
    return %c0_i32, %c0_i32_0 : i32, i32
  }
  func.func @transform_5(%arg0: i32) -> (i32, i32) {
    %c0_i32 = arith.constant 0 : i32
    %c0_i32_0 = arith.constant 0 : i32
    %c0_i32_1 = arith.constant 0 : i32
    return %c0_i32, %c0_i32_0 : i32, i32
  }
  func.func @transform_6(%arg0: i32) -> (i32, i32) {
    %c0_i32 = arith.constant 0 : i32
    %c0_i32_0 = arith.constant 0 : i32
    %c0_i32_1 = arith.constant 0 : i32
    return %c0_i32, %c0_i32_0 : i32, i32
  }
  func.func @transform_7(%arg0: i32) -> (i32, i32) {
    %c0_i32 = arith.constant 0 : i32
    %c0_i32_0 = arith.constant 0 : i32
    %c0_i32_1 = arith.constant 0 : i32
    return %c0_i32, %c0_i32_0 : i32, i32
  }
  func.func @transform_8(%arg0: i32) -> (i32, i32) {
    %c0_i32 = arith.constant 0 : i32
    %c0_i32_0 = arith.constant 0 : i32
    %c0_i32_1 = arith.constant 0 : i32
    return %c0_i32, %c0_i32_0 : i32, i32
  }
  func.func @transform_9(%arg0: i32) -> (i32, i32) {
    %c0_i32 = arith.constant 0 : i32
    %c0_i32_0 = arith.constant 0 : i32
    %c0_i32_1 = arith.constant 0 : i32
    return %c0_i32, %c0_i32_0 : i32, i32
  }
  func.func @transform_10(%arg0: i32) -> (i32, i32) {
    %c0_i32 = arith.constant 0 : i32
    %c0_i32_0 = arith.constant 0 : i32
    %c0_i32_1 = arith.constant 0 : i32
    return %c0_i32, %c0_i32_0 : i32, i32
  }
  func.func @transform_11(%arg0: i32) -> (i32, i32) {
    %c0_i32 = arith.constant 0 : i32
    %c0_i32_0 = arith.constant 0 : i32
    %c0_i32_1 = arith.constant 0 : i32
    return %c0_i32, %c0_i32_0 : i32, i32
  }
  func.func @transform_12(%arg0: i32) -> (i32, i32) {
    %c0_i32 = arith.constant 0 : i32
    %c0_i32_0 = arith.constant 0 : i32
    %c0_i32_1 = arith.constant 0 : i32
    return %c0_i32, %c0_i32_0 : i32, i32
  }
  func.func @transform_13(%arg0: i32) -> (i32, i32) {
    %c0_i32 = arith.constant 0 : i32
    %c0_i32_0 = arith.constant 0 : i32
    return %arg0, %c0_i32 : i32, i32
  }
  func.func @transform_14(%arg0: i32) -> (i32, i32) {
    %c0_i32 = arith.constant 0 : i32
    %c0_i32_0 = arith.constant 0 : i32
    return %arg0, %c0_i32 : i32, i32
  }
}

module attributes {stable_mosaic.version = 14 : i64} {
  func.func @body(%arg0: i32, %arg1: memref<1000x8xf32, #tpu.memory_space<vmem>>, %arg2: memref<2x1000x128xf32, #tpu.memory_space<vmem>>, %arg3: memref<8x128xf32, #tpu.memory_space<vmem>>, %arg4: memref<128x128xf32, #tpu.memory_space<vmem>>, %arg5: memref<1x128xf32, #tpu.memory_space<vmem>>, %arg6: memref<128x128xf32, #tpu.memory_space<vmem>>, %arg7: memref<1x128xf32, #tpu.memory_space<vmem>>, %arg8: memref<128x128xf32, #tpu.memory_space<vmem>>, %arg9: memref<1x128xf32, #tpu.memory_space<vmem>>, %arg10: memref<128x128xf32, #tpu.memory_space<vmem>>, %arg11: memref<128x128xf32, #tpu.memory_space<vmem>>, %arg12: memref<128x128xf32, #tpu.memory_space<vmem>>, %arg13: memref<1000x128xf32, #tpu.memory_space<vmem>>, %arg14: memref<1000x256xf32, #tpu.memory_space<vmem>>, %arg15: memref<1000x128xf32, #tpu.memory_space<vmem>>) attributes {dimension_semantics = [#tpu.dimension_semantics<arbitrary>], iteration_bounds = array<i64: 10>, scalar_prefetch = 0 : i64, scratch_operands = 0 : i64, tpu.core_type = #tpu.core_type<tc>, window_params = [{transform_indices = @transform_0, window_bounds = array<i64: 1000, 8>}, {transform_indices = @transform_1, window_bounds = array<i64: 2, 1000, 128>}, {pipeline_mode = #tpu.pipeline_mode<synchronous>, transform_indices = @transform_2, window_bounds = array<i64: 8, 128>}, {pipeline_mode = #tpu.pipeline_mode<synchronous>, transform_indices = @transform_3, window_bounds = array<i64: 128, 128>}, {pipeline_mode = #tpu.pipeline_mode<synchronous>, transform_indices = @transform_4, window_bounds = array<i64: 1, 128>}, {pipeline_mode = #tpu.pipeline_mode<synchronous>, transform_indices = @transform_5, window_bounds = array<i64: 128, 128>}, {pipeline_mode = #tpu.pipeline_mode<synchronous>, transform_indices = @transform_6, window_bounds = array<i64: 1, 128>}, {pipeline_mode = #tpu.pipeline_mode<synchronous>, transform_indices = @transform_7, window_bounds = array<i64: 128, 128>}, {pipeline_mode = #tpu.pipeline_mode<synchronous>, transform_indices = @transform_8, window_bounds = array<i64: 1, 128>}, {pipeline_mode = #tpu.pipeline_mode<synchronous>, transform_indices = @transform_9, window_bounds = array<i64: 128, 128>}, {pipeline_mode = #tpu.pipeline_mode<synchronous>, transform_indices = @transform_10, window_bounds = array<i64: 128, 128>}, {pipeline_mode = #tpu.pipeline_mode<synchronous>, transform_indices = @transform_11, window_bounds = array<i64: 128, 128>}, {transform_indices = @transform_12, window_bounds = array<i64: 1000, 128>}, {transform_indices = @transform_13, window_bounds = array<i64: 1000, 256>}, {transform_indices = @transform_14, window_bounds = array<i64: 1000, 128>}]} {
    %get3A = arith.constant 0 : index
    %get3A_0 = arith.constant 0 : index
    %get3A_1 = arith.constant 0 : index
    %get3A_2 = vector.load %arg2[%get3A, %get3A_0, %get3A_1] : memref<2x1000x128xf32, #tpu.memory_space<vmem>>, vector<1x1000x128xf32>
    %get3A_3 = vector.shape_cast %get3A_2 : vector<1x1000x128xf32> to vector<1000x128xf32>
    %get3A_4 = arith.constant 1 : index
    %get3A_5 = arith.constant 0 : index
    %get3A_6 = arith.constant 0 : index
    %get3A_7 = vector.load %arg2[%get3A_4, %get3A_5, %get3A_6] : memref<2x1000x128xf32, #tpu.memory_space<vmem>>, vector<1x1000x128xf32>
    %get3A_8 = vector.shape_cast %get3A_7 : vector<1x1000x128xf32> to vector<1000x128xf32>
    %add3A = arith.addf %get3A_3, %get3A_8 : vector<1000x128xf32>
    %get3A_9 = arith.constant 0 : index
    %get3A_10 = arith.constant 0 : index
    %get3A_11 = vector.load %arg1[%get3A_9, %get3A_10] : memref<1000x8xf32, #tpu.memory_space<vmem>>, vector<1000x8xf32>
    %get3A_12 = arith.constant 0 : index
    %get3A_13 = arith.constant 0 : index
    %get3A_14 = vector.load %arg3[%get3A_12, %get3A_13] : memref<8x128xf32, #tpu.memory_space<vmem>>, vector<8x128xf32>
    %dot_general3A = arith.constant dense<0.000000e+00> : vector<1000x128xf32>
    %dot_general3A_15 = tpu.matmul %get3A_11, %get3A_14, %dot_general3A {dimension_numbers = #tpu.dot_dimension_numbers<[1], [0], [0], [1], [0, 0, 1, 1], [], []>, transpose_lhs_hint = false} : vector<1000x8xf32>, vector<8x128xf32>, vector<1000x128xf32> -> vector<1000x128xf32>
    %get3A_16 = arith.constant 0 : index
    %get3A_17 = arith.constant 0 : index
    %get3A_18 = vector.load %arg4[%get3A_16, %get3A_17] : memref<128x128xf32, #tpu.memory_space<vmem>>, vector<128x128xf32>
    %dot_general3A_19 = arith.constant dense<0.000000e+00> : vector<1000x128xf32>
    %dot_general3A_20 = tpu.matmul %add3A, %get3A_18, %dot_general3A_19 {dimension_numbers = #tpu.dot_dimension_numbers<[1], [0], [0], [1], [0, 0, 1, 1], [], []>, transpose_lhs_hint = false} : vector<1000x128xf32>, vector<128x128xf32>, vector<1000x128xf32> -> vector<1000x128xf32>
    %add3A_21 = arith.addf %dot_general3A_15, %dot_general3A_20 : vector<1000x128xf32>
    %get3A_22 = arith.constant 0 : index
    %get3A_23 = arith.constant 0 : index
    %get3A_24 = vector.load %arg5[%get3A_22, %get3A_23] : memref<1x128xf32, #tpu.memory_space<vmem>>, vector<1x128xf32>
    %add3A_25 = vector.broadcast %get3A_24 : vector<1x128xf32> to vector<1000x128xf32>
    %add3A_26 = arith.addf %add3A_21, %add3A_25 : vector<1000x128xf32>
    %max3A = arith.constant 0.000000e+00 : f32
    %max3A_27 = vector.broadcast %max3A : f32 to vector<1000x128xf32>
    %max3A_28 = arith.maximumf %add3A_26, %max3A_27 : vector<1000x128xf32>
    %get3A_29 = arith.constant 0 : index
    %get3A_30 = arith.constant 0 : index
    %get3A_31 = vector.load %arg6[%get3A_29, %get3A_30] : memref<128x128xf32, #tpu.memory_space<vmem>>, vector<128x128xf32>
    %dot_general3A_32 = arith.constant dense<0.000000e+00> : vector<1000x128xf32>
    %dot_general3A_33 = tpu.matmul %max3A_28, %get3A_31, %dot_general3A_32 {dimension_numbers = #tpu.dot_dimension_numbers<[1], [0], [0], [1], [0, 0, 1, 1], [], []>, transpose_lhs_hint = false} : vector<1000x128xf32>, vector<128x128xf32>, vector<1000x128xf32> -> vector<1000x128xf32>
    %get3A_34 = arith.constant 0 : index
    %get3A_35 = arith.constant 0 : index
    %get3A_36 = vector.load %arg7[%get3A_34, %get3A_35] : memref<1x128xf32, #tpu.memory_space<vmem>>, vector<1x128xf32>
    %add3A_37 = vector.broadcast %get3A_36 : vector<1x128xf32> to vector<1000x128xf32>
    %add3A_38 = arith.addf %dot_general3A_33, %add3A_37 : vector<1000x128xf32>
    %max3A_39 = arith.constant 0.000000e+00 : f32
    %max3A_40 = vector.broadcast %max3A_39 : f32 to vector<1000x128xf32>
    %max3A_41 = arith.maximumf %add3A_38, %max3A_40 : vector<1000x128xf32>
    %get3A_42 = arith.constant 0 : index
    %get3A_43 = arith.constant 0 : index
    %get3A_44 = vector.load %arg8[%get3A_42, %get3A_43] : memref<128x128xf32, #tpu.memory_space<vmem>>, vector<128x128xf32>
    %dot_general3A_45 = arith.constant dense<0.000000e+00> : vector<1000x128xf32>
    %dot_general3A_46 = tpu.matmul %max3A_41, %get3A_44, %dot_general3A_45 {dimension_numbers = #tpu.dot_dimension_numbers<[1], [0], [0], [1], [0, 0, 1, 1], [], []>, transpose_lhs_hint = false} : vector<1000x128xf32>, vector<128x128xf32>, vector<1000x128xf32> -> vector<1000x128xf32>
    %get3A_47 = arith.constant 0 : index
    %get3A_48 = arith.constant 0 : index
    %get3A_49 = vector.load %arg9[%get3A_47, %get3A_48] : memref<1x128xf32, #tpu.memory_space<vmem>>, vector<1x128xf32>
    %add3A_50 = vector.broadcast %get3A_49 : vector<1x128xf32> to vector<1000x128xf32>
    %add3A_51 = arith.addf %dot_general3A_46, %add3A_50 : vector<1000x128xf32>
    %swap3A = arith.constant 0 : index
    %swap3A_52 = arith.constant 0 : index
    %swap3A_53 = vector.load %arg13[%swap3A, %swap3A_52] : memref<1000x128xf32, #tpu.memory_space<vmem>>, vector<1000x128xf32>
    tpu.vector_store %arg13[%swap3A, %swap3A_52], %add3A_51 {strides = array<i32>} : memref<1000x128xf32, #tpu.memory_space<vmem>>, vector<1000x128xf32>,
    %get3A_54 = arith.constant 0 : index
    %get3A_55 = arith.constant 0 : index
    %get3A_56 = vector.load %arg10[%get3A_54, %get3A_55] : memref<128x128xf32, #tpu.memory_space<vmem>>, vector<128x128xf32>
    %dot_general3A_57 = arith.constant dense<0.000000e+00> : vector<1000x128xf32>
    %dot_general3A_58 = tpu.matmul %add3A_51, %get3A_56, %dot_general3A_57 {dimension_numbers = #tpu.dot_dimension_numbers<[1], [0], [0], [1], [0, 0, 1, 1], [], []>, transpose_lhs_hint = false} : vector<1000x128xf32>, vector<128x128xf32>, vector<1000x128xf32> -> vector<1000x128xf32>
    %swap3A_59 = arith.constant 0 : index
    %swap3A_60 = arith.constant 0 : index
    %swap3A_61 = vector.load %arg14[%swap3A_59, %swap3A_60] : memref<1000x256xf32, #tpu.memory_space<vmem>>, vector<1000x128xf32>
    tpu.vector_store %arg14[%swap3A_59, %swap3A_60], %dot_general3A_58 {strides = array<i32>} : memref<1000x256xf32, #tpu.memory_space<vmem>>, vector<1000x128xf32>,
    %get3A_62 = arith.constant 0 : index
    %get3A_63 = arith.constant 0 : index
    %get3A_64 = vector.load %arg11[%get3A_62, %get3A_63] : memref<128x128xf32, #tpu.memory_space<vmem>>, vector<128x128xf32>
    %dot_general3A_65 = arith.constant dense<0.000000e+00> : vector<1000x128xf32>
    %dot_general3A_66 = tpu.matmul %add3A_51, %get3A_64, %dot_general3A_65 {dimension_numbers = #tpu.dot_dimension_numbers<[1], [0], [0], [1], [0, 0, 1, 1], [], []>, transpose_lhs_hint = false} : vector<1000x128xf32>, vector<128x128xf32>, vector<1000x128xf32> -> vector<1000x128xf32>
    %swap3A_67 = arith.constant 0 : index
    %swap3A_68 = arith.constant 128 : index
    %swap3A_69 = vector.load %arg14[%swap3A_67, %swap3A_68] : memref<1000x256xf32, #tpu.memory_space<vmem>>, vector<1000x128xf32>
    tpu.vector_store %arg14[%swap3A_67, %swap3A_68], %dot_general3A_66 {strides = array<i32>} : memref<1000x256xf32, #tpu.memory_space<vmem>>, vector<1000x128xf32>,
    %get3A_70 = arith.constant 0 : index
    %get3A_71 = arith.constant 0 : index
    %get3A_72 = vector.load %arg12[%get3A_70, %get3A_71] : memref<128x128xf32, #tpu.memory_space<vmem>>, vector<128x128xf32>
    %dot_general3A_73 = arith.constant dense<0.000000e+00> : vector<1000x128xf32>
    %dot_general3A_74 = tpu.matmul %add3A_51, %get3A_72, %dot_general3A_73 {dimension_numbers = #tpu.dot_dimension_numbers<[1], [0], [0], [1], [0, 0, 1, 1], [], []>, transpose_lhs_hint = false} : vector<1000x128xf32>, vector<128x128xf32>, vector<1000x128xf32> -> vector<1000x128xf32>
    %swap3A_75 = arith.constant 0 : index
    %swap3A_76 = arith.constant 0 : index
    %swap3A_77 = vector.load %arg15[%swap3A_75, %swap3A_76] : memref<1000x128xf32, #tpu.memory_space<vmem>>, vector<1000x128xf32>
    tpu.vector_store %arg15[%swap3A_75, %swap3A_76], %dot_general3A_74 {strides = array<i32>} : memref<1000x128xf32, #tpu.memory_space<vmem>>, vector<1000x128xf32>,
    return
  }
  func.func @transform_0(%arg0: i32) -> (i32, i32) {
    %c0_i32 = arith.constant 0 : i32
    %c0_i32_0 = arith.constant 0 : i32
    return %arg0, %c0_i32 : i32, i32
  }
  func.func @transform_1(%arg0: i32) -> (i32, i32, i32) {
    %c0_i32 = arith.constant 0 : i32
    %c0_i32_0 = arith.constant 0 : i32
    %c0_i32_1 = arith.constant 0 : i32
    return %c0_i32, %arg0, %c0_i32_0 : i32, i32, i32
  }
  func.func @transform_2(%arg0: i32) -> (i32, i32) {
    %c0_i32 = arith.constant 0 : i32
    %c0_i32_0 = arith.constant 0 : i32
    %c0_i32_1 = arith.constant 0 : i32
    return %c0_i32, %c0_i32_0 : i32, i32
  }
  func.func @transform_3(%arg0: i32) -> (i32, i32) {
    %c0_i32 = arith.constant 0 : i32
    %c0_i32_0 = arith.constant 0 : i32
    %c0_i32_1 = arith.constant 0 : i32
    return %c0_i32, %c0_i32_0 : i32, i32
  }
  func.func @transform_4(%arg0: i32) -> (i32, i32) {
    %c0_i32 = arith.constant 0 : i32
    %c0_i32_0 = arith.constant 0 : i32
    %c0_i32_1 = arith.constant 0 : i32
    return %c0_i32, %c0_i32_0 : i32, i32
  }
  func.func @transform_5(%arg0: i32) -> (i32, i32) {
    %c0_i32 = arith.constant 0 : i32
    %c0_i32_0 = arith.constant 0 : i32
    %c0_i32_1 = arith.constant 0 : i32
    return %c0_i32, %c0_i32_0 : i32, i32
  }
  func.func @transform_6(%arg0: i32) -> (i32, i32) {
    %c0_i32 = arith.constant 0 : i32
    %c0_i32_0 = arith.constant 0 : i32
    %c0_i32_1 = arith.constant 0 : i32
    return %c0_i32, %c0_i32_0 : i32, i32
  }
  func.func @transform_7(%arg0: i32) -> (i32, i32) {
    %c0_i32 = arith.constant 0 : i32
    %c0_i32_0 = arith.constant 0 : i32
    %c0_i32_1 = arith.constant 0 : i32
    return %c0_i32, %c0_i32_0 : i32, i32
  }
  func.func @transform_8(%arg0: i32) -> (i32, i32) {
    %c0_i32 = arith.constant 0 : i32
    %c0_i32_0 = arith.constant 0 : i32
    %c0_i32_1 = arith.constant 0 : i32
    return %c0_i32, %c0_i32_0 : i32, i32
  }
  func.func @transform_9(%arg0: i32) -> (i32, i32) {
    %c0_i32 = arith.constant 0 : i32
    %c0_i32_0 = arith.constant 0 : i32
    %c0_i32_1 = arith.constant 0 : i32
    return %c0_i32, %c0_i32_0 : i32, i32
  }
  func.func @transform_10(%arg0: i32) -> (i32, i32) {
    %c0_i32 = arith.constant 0 : i32
    %c0_i32_0 = arith.constant 0 : i32
    %c0_i32_1 = arith.constant 0 : i32
    return %c0_i32, %c0_i32_0 : i32, i32
  }
  func.func @transform_11(%arg0: i32) -> (i32, i32) {
    %c0_i32 = arith.constant 0 : i32
    %c0_i32_0 = arith.constant 0 : i32
    %c0_i32_1 = arith.constant 0 : i32
    return %c0_i32, %c0_i32_0 : i32, i32
  }
  func.func @transform_12(%arg0: i32) -> (i32, i32) {
    %c0_i32 = arith.constant 0 : i32
    %c0_i32_0 = arith.constant 0 : i32
    return %arg0, %c0_i32 : i32, i32
  }
  func.func @transform_13(%arg0: i32) -> (i32, i32) {
    %c0_i32 = arith.constant 0 : i32
    %c0_i32_0 = arith.constant 0 : i32
    return %arg0, %c0_i32 : i32, i32
  }
  func.func @transform_14(%arg0: i32) -> (i32, i32) {
    %c0_i32 = arith.constant 0 : i32
    %c0_i32_0 = arith.constant 0 : i32
    return %arg0, %c0_i32 : i32, i32
  }
}

module attributes {stable_mosaic.version = 14 : i64} {
  func.func @body(%arg0: i32, %arg1: memref<2000x256xf32, #tpu.memory_space<vmem>>, %arg2: memref<2000x128xf32, #tpu.memory_space<vmem>>, %arg3: memref<2000x128xf32, #tpu.memory_space<vmem>>, %arg4: memref<128x128xf32, #tpu.memory_space<vmem>>, %arg5: memref<1x128xf32, #tpu.memory_space<vmem>>, %arg6: memref<128x128xf32, #tpu.memory_space<vmem>>, %arg7: memref<1x128xf32, #tpu.memory_space<vmem>>, %arg8: memref<128x128xf32, #tpu.memory_space<vmem>>, %arg9: memref<1x128xf32, #tpu.memory_space<vmem>>, %arg10: memref<128x128xf32, #tpu.memory_space<vmem>>, %arg11: memref<1x128xf32, #tpu.memory_space<vmem>>, %arg12: memref<128x128xf32, #tpu.memory_space<vmem>>, %arg13: memref<1x128xf32, #tpu.memory_space<vmem>>, %arg14: memref<2000x128xf32, #tpu.memory_space<vmem>>, %arg15: memref<2000x128xf32, #tpu.memory_space<vmem>>) attributes {dimension_semantics = [#tpu.dimension_semantics<arbitrary>], iteration_bounds = array<i64: 80>, scalar_prefetch = 0 : i64, scratch_operands = 0 : i64, tpu.core_type = #tpu.core_type<tc>, window_params = [{transform_indices = @transform_0, window_bounds = array<i64: 2000, 256>}, {transform_indices = @transform_1, window_bounds = array<i64: 2000, 128>}, {transform_indices = @transform_2, window_bounds = array<i64: 2000, 128>}, {pipeline_mode = #tpu.pipeline_mode<synchronous>, transform_indices = @transform_3, window_bounds = array<i64: 128, 128>}, {pipeline_mode = #tpu.pipeline_mode<synchronous>, transform_indices = @transform_4, window_bounds = array<i64: 1, 128>}, {pipeline_mode = #tpu.pipeline_mode<synchronous>, transform_indices = @transform_5, window_bounds = array<i64: 128, 128>}, {pipeline_mode = #tpu.pipeline_mode<synchronous>, transform_indices = @transform_6, window_bounds = array<i64: 1, 128>}, {pipeline_mode = #tpu.pipeline_mode<synchronous>, transform_indices = @transform_7, window_bounds = array<i64: 128, 128>}, {pipeline_mode = #tpu.pipeline_mode<synchronous>, transform_indices = @transform_8, window_bounds = array<i64: 1, 128>}, {pipeline_mode = #tpu.pipeline_mode<synchronous>, transform_indices = @transform_9, window_bounds = array<i64: 128, 128>}, {pipeline_mode = #tpu.pipeline_mode<synchronous>, transform_indices = @transform_10, window_bounds = array<i64: 1, 128>}, {pipeline_mode = #tpu.pipeline_mode<synchronous>, transform_indices = @transform_11, window_bounds = array<i64: 128, 128>}, {pipeline_mode = #tpu.pipeline_mode<synchronous>, transform_indices = @transform_12, window_bounds = array<i64: 1, 128>}, {transform_indices = @transform_13, window_bounds = array<i64: 2000, 128>}, {transform_indices = @transform_14, window_bounds = array<i64: 2000, 128>}]} {
    %get3A = arith.constant 0 : index
    %get3A_0 = arith.constant 0 : index
    %get3A_1 = vector.load %arg1[%get3A, %get3A_0] : memref<2000x256xf32, #tpu.memory_space<vmem>>, vector<2000x256xf32>
    %get3A_2 = arith.constant 0 : index
    %get3A_3 = arith.constant 0 : index
    %get3A_4 = vector.load %arg3[%get3A_2, %get3A_3] : memref<2000x128xf32, #tpu.memory_space<vmem>>, vector<2000x128xf32>
    %get3A_5 = arith.constant 0 : index
    %get3A_6 = arith.constant 0 : index
    %get3A_7 = vector.load %arg4[%get3A_5, %get3A_6] : memref<128x128xf32, #tpu.memory_space<vmem>>, vector<128x128xf32>
    %dot_general3A = arith.constant dense<0.000000e+00> : vector<2000x128xf32>
    %dot_general3A_8 = tpu.matmul %get3A_4, %get3A_7, %dot_general3A {dimension_numbers = #tpu.dot_dimension_numbers<[1], [0], [0], [1], [0, 0, 1, 1], [], []>, transpose_lhs_hint = false} : vector<2000x128xf32>, vector<128x128xf32>, vector<2000x128xf32> -> vector<2000x128xf32>
    %slice3A = vector.extract_strided_slice %get3A_1 {offsets = [0, 0], sizes = [2000, 128], strides = [1, 1]} : vector<2000x256xf32> to vector<2000x128xf32>
    %get3A_9 = arith.constant 0 : index
    %get3A_10 = arith.constant 0 : index
    %get3A_11 = vector.load %arg2[%get3A_9, %get3A_10] : memref<2000x128xf32, #tpu.memory_space<vmem>>, vector<2000x128xf32>
    %add3A = arith.addf %slice3A, %get3A_11 : vector<2000x128xf32>
    %add3A_12 = arith.addf %add3A, %dot_general3A_8 : vector<2000x128xf32>
    %get3A_13 = arith.constant 0 : index
    %get3A_14 = arith.constant 0 : index
    %get3A_15 = vector.load %arg5[%get3A_13, %get3A_14] : memref<1x128xf32, #tpu.memory_space<vmem>>, vector<1x128xf32>
    %add3A_16 = vector.broadcast %get3A_15 : vector<1x128xf32> to vector<2000x128xf32>
    %add3A_17 = arith.addf %add3A_12, %add3A_16 : vector<2000x128xf32>
    %max3A = arith.constant 0.000000e+00 : f32
    %max3A_18 = vector.broadcast %max3A : f32 to vector<2000x128xf32>
    %max3A_19 = arith.maximumf %add3A_17, %max3A_18 : vector<2000x128xf32>
    %get3A_20 = arith.constant 0 : index
    %get3A_21 = arith.constant 0 : index
    %get3A_22 = vector.load %arg6[%get3A_20, %get3A_21] : memref<128x128xf32, #tpu.memory_space<vmem>>, vector<128x128xf32>
    %dot_general3A_23 = arith.constant dense<0.000000e+00> : vector<2000x128xf32>
    %dot_general3A_24 = tpu.matmul %max3A_19, %get3A_22, %dot_general3A_23 {dimension_numbers = #tpu.dot_dimension_numbers<[1], [0], [0], [1], [0, 0, 1, 1], [], []>, transpose_lhs_hint = false} : vector<2000x128xf32>, vector<128x128xf32>, vector<2000x128xf32> -> vector<2000x128xf32>
    %get3A_25 = arith.constant 0 : index
    %get3A_26 = arith.constant 0 : index
    %get3A_27 = vector.load %arg7[%get3A_25, %get3A_26] : memref<1x128xf32, #tpu.memory_space<vmem>>, vector<1x128xf32>
    %add3A_28 = vector.broadcast %get3A_27 : vector<1x128xf32> to vector<2000x128xf32>
    %add3A_29 = arith.addf %dot_general3A_24, %add3A_28 : vector<2000x128xf32>
    %swap3A = arith.constant 0 : index
    %swap3A_30 = arith.constant 0 : index
    %swap3A_31 = vector.load %arg14[%swap3A, %swap3A_30] : memref<2000x128xf32, #tpu.memory_space<vmem>>, vector<2000x128xf32>
    tpu.vector_store %arg14[%swap3A, %swap3A_30], %add3A_29 {strides = array<i32>} : memref<2000x128xf32, #tpu.memory_space<vmem>>, vector<2000x128xf32>,
    %slice3A_32 = vector.extract_strided_slice %get3A_1 {offsets = [0, 128], sizes = [2000, 128], strides = [1, 1]} : vector<2000x256xf32> to vector<2000x128xf32>
    %get3A_33 = arith.constant 0 : index
    %get3A_34 = arith.constant 0 : index
    %get3A_35 = vector.load %arg8[%get3A_33, %get3A_34] : memref<128x128xf32, #tpu.memory_space<vmem>>, vector<128x128xf32>
    %dot_general3A_36 = arith.constant dense<0.000000e+00> : vector<2000x128xf32>
    %dot_general3A_37 = tpu.matmul %add3A_29, %get3A_35, %dot_general3A_36 {dimension_numbers = #tpu.dot_dimension_numbers<[1], [0], [0], [1], [0, 0, 1, 1], [], []>, transpose_lhs_hint = false} : vector<2000x128xf32>, vector<128x128xf32>, vector<2000x128xf32> -> vector<2000x128xf32>
    %add3A_38 = arith.addf %slice3A_32, %dot_general3A_37 : vector<2000x128xf32>
    %get3A_39 = arith.constant 0 : index
    %get3A_40 = arith.constant 0 : index
    %get3A_41 = vector.load %arg9[%get3A_39, %get3A_40] : memref<1x128xf32, #tpu.memory_space<vmem>>, vector<1x128xf32>
    %add3A_42 = vector.broadcast %get3A_41 : vector<1x128xf32> to vector<2000x128xf32>
    %add3A_43 = arith.addf %add3A_38, %add3A_42 : vector<2000x128xf32>
    %max3A_44 = arith.constant 0.000000e+00 : f32
    %max3A_45 = vector.broadcast %max3A_44 : f32 to vector<2000x128xf32>
    %max3A_46 = arith.maximumf %add3A_43, %max3A_45 : vector<2000x128xf32>
    %get3A_47 = arith.constant 0 : index
    %get3A_48 = arith.constant 0 : index
    %get3A_49 = vector.load %arg10[%get3A_47, %get3A_48] : memref<128x128xf32, #tpu.memory_space<vmem>>, vector<128x128xf32>
    %dot_general3A_50 = arith.constant dense<0.000000e+00> : vector<2000x128xf32>
    %dot_general3A_51 = tpu.matmul %max3A_46, %get3A_49, %dot_general3A_50 {dimension_numbers = #tpu.dot_dimension_numbers<[1], [0], [0], [1], [0, 0, 1, 1], [], []>, transpose_lhs_hint = false} : vector<2000x128xf32>, vector<128x128xf32>, vector<2000x128xf32> -> vector<2000x128xf32>
    %get3A_52 = arith.constant 0 : index
    %get3A_53 = arith.constant 0 : index
    %get3A_54 = vector.load %arg11[%get3A_52, %get3A_53] : memref<1x128xf32, #tpu.memory_space<vmem>>, vector<1x128xf32>
    %add3A_55 = vector.broadcast %get3A_54 : vector<1x128xf32> to vector<2000x128xf32>
    %add3A_56 = arith.addf %dot_general3A_51, %add3A_55 : vector<2000x128xf32>
    %max3A_57 = arith.constant 0.000000e+00 : f32
    %max3A_58 = vector.broadcast %max3A_57 : f32 to vector<2000x128xf32>
    %max3A_59 = arith.maximumf %add3A_56, %max3A_58 : vector<2000x128xf32>
    %get3A_60 = arith.constant 0 : index
    %get3A_61 = arith.constant 0 : index
    %get3A_62 = vector.load %arg12[%get3A_60, %get3A_61] : memref<128x128xf32, #tpu.memory_space<vmem>>, vector<128x128xf32>
    %dot_general3A_63 = arith.constant dense<0.000000e+00> : vector<2000x128xf32>
    %dot_general3A_64 = tpu.matmul %max3A_59, %get3A_62, %dot_general3A_63 {dimension_numbers = #tpu.dot_dimension_numbers<[1], [0], [0], [1], [0, 0, 1, 1], [], []>, transpose_lhs_hint = false} : vector<2000x128xf32>, vector<128x128xf32>, vector<2000x128xf32> -> vector<2000x128xf32>
    %get3A_65 = arith.constant 0 : index
    %get3A_66 = arith.constant 0 : index
    %get3A_67 = vector.load %arg13[%get3A_65, %get3A_66] : memref<1x128xf32, #tpu.memory_space<vmem>>, vector<1x128xf32>
    %add3A_68 = vector.broadcast %get3A_67 : vector<1x128xf32> to vector<2000x128xf32>
    %add3A_69 = arith.addf %dot_general3A_64, %add3A_68 : vector<2000x128xf32>
    %swap3A_70 = arith.constant 0 : index
    %swap3A_71 = arith.constant 0 : index
    %swap3A_72 = vector.load %arg15[%swap3A_70, %swap3A_71] : memref<2000x128xf32, #tpu.memory_space<vmem>>, vector<2000x128xf32>
    tpu.vector_store %arg15[%swap3A_70, %swap3A_71], %add3A_69 {strides = array<i32>} : memref<2000x128xf32, #tpu.memory_space<vmem>>, vector<2000x128xf32>,
    return
  }
  func.func @transform_0(%arg0: i32) -> (i32, i32) {
    %c0_i32 = arith.constant 0 : i32
    %c0_i32_0 = arith.constant 0 : i32
    return %arg0, %c0_i32 : i32, i32
  }
  func.func @transform_1(%arg0: i32) -> (i32, i32) {
    %c0_i32 = arith.constant 0 : i32
    %c0_i32_0 = arith.constant 0 : i32
    return %arg0, %c0_i32 : i32, i32
  }
  func.func @transform_2(%arg0: i32) -> (i32, i32) {
    %c0_i32 = arith.constant 0 : i32
    %c0_i32_0 = arith.constant 0 : i32
    return %arg0, %c0_i32 : i32, i32
  }
  func.func @transform_3(%arg0: i32) -> (i32, i32) {
    %c0_i32 = arith.constant 0 : i32
    %c0_i32_0 = arith.constant 0 : i32
    %c0_i32_1 = arith.constant 0 : i32
    return %c0_i32, %c0_i32_0 : i32, i32
  }
  func.func @transform_4(%arg0: i32) -> (i32, i32) {
    %c0_i32 = arith.constant 0 : i32
    %c0_i32_0 = arith.constant 0 : i32
    %c0_i32_1 = arith.constant 0 : i32
    return %c0_i32, %c0_i32_0 : i32, i32
  }
  func.func @transform_5(%arg0: i32) -> (i32, i32) {
    %c0_i32 = arith.constant 0 : i32
    %c0_i32_0 = arith.constant 0 : i32
    %c0_i32_1 = arith.constant 0 : i32
    return %c0_i32, %c0_i32_0 : i32, i32
  }
  func.func @transform_6(%arg0: i32) -> (i32, i32) {
    %c0_i32 = arith.constant 0 : i32
    %c0_i32_0 = arith.constant 0 : i32
    %c0_i32_1 = arith.constant 0 : i32
    return %c0_i32, %c0_i32_0 : i32, i32
  }
  func.func @transform_7(%arg0: i32) -> (i32, i32) {
    %c0_i32 = arith.constant 0 : i32
    %c0_i32_0 = arith.constant 0 : i32
    %c0_i32_1 = arith.constant 0 : i32
    return %c0_i32, %c0_i32_0 : i32, i32
  }
  func.func @transform_8(%arg0: i32) -> (i32, i32) {
    %c0_i32 = arith.constant 0 : i32
    %c0_i32_0 = arith.constant 0 : i32
    %c0_i32_1 = arith.constant 0 : i32
    return %c0_i32, %c0_i32_0 : i32, i32
  }
  func.func @transform_9(%arg0: i32) -> (i32, i32) {
    %c0_i32 = arith.constant 0 : i32
    %c0_i32_0 = arith.constant 0 : i32
    %c0_i32_1 = arith.constant 0 : i32
    return %c0_i32, %c0_i32_0 : i32, i32
  }
  func.func @transform_10(%arg0: i32) -> (i32, i32) {
    %c0_i32 = arith.constant 0 : i32
    %c0_i32_0 = arith.constant 0 : i32
    %c0_i32_1 = arith.constant 0 : i32
    return %c0_i32, %c0_i32_0 : i32, i32
  }
  func.func @transform_11(%arg0: i32) -> (i32, i32) {
    %c0_i32 = arith.constant 0 : i32
    %c0_i32_0 = arith.constant 0 : i32
    %c0_i32_1 = arith.constant 0 : i32
    return %c0_i32, %c0_i32_0 : i32, i32
  }
  func.func @transform_12(%arg0: i32) -> (i32, i32) {
    %c0_i32 = arith.constant 0 : i32
    %c0_i32_0 = arith.constant 0 : i32
    %c0_i32_1 = arith.constant 0 : i32
    return %c0_i32, %c0_i32_0 : i32, i32
  }
  func.func @transform_13(%arg0: i32) -> (i32, i32) {
    %c0_i32 = arith.constant 0 : i32
    %c0_i32_0 = arith.constant 0 : i32
    return %arg0, %c0_i32 : i32, i32
  }
  func.func @transform_14(%arg0: i32) -> (i32, i32) {
    %c0_i32 = arith.constant 0 : i32
    %c0_i32_0 = arith.constant 0 : i32
    return %arg0, %c0_i32 : i32, i32
  }
}

module attributes {stable_mosaic.version = 14 : i64} {
  func.func @body(%arg0: i32, %arg1: memref<1000x128xf32, #tpu.memory_space<vmem>>, %arg2: memref<2x1000x128xf32, #tpu.memory_space<vmem>>, %arg3: memref<128x128xf32, #tpu.memory_space<vmem>>, %arg4: memref<128x128xf32, #tpu.memory_space<vmem>>, %arg5: memref<1x128xf32, #tpu.memory_space<vmem>>, %arg6: memref<128x128xf32, #tpu.memory_space<vmem>>, %arg7: memref<1x128xf32, #tpu.memory_space<vmem>>, %arg8: memref<128x128xf32, #tpu.memory_space<vmem>>, %arg9: memref<1x128xf32, #tpu.memory_space<vmem>>, %arg10: memref<128x128xf32, #tpu.memory_space<vmem>>, %arg11: memref<128x128xf32, #tpu.memory_space<vmem>>, %arg12: memref<128x128xf32, #tpu.memory_space<vmem>>, %arg13: memref<1000x128xf32, #tpu.memory_space<vmem>>, %arg14: memref<1000x256xf32, #tpu.memory_space<vmem>>, %arg15: memref<1000x128xf32, #tpu.memory_space<vmem>>) attributes {dimension_semantics = [#tpu.dimension_semantics<arbitrary>], iteration_bounds = array<i64: 10>, scalar_prefetch = 0 : i64, scratch_operands = 0 : i64, tpu.core_type = #tpu.core_type<tc>, window_params = [{transform_indices = @transform_0, window_bounds = array<i64: 1000, 128>}, {transform_indices = @transform_1, window_bounds = array<i64: 2, 1000, 128>}, {pipeline_mode = #tpu.pipeline_mode<synchronous>, transform_indices = @transform_2, window_bounds = array<i64: 128, 128>}, {pipeline_mode = #tpu.pipeline_mode<synchronous>, transform_indices = @transform_3, window_bounds = array<i64: 128, 128>}, {pipeline_mode = #tpu.pipeline_mode<synchronous>, transform_indices = @transform_4, window_bounds = array<i64: 1, 128>}, {pipeline_mode = #tpu.pipeline_mode<synchronous>, transform_indices = @transform_5, window_bounds = array<i64: 128, 128>}, {pipeline_mode = #tpu.pipeline_mode<synchronous>, transform_indices = @transform_6, window_bounds = array<i64: 1, 128>}, {pipeline_mode = #tpu.pipeline_mode<synchronous>, transform_indices = @transform_7, window_bounds = array<i64: 128, 128>}, {pipeline_mode = #tpu.pipeline_mode<synchronous>, transform_indices = @transform_8, window_bounds = array<i64: 1, 128>}, {pipeline_mode = #tpu.pipeline_mode<synchronous>, transform_indices = @transform_9, window_bounds = array<i64: 128, 128>}, {pipeline_mode = #tpu.pipeline_mode<synchronous>, transform_indices = @transform_10, window_bounds = array<i64: 128, 128>}, {pipeline_mode = #tpu.pipeline_mode<synchronous>, transform_indices = @transform_11, window_bounds = array<i64: 128, 128>}, {transform_indices = @transform_12, window_bounds = array<i64: 1000, 128>}, {transform_indices = @transform_13, window_bounds = array<i64: 1000, 256>}, {transform_indices = @transform_14, window_bounds = array<i64: 1000, 128>}]} {
    %get3A = arith.constant 0 : index
    %get3A_0 = arith.constant 0 : index
    %get3A_1 = arith.constant 0 : index
    %get3A_2 = vector.load %arg2[%get3A, %get3A_0, %get3A_1] : memref<2x1000x128xf32, #tpu.memory_space<vmem>>, vector<1x1000x128xf32>
    %get3A_3 = vector.shape_cast %get3A_2 : vector<1x1000x128xf32> to vector<1000x128xf32>
    %get3A_4 = arith.constant 1 : index
    %get3A_5 = arith.constant 0 : index
    %get3A_6 = arith.constant 0 : index
    %get3A_7 = vector.load %arg2[%get3A_4, %get3A_5, %get3A_6] : memref<2x1000x128xf32, #tpu.memory_space<vmem>>, vector<1x1000x128xf32>
    %get3A_8 = vector.shape_cast %get3A_7 : vector<1x1000x128xf32> to vector<1000x128xf32>
    %add3A = arith.addf %get3A_3, %get3A_8 : vector<1000x128xf32>
    %get3A_9 = arith.constant 0 : index
    %get3A_10 = arith.constant 0 : index
    %get3A_11 = vector.load %arg1[%get3A_9, %get3A_10] : memref<1000x128xf32, #tpu.memory_space<vmem>>, vector<1000x128xf32>
    %get3A_12 = arith.constant 0 : index
    %get3A_13 = arith.constant 0 : index
    %get3A_14 = vector.load %arg3[%get3A_12, %get3A_13] : memref<128x128xf32, #tpu.memory_space<vmem>>, vector<128x128xf32>
    %dot_general3A = arith.constant dense<0.000000e+00> : vector<1000x128xf32>
    %dot_general3A_15 = tpu.matmul %get3A_11, %get3A_14, %dot_general3A {dimension_numbers = #tpu.dot_dimension_numbers<[1], [0], [0], [1], [0, 0, 1, 1], [], []>, transpose_lhs_hint = false} : vector<1000x128xf32>, vector<128x128xf32>, vector<1000x128xf32> -> vector<1000x128xf32>
    %get3A_16 = arith.constant 0 : index
    %get3A_17 = arith.constant 0 : index
    %get3A_18 = vector.load %arg4[%get3A_16, %get3A_17] : memref<128x128xf32, #tpu.memory_space<vmem>>, vector<128x128xf32>
    %dot_general3A_19 = arith.constant dense<0.000000e+00> : vector<1000x128xf32>
    %dot_general3A_20 = tpu.matmul %add3A, %get3A_18, %dot_general3A_19 {dimension_numbers = #tpu.dot_dimension_numbers<[1], [0], [0], [1], [0, 0, 1, 1], [], []>, transpose_lhs_hint = false} : vector<1000x128xf32>, vector<128x128xf32>, vector<1000x128xf32> -> vector<1000x128xf32>
    %add3A_21 = arith.addf %dot_general3A_15, %dot_general3A_20 : vector<1000x128xf32>
    %get3A_22 = arith.constant 0 : index
    %get3A_23 = arith.constant 0 : index
    %get3A_24 = vector.load %arg5[%get3A_22, %get3A_23] : memref<1x128xf32, #tpu.memory_space<vmem>>, vector<1x128xf32>
    %add3A_25 = vector.broadcast %get3A_24 : vector<1x128xf32> to vector<1000x128xf32>
    %add3A_26 = arith.addf %add3A_21, %add3A_25 : vector<1000x128xf32>
    %max3A = arith.constant 0.000000e+00 : f32
    %max3A_27 = vector.broadcast %max3A : f32 to vector<1000x128xf32>
    %max3A_28 = arith.maximumf %add3A_26, %max3A_27 : vector<1000x128xf32>
    %get3A_29 = arith.constant 0 : index
    %get3A_30 = arith.constant 0 : index
    %get3A_31 = vector.load %arg6[%get3A_29, %get3A_30] : memref<128x128xf32, #tpu.memory_space<vmem>>, vector<128x128xf32>
    %dot_general3A_32 = arith.constant dense<0.000000e+00> : vector<1000x128xf32>
    %dot_general3A_33 = tpu.matmul %max3A_28, %get3A_31, %dot_general3A_32 {dimension_numbers = #tpu.dot_dimension_numbers<[1], [0], [0], [1], [0, 0, 1, 1], [], []>, transpose_lhs_hint = false} : vector<1000x128xf32>, vector<128x128xf32>, vector<1000x128xf32> -> vector<1000x128xf32>
    %get3A_34 = arith.constant 0 : index
    %get3A_35 = arith.constant 0 : index
    %get3A_36 = vector.load %arg7[%get3A_34, %get3A_35] : memref<1x128xf32, #tpu.memory_space<vmem>>, vector<1x128xf32>
    %add3A_37 = vector.broadcast %get3A_36 : vector<1x128xf32> to vector<1000x128xf32>
    %add3A_38 = arith.addf %dot_general3A_33, %add3A_37 : vector<1000x128xf32>
    %max3A_39 = arith.constant 0.000000e+00 : f32
    %max3A_40 = vector.broadcast %max3A_39 : f32 to vector<1000x128xf32>
    %max3A_41 = arith.maximumf %add3A_38, %max3A_40 : vector<1000x128xf32>
    %get3A_42 = arith.constant 0 : index
    %get3A_43 = arith.constant 0 : index
    %get3A_44 = vector.load %arg8[%get3A_42, %get3A_43] : memref<128x128xf32, #tpu.memory_space<vmem>>, vector<128x128xf32>
    %dot_general3A_45 = arith.constant dense<0.000000e+00> : vector<1000x128xf32>
    %dot_general3A_46 = tpu.matmul %max3A_41, %get3A_44, %dot_general3A_45 {dimension_numbers = #tpu.dot_dimension_numbers<[1], [0], [0], [1], [0, 0, 1, 1], [], []>, transpose_lhs_hint = false} : vector<1000x128xf32>, vector<128x128xf32>, vector<1000x128xf32> -> vector<1000x128xf32>
    %get3A_47 = arith.constant 0 : index
    %get3A_48 = arith.constant 0 : index
    %get3A_49 = vector.load %arg9[%get3A_47, %get3A_48] : memref<1x128xf32, #tpu.memory_space<vmem>>, vector<1x128xf32>
    %add3A_50 = vector.broadcast %get3A_49 : vector<1x128xf32> to vector<1000x128xf32>
    %add3A_51 = arith.addf %dot_general3A_46, %add3A_50 : vector<1000x128xf32>
    %swap3A = arith.constant 0 : index
    %swap3A_52 = arith.constant 0 : index
    %swap3A_53 = vector.load %arg13[%swap3A, %swap3A_52] : memref<1000x128xf32, #tpu.memory_space<vmem>>, vector<1000x128xf32>
    tpu.vector_store %arg13[%swap3A, %swap3A_52], %add3A_51 {strides = array<i32>} : memref<1000x128xf32, #tpu.memory_space<vmem>>, vector<1000x128xf32>,
    %get3A_54 = arith.constant 0 : index
    %get3A_55 = arith.constant 0 : index
    %get3A_56 = vector.load %arg10[%get3A_54, %get3A_55] : memref<128x128xf32, #tpu.memory_space<vmem>>, vector<128x128xf32>
    %dot_general3A_57 = arith.constant dense<0.000000e+00> : vector<1000x128xf32>
    %dot_general3A_58 = tpu.matmul %add3A_51, %get3A_56, %dot_general3A_57 {dimension_numbers = #tpu.dot_dimension_numbers<[1], [0], [0], [1], [0, 0, 1, 1], [], []>, transpose_lhs_hint = false} : vector<1000x128xf32>, vector<128x128xf32>, vector<1000x128xf32> -> vector<1000x128xf32>
    %swap3A_59 = arith.constant 0 : index
    %swap3A_60 = arith.constant 0 : index
    %swap3A_61 = vector.load %arg14[%swap3A_59, %swap3A_60] : memref<1000x256xf32, #tpu.memory_space<vmem>>, vector<1000x128xf32>
    tpu.vector_store %arg14[%swap3A_59, %swap3A_60], %dot_general3A_58 {strides = array<i32>} : memref<1000x256xf32, #tpu.memory_space<vmem>>, vector<1000x128xf32>,
    %get3A_62 = arith.constant 0 : index
    %get3A_63 = arith.constant 0 : index
    %get3A_64 = vector.load %arg11[%get3A_62, %get3A_63] : memref<128x128xf32, #tpu.memory_space<vmem>>, vector<128x128xf32>
    %dot_general3A_65 = arith.constant dense<0.000000e+00> : vector<1000x128xf32>
    %dot_general3A_66 = tpu.matmul %add3A_51, %get3A_64, %dot_general3A_65 {dimension_numbers = #tpu.dot_dimension_numbers<[1], [0], [0], [1], [0, 0, 1, 1], [], []>, transpose_lhs_hint = false} : vector<1000x128xf32>, vector<128x128xf32>, vector<1000x128xf32> -> vector<1000x128xf32>
    %swap3A_67 = arith.constant 0 : index
    %swap3A_68 = arith.constant 128 : index
    %swap3A_69 = vector.load %arg14[%swap3A_67, %swap3A_68] : memref<1000x256xf32, #tpu.memory_space<vmem>>, vector<1000x128xf32>
    tpu.vector_store %arg14[%swap3A_67, %swap3A_68], %dot_general3A_66 {strides = array<i32>} : memref<1000x256xf32, #tpu.memory_space<vmem>>, vector<1000x128xf32>,
    %get3A_70 = arith.constant 0 : index
    %get3A_71 = arith.constant 0 : index
    %get3A_72 = vector.load %arg12[%get3A_70, %get3A_71] : memref<128x128xf32, #tpu.memory_space<vmem>>, vector<128x128xf32>
    %dot_general3A_73 = arith.constant dense<0.000000e+00> : vector<1000x128xf32>
    %dot_general3A_74 = tpu.matmul %add3A_51, %get3A_72, %dot_general3A_73 {dimension_numbers = #tpu.dot_dimension_numbers<[1], [0], [0], [1], [0, 0, 1, 1], [], []>, transpose_lhs_hint = false} : vector<1000x128xf32>, vector<128x128xf32>, vector<1000x128xf32> -> vector<1000x128xf32>
    %swap3A_75 = arith.constant 0 : index
    %swap3A_76 = arith.constant 0 : index
    %swap3A_77 = vector.load %arg15[%swap3A_75, %swap3A_76] : memref<1000x128xf32, #tpu.memory_space<vmem>>, vector<1000x128xf32>
    tpu.vector_store %arg15[%swap3A_75, %swap3A_76], %dot_general3A_74 {strides = array<i32>} : memref<1000x128xf32, #tpu.memory_space<vmem>>, vector<1000x128xf32>,
    return
  }
  func.func @transform_0(%arg0: i32) -> (i32, i32) {
    %c0_i32 = arith.constant 0 : i32
    %c0_i32_0 = arith.constant 0 : i32
    return %arg0, %c0_i32 : i32, i32
  }
  func.func @transform_1(%arg0: i32) -> (i32, i32, i32) {
    %c0_i32 = arith.constant 0 : i32
    %c0_i32_0 = arith.constant 0 : i32
    %c0_i32_1 = arith.constant 0 : i32
    return %c0_i32, %arg0, %c0_i32_0 : i32, i32, i32
  }
  func.func @transform_2(%arg0: i32) -> (i32, i32) {
    %c0_i32 = arith.constant 0 : i32
    %c0_i32_0 = arith.constant 0 : i32
    %c0_i32_1 = arith.constant 0 : i32
    return %c0_i32, %c0_i32_0 : i32, i32
  }
  func.func @transform_3(%arg0: i32) -> (i32, i32) {
    %c0_i32 = arith.constant 0 : i32
    %c0_i32_0 = arith.constant 0 : i32
    %c0_i32_1 = arith.constant 0 : i32
    return %c0_i32, %c0_i32_0 : i32, i32
  }
  func.func @transform_4(%arg0: i32) -> (i32, i32) {
    %c0_i32 = arith.constant 0 : i32
    %c0_i32_0 = arith.constant 0 : i32
    %c0_i32_1 = arith.constant 0 : i32
    return %c0_i32, %c0_i32_0 : i32, i32
  }
  func.func @transform_5(%arg0: i32) -> (i32, i32) {
    %c0_i32 = arith.constant 0 : i32
    %c0_i32_0 = arith.constant 0 : i32
    %c0_i32_1 = arith.constant 0 : i32
    return %c0_i32, %c0_i32_0 : i32, i32
  }
  func.func @transform_6(%arg0: i32) -> (i32, i32) {
    %c0_i32 = arith.constant 0 : i32
    %c0_i32_0 = arith.constant 0 : i32
    %c0_i32_1 = arith.constant 0 : i32
    return %c0_i32, %c0_i32_0 : i32, i32
  }
  func.func @transform_7(%arg0: i32) -> (i32, i32) {
    %c0_i32 = arith.constant 0 : i32
    %c0_i32_0 = arith.constant 0 : i32
    %c0_i32_1 = arith.constant 0 : i32
    return %c0_i32, %c0_i32_0 : i32, i32
  }
  func.func @transform_8(%arg0: i32) -> (i32, i32) {
    %c0_i32 = arith.constant 0 : i32
    %c0_i32_0 = arith.constant 0 : i32
    %c0_i32_1 = arith.constant 0 : i32
    return %c0_i32, %c0_i32_0 : i32, i32
  }
  func.func @transform_9(%arg0: i32) -> (i32, i32) {
    %c0_i32 = arith.constant 0 : i32
    %c0_i32_0 = arith.constant 0 : i32
    %c0_i32_1 = arith.constant 0 : i32
    return %c0_i32, %c0_i32_0 : i32, i32
  }
  func.func @transform_10(%arg0: i32) -> (i32, i32) {
    %c0_i32 = arith.constant 0 : i32
    %c0_i32_0 = arith.constant 0 : i32
    %c0_i32_1 = arith.constant 0 : i32
    return %c0_i32, %c0_i32_0 : i32, i32
  }
  func.func @transform_11(%arg0: i32) -> (i32, i32) {
    %c0_i32 = arith.constant 0 : i32
    %c0_i32_0 = arith.constant 0 : i32
    %c0_i32_1 = arith.constant 0 : i32
    return %c0_i32, %c0_i32_0 : i32, i32
  }
  func.func @transform_12(%arg0: i32) -> (i32, i32) {
    %c0_i32 = arith.constant 0 : i32
    %c0_i32_0 = arith.constant 0 : i32
    return %arg0, %c0_i32 : i32, i32
  }
  func.func @transform_13(%arg0: i32) -> (i32, i32) {
    %c0_i32 = arith.constant 0 : i32
    %c0_i32_0 = arith.constant 0 : i32
    return %arg0, %c0_i32 : i32, i32
  }
  func.func @transform_14(%arg0: i32) -> (i32, i32) {
    %c0_i32 = arith.constant 0 : i32
    %c0_i32_0 = arith.constant 0 : i32
    return %arg0, %c0_i32 : i32, i32
  }
}

module attributes {stable_mosaic.version = 14 : i64} {
  func.func @body(%arg0: i32, %arg1: memref<1000x128xf32, #tpu.memory_space<vmem>>, %arg2: memref<2x1000x128xf32, #tpu.memory_space<vmem>>, %arg3: memref<128x128xf32, #tpu.memory_space<vmem>>, %arg4: memref<128x128xf32, #tpu.memory_space<vmem>>, %arg5: memref<1x128xf32, #tpu.memory_space<vmem>>, %arg6: memref<128x128xf32, #tpu.memory_space<vmem>>, %arg7: memref<1x128xf32, #tpu.memory_space<vmem>>, %arg8: memref<128x128xf32, #tpu.memory_space<vmem>>, %arg9: memref<1x128xf32, #tpu.memory_space<vmem>>, %arg10: memref<1000x1xi32, #tpu.memory_space<vmem>>, %arg11: memref<128x128xf32, #tpu.memory_space<vmem>>, %arg12: memref<1x128xf32, #tpu.memory_space<vmem>>, %arg13: memref<1x128xf32, #tpu.memory_space<vmem>>, %arg14: memref<1x128xf32, #tpu.memory_space<vmem>>, %arg15: memref<128x1xf32, #tpu.memory_space<vmem>>, %arg16: memref<1x1xf32, #tpu.memory_space<vmem>>, %arg17: memref<8x1xf32, #tpu.memory_space<vmem>>, %arg18: memref<8x128xf32, #tpu.memory_space<vmem>>, %arg19: memref<8x128xf32, #tpu.memory_space<vmem>>) attributes {dimension_semantics = [#tpu.dimension_semantics<arbitrary>], iteration_bounds = array<i64: 10>, scalar_prefetch = 0 : i64, scratch_operands = 2 : i64, tpu.core_type = #tpu.core_type<tc>, window_params = [{transform_indices = @transform_0, window_bounds = array<i64: 1000, 128>}, {transform_indices = @transform_1, window_bounds = array<i64: 2, 1000, 128>}, {pipeline_mode = #tpu.pipeline_mode<synchronous>, transform_indices = @transform_2, window_bounds = array<i64: 128, 128>}, {pipeline_mode = #tpu.pipeline_mode<synchronous>, transform_indices = @transform_3, window_bounds = array<i64: 128, 128>}, {pipeline_mode = #tpu.pipeline_mode<synchronous>, transform_indices = @transform_4, window_bounds = array<i64: 1, 128>}, {pipeline_mode = #tpu.pipeline_mode<synchronous>, transform_indices = @transform_5, window_bounds = array<i64: 128, 128>}, {pipeline_mode = #tpu.pipeline_mode<synchronous>, transform_indices = @transform_6, window_bounds = array<i64: 1, 128>}, {pipeline_mode = #tpu.pipeline_mode<synchronous>, transform_indices = @transform_7, window_bounds = array<i64: 128, 128>}, {pipeline_mode = #tpu.pipeline_mode<synchronous>, transform_indices = @transform_8, window_bounds = array<i64: 1, 128>}, {transform_indices = @transform_9, window_bounds = array<i64: 1000, 1>}, {pipeline_mode = #tpu.pipeline_mode<synchronous>, transform_indices = @transform_10, window_bounds = array<i64: 128, 128>}, {pipeline_mode = #tpu.pipeline_mode<synchronous>, transform_indices = @transform_11, window_bounds = array<i64: 1, 128>}, {pipeline_mode = #tpu.pipeline_mode<synchronous>, transform_indices = @transform_12, window_bounds = array<i64: 1, 128>}, {pipeline_mode = #tpu.pipeline_mode<synchronous>, transform_indices = @transform_13, window_bounds = array<i64: 1, 128>}, {pipeline_mode = #tpu.pipeline_mode<synchronous>, transform_indices = @transform_14, window_bounds = array<i64: 128, 1>}, {pipeline_mode = #tpu.pipeline_mode<synchronous>, transform_indices = @transform_15, window_bounds = array<i64: 1, 1>}, {pipeline_mode = #tpu.pipeline_mode<synchronous>, transform_indices = @transform_16, window_bounds = array<i64: 8, 1>}]} {
    %eq3A = arith.constant 0 : i32
    %eq3A_0 = arith.cmpi eq, %arg0, %eq3A : i32
    %convert_element_type3A = arith.extui %eq3A_0 : i1 to i32
    %cond3A = arith.constant 0 : i32
    %cond3A_1 = arith.cmpi ne, %convert_element_type3A, %cond3A : i32
    scf.if %cond3A_1 {
      %broadcast_in_dim3A_84 = arith.constant 0.000000e+00 : f32
      %broadcast_in_dim3A_85 = vector.broadcast %broadcast_in_dim3A_84 : f32 to vector<8x128xf32>
      %swap3A_86 = arith.constant 0 : index
      %swap3A_87 = arith.constant 0 : index
      %swap3A_88 = vector.load %arg18[%swap3A_86, %swap3A_87] : memref<8x128xf32, #tpu.memory_space<vmem>>, vector<8x128xf32>
      tpu.vector_store %arg18[%swap3A_86, %swap3A_87], %broadcast_in_dim3A_85 {strides = array<i32>} : memref<8x128xf32, #tpu.memory_space<vmem>>, vector<8x128xf32>,
      %broadcast_in_dim3A_89 = arith.constant 0.000000e+00 : f32
      %broadcast_in_dim3A_90 = vector.broadcast %broadcast_in_dim3A_89 : f32 to vector<8x128xf32>
      %swap3A_91 = arith.constant 0 : index
      %swap3A_92 = arith.constant 0 : index
      %swap3A_93 = vector.load %arg19[%swap3A_91, %swap3A_92] : memref<8x128xf32, #tpu.memory_space<vmem>>, vector<8x128xf32>
      tpu.vector_store %arg19[%swap3A_91, %swap3A_92], %broadcast_in_dim3A_90 {strides = array<i32>} : memref<8x128xf32, #tpu.memory_space<vmem>>, vector<8x128xf32>,
    } else {
    }
    %get3A = arith.constant 0 : index
    %get3A_2 = arith.constant 0 : index
    %get3A_3 = arith.constant 0 : index
    %get3A_4 = vector.load %arg2[%get3A, %get3A_2, %get3A_3] : memref<2x1000x128xf32, #tpu.memory_space<vmem>>, vector<1x1000x128xf32>
    %get3A_5 = vector.shape_cast %get3A_4 : vector<1x1000x128xf32> to vector<1000x128xf32>
    %get3A_6 = arith.constant 1 : index
    %get3A_7 = arith.constant 0 : index
    %get3A_8 = arith.constant 0 : index
    %get3A_9 = vector.load %arg2[%get3A_6, %get3A_7, %get3A_8] : memref<2x1000x128xf32, #tpu.memory_space<vmem>>, vector<1x1000x128xf32>
    %get3A_10 = vector.shape_cast %get3A_9 : vector<1x1000x128xf32> to vector<1000x128xf32>
    %add3A = arith.addf %get3A_5, %get3A_10 : vector<1000x128xf32>
    %get3A_11 = arith.constant 0 : index
    %get3A_12 = arith.constant 0 : index
    %get3A_13 = vector.load %arg1[%get3A_11, %get3A_12] : memref<1000x128xf32, #tpu.memory_space<vmem>>, vector<1000x128xf32>
    %get3A_14 = arith.constant 0 : index
    %get3A_15 = arith.constant 0 : index
    %get3A_16 = vector.load %arg3[%get3A_14, %get3A_15] : memref<128x128xf32, #tpu.memory_space<vmem>>, vector<128x128xf32>
    %dot_general3A = arith.constant dense<0.000000e+00> : vector<1000x128xf32>
    %dot_general3A_17 = tpu.matmul %get3A_13, %get3A_16, %dot_general3A {dimension_numbers = #tpu.dot_dimension_numbers<[1], [0], [0], [1], [0, 0, 1, 1], [], []>, transpose_lhs_hint = false} : vector<1000x128xf32>, vector<128x128xf32>, vector<1000x128xf32> -> vector<1000x128xf32>
    %get3A_18 = arith.constant 0 : index
    %get3A_19 = arith.constant 0 : index
    %get3A_20 = vector.load %arg4[%get3A_18, %get3A_19] : memref<128x128xf32, #tpu.memory_space<vmem>>, vector<128x128xf32>
    %dot_general3A_21 = arith.constant dense<0.000000e+00> : vector<1000x128xf32>
    %dot_general3A_22 = tpu.matmul %add3A, %get3A_20, %dot_general3A_21 {dimension_numbers = #tpu.dot_dimension_numbers<[1], [0], [0], [1], [0, 0, 1, 1], [], []>, transpose_lhs_hint = false} : vector<1000x128xf32>, vector<128x128xf32>, vector<1000x128xf32> -> vector<1000x128xf32>
    %add3A_23 = arith.addf %dot_general3A_17, %dot_general3A_22 : vector<1000x128xf32>
    %get3A_24 = arith.constant 0 : index
    %get3A_25 = arith.constant 0 : index
    %get3A_26 = vector.load %arg5[%get3A_24, %get3A_25] : memref<1x128xf32, #tpu.memory_space<vmem>>, vector<1x128xf32>
    %add3A_27 = vector.broadcast %get3A_26 : vector<1x128xf32> to vector<1000x128xf32>
    %add3A_28 = arith.addf %add3A_23, %add3A_27 : vector<1000x128xf32>
    %max3A = arith.constant 0.000000e+00 : f32
    %max3A_29 = vector.broadcast %max3A : f32 to vector<1000x128xf32>
    %max3A_30 = arith.maximumf %add3A_28, %max3A_29 : vector<1000x128xf32>
    %get3A_31 = arith.constant 0 : index
    %get3A_32 = arith.constant 0 : index
    %get3A_33 = vector.load %arg6[%get3A_31, %get3A_32] : memref<128x128xf32, #tpu.memory_space<vmem>>, vector<128x128xf32>
    %dot_general3A_34 = arith.constant dense<0.000000e+00> : vector<1000x128xf32>
    %dot_general3A_35 = tpu.matmul %max3A_30, %get3A_33, %dot_general3A_34 {dimension_numbers = #tpu.dot_dimension_numbers<[1], [0], [0], [1], [0, 0, 1, 1], [], []>, transpose_lhs_hint = false} : vector<1000x128xf32>, vector<128x128xf32>, vector<1000x128xf32> -> vector<1000x128xf32>
    %get3A_36 = arith.constant 0 : index
    %get3A_37 = arith.constant 0 : index
    %get3A_38 = vector.load %arg7[%get3A_36, %get3A_37] : memref<1x128xf32, #tpu.memory_space<vmem>>, vector<1x128xf32>
    %add3A_39 = vector.broadcast %get3A_38 : vector<1x128xf32> to vector<1000x128xf32>
    %add3A_40 = arith.addf %dot_general3A_35, %add3A_39 : vector<1000x128xf32>
    %max3A_41 = arith.constant 0.000000e+00 : f32
    %max3A_42 = vector.broadcast %max3A_41 : f32 to vector<1000x128xf32>
    %max3A_43 = arith.maximumf %add3A_40, %max3A_42 : vector<1000x128xf32>
    %get3A_44 = arith.constant 0 : index
    %get3A_45 = arith.constant 0 : index
    %get3A_46 = vector.load %arg8[%get3A_44, %get3A_45] : memref<128x128xf32, #tpu.memory_space<vmem>>, vector<128x128xf32>
    %dot_general3A_47 = arith.constant dense<0.000000e+00> : vector<1000x128xf32>
    %dot_general3A_48 = tpu.matmul %max3A_43, %get3A_46, %dot_general3A_47 {dimension_numbers = #tpu.dot_dimension_numbers<[1], [0], [0], [1], [0, 0, 1, 1], [], []>, transpose_lhs_hint = false} : vector<1000x128xf32>, vector<128x128xf32>, vector<1000x128xf32> -> vector<1000x128xf32>
    %get3A_49 = arith.constant 0 : index
    %get3A_50 = arith.constant 0 : index
    %get3A_51 = vector.load %arg9[%get3A_49, %get3A_50] : memref<1x128xf32, #tpu.memory_space<vmem>>, vector<1x128xf32>
    %add3A_52 = vector.broadcast %get3A_51 : vector<1x128xf32> to vector<1000x128xf32>
    %add3A_53 = arith.addf %dot_general3A_48, %add3A_52 : vector<1000x128xf32>
    %get3A_54 = arith.constant 0 : index
    %get3A_55 = arith.constant 0 : index
    %get3A_56 = vector.load %arg10[%get3A_54, %get3A_55] : memref<1000x1xi32, #tpu.memory_space<vmem>>, vector<1000x1xi32>
    %iota3A = tpu.iota {dimensions = array<i32: 1>} : vector<1000x8xi32>
    %eq3A_57 = vector.broadcast %get3A_56 : vector<1000x1xi32> to vector<1000x8xi32>
    %eq3A_58 = arith.cmpi eq, %eq3A_57, %iota3A : vector<1000x8xi32>
    %convert_element_type3A_59 = arith.extui %eq3A_58 : vector<1000x8xi1> to vector<1000x8xi32>
    %convert_element_type3A_60 = arith.sitofp %convert_element_type3A_59 : vector<1000x8xi32> to vector<1000x8xf32>
    %get3A_61 = arith.constant 0 : index
    %get3A_62 = arith.constant 0 : index
    %get3A_63 = vector.load %arg18[%get3A_61, %get3A_62] : memref<8x128xf32, #tpu.memory_space<vmem>>, vector<8x128xf32>
    %dot_general3A_64 = arith.constant dense<0.000000e+00> : vector<8x128xf32>
    %dot_general3A_65 = tpu.matmul %convert_element_type3A_60, %add3A_53, %dot_general3A_64 {dimension_numbers = #tpu.dot_dimension_numbers<[0], [0], [1], [1], [0, 1, 1, 1], [], []>, precision = #tpu.contract_precision<fp32>, transpose_lhs_hint = false} : vector<1000x8xf32>, vector<1000x128xf32>, vector<8x128xf32> -> vector<8x128xf32>
    %add3A_66 = arith.addf %get3A_63, %dot_general3A_65 : vector<8x128xf32>
    %swap3A = arith.constant 0 : index
    %swap3A_67 = arith.constant 0 : index
    %swap3A_68 = vector.load %arg18[%swap3A, %swap3A_67] : memref<8x128xf32, #tpu.memory_space<vmem>>, vector<8x128xf32>
    tpu.vector_store %arg18[%swap3A, %swap3A_67], %add3A_66 {strides = array<i32>} : memref<8x128xf32, #tpu.memory_space<vmem>>, vector<8x128xf32>,
    %get3A_69 = arith.constant 0 : index
    %get3A_70 = arith.constant 0 : index
    %get3A_71 = vector.load %arg19[%get3A_69, %get3A_70] : memref<8x128xf32, #tpu.memory_space<vmem>>, vector<8x128xf32>
    %broadcast_in_dim3A = arith.constant 1.000000e+00 : f32
    %broadcast_in_dim3A_72 = vector.broadcast %broadcast_in_dim3A : f32 to vector<1000x128xf32>
    %dot_general3A_73 = arith.constant dense<0.000000e+00> : vector<8x128xf32>
    %dot_general3A_74 = tpu.matmul %convert_element_type3A_60, %broadcast_in_dim3A_72, %dot_general3A_73 {dimension_numbers = #tpu.dot_dimension_numbers<[0], [0], [1], [1], [0, 1, 1, 1], [], []>, precision = #tpu.contract_precision<fp32>, transpose_lhs_hint = false} : vector<1000x8xf32>, vector<1000x128xf32>, vector<8x128xf32> -> vector<8x128xf32>
    %add3A_75 = arith.addf %get3A_71, %dot_general3A_74 : vector<8x128xf32>
    %swap3A_76 = arith.constant 0 : index
    %swap3A_77 = arith.constant 0 : index
    %swap3A_78 = vector.load %arg19[%swap3A_76, %swap3A_77] : memref<8x128xf32, #tpu.memory_space<vmem>>, vector<8x128xf32>
    tpu.vector_store %arg19[%swap3A_76, %swap3A_77], %add3A_75 {strides = array<i32>} : memref<8x128xf32, #tpu.memory_space<vmem>>, vector<8x128xf32>,
    %eq3A_79 = arith.constant 9 : i32
    %eq3A_80 = arith.cmpi eq, %arg0, %eq3A_79 : i32
    %convert_element_type3A_81 = arith.extui %eq3A_80 : i1 to i32
    %cond3A_82 = arith.constant 0 : i32
    %cond3A_83 = arith.cmpi ne, %convert_element_type3A_81, %cond3A_82 : i32
    scf.if %cond3A_83 {
      %get3A_84 = arith.constant 0 : index
      %get3A_85 = arith.constant 0 : index
      %get3A_86 = vector.load %arg18[%get3A_84, %get3A_85] : memref<8x128xf32, #tpu.memory_space<vmem>>, vector<8x128xf32>
      %get3A_87 = arith.constant 0 : index
      %get3A_88 = arith.constant 0 : index
      %get3A_89 = vector.load %arg19[%get3A_87, %get3A_88] : memref<8x128xf32, #tpu.memory_space<vmem>>, vector<8x128xf32>
      %max3A_90 = arith.constant 1.000000e+00 : f32
      %max3A_91 = vector.broadcast %max3A_90 : f32 to vector<8x128xf32>
      %max3A_92 = arith.maximumf %get3A_89, %max3A_91 : vector<8x128xf32>
      %div3A = arith.divf %get3A_86, %max3A_92 : vector<8x128xf32>
      %get3A_93 = arith.constant 0 : index
      %get3A_94 = arith.constant 0 : index
      %get3A_95 = vector.load %arg11[%get3A_93, %get3A_94] : memref<128x128xf32, #tpu.memory_space<vmem>>, vector<128x128xf32>
      %dot_general3A_96 = arith.constant dense<0.000000e+00> : vector<8x128xf32>
      %dot_general3A_97 = tpu.matmul %div3A, %get3A_95, %dot_general3A_96 {dimension_numbers = #tpu.dot_dimension_numbers<[1], [0], [0], [1], [0, 0, 1, 1], [], []>, precision = #tpu.contract_precision<fp32>, transpose_lhs_hint = false} : vector<8x128xf32>, vector<128x128xf32>, vector<8x128xf32> -> vector<8x128xf32>
      %get3A_98 = arith.constant 0 : index
      %get3A_99 = arith.constant 0 : index
      %get3A_100 = vector.load %arg12[%get3A_98, %get3A_99] : memref<1x128xf32, #tpu.memory_space<vmem>>, vector<1x128xf32>
      %add3A_101 = vector.broadcast %get3A_100 : vector<1x128xf32> to vector<8x128xf32>
      %add3A_102 = arith.addf %dot_general3A_97, %add3A_101 : vector<8x128xf32>
      %reduce_sum3A = arith.constant dense<0.000000e+00> : vector<128xf32>
      %reduce_sum3A_103 = vector.multi_reduction <add>, %add3A_102, %reduce_sum3A [0] : vector<8x128xf32> to vector<128xf32>
      %broadcast_in_dim3A_104 = vector.shape_cast %reduce_sum3A_103 : vector<128xf32> to vector<1x128xf32>
      %div3A_105 = arith.constant 8.000000e+00 : f32
      %div3A_106 = vector.broadcast %div3A_105 : f32 to vector<1x128xf32>
      %div3A_107 = arith.divf %broadcast_in_dim3A_104, %div3A_106 : vector<1x128xf32>
      %sub3A = vector.broadcast %div3A_107 : vector<1x128xf32> to vector<8x128xf32>
      %sub3A_108 = arith.subf %add3A_102, %sub3A : vector<8x128xf32>
      %integer_pow3A = arith.mulf %sub3A_108, %sub3A_108 : vector<8x128xf32>
      %reduce_sum3A_109 = arith.constant dense<0.000000e+00> : vector<128xf32>
      %reduce_sum3A_110 = vector.multi_reduction <add>, %integer_pow3A, %reduce_sum3A_109 [0] : vector<8x128xf32> to vector<128xf32>
      %broadcast_in_dim3A_111 = vector.shape_cast %reduce_sum3A_110 : vector<128xf32> to vector<1x128xf32>
      %div3A_112 = arith.constant 8.000000e+00 : f32
      %div3A_113 = vector.broadcast %div3A_112 : f32 to vector<1x128xf32>
      %div3A_114 = arith.divf %broadcast_in_dim3A_111, %div3A_113 : vector<1x128xf32>
      %sub3A_115 = vector.broadcast %div3A_107 : vector<1x128xf32> to vector<8x128xf32>
      %sub3A_116 = arith.subf %add3A_102, %sub3A_115 : vector<8x128xf32>
      %add3A_117 = arith.constant 9.99999974E-6 : f32
      %add3A_118 = vector.broadcast %add3A_117 : f32 to vector<1x128xf32>
      %add3A_119 = arith.addf %div3A_114, %add3A_118 : vector<1x128xf32>
      %sqrt3A = math.sqrt %add3A_119 : vector<1x128xf32>
      %div3A_120 = vector.broadcast %sqrt3A : vector<1x128xf32> to vector<8x128xf32>
      %div3A_121 = arith.divf %sub3A_116, %div3A_120 : vector<8x128xf32>
      %get3A_122 = arith.constant 0 : index
      %get3A_123 = arith.constant 0 : index
      %get3A_124 = vector.load %arg13[%get3A_122, %get3A_123] : memref<1x128xf32, #tpu.memory_space<vmem>>, vector<1x128xf32>
      %mul3A = vector.broadcast %get3A_124 : vector<1x128xf32> to vector<8x128xf32>
      %mul3A_125 = arith.mulf %div3A_121, %mul3A : vector<8x128xf32>
      %get3A_126 = arith.constant 0 : index
      %get3A_127 = arith.constant 0 : index
      %get3A_128 = vector.load %arg14[%get3A_126, %get3A_127] : memref<1x128xf32, #tpu.memory_space<vmem>>, vector<1x128xf32>
      %add3A_129 = vector.broadcast %get3A_128 : vector<1x128xf32> to vector<8x128xf32>
      %add3A_130 = arith.addf %mul3A_125, %add3A_129 : vector<8x128xf32>
      %max3A_131 = arith.constant 0.000000e+00 : f32
      %max3A_132 = vector.broadcast %max3A_131 : f32 to vector<8x128xf32>
      %max3A_133 = arith.maximumf %add3A_130, %max3A_132 : vector<8x128xf32>
      %get3A_134 = arith.constant 0 : index
      %get3A_135 = arith.constant 0 : index
      %get3A_136 = vector.load %arg15[%get3A_134, %get3A_135] : memref<128x1xf32, #tpu.memory_space<vmem>>, vector<128x1xf32>
      %dot_general3A_137 = arith.constant dense<0.000000e+00> : vector<8x1xf32>
      %dot_general3A_138 = tpu.matmul %max3A_133, %get3A_136, %dot_general3A_137 {dimension_numbers = #tpu.dot_dimension_numbers<[1], [0], [0], [1], [0, 0, 1, 1], [], []>, precision = #tpu.contract_precision<fp32>, transpose_lhs_hint = false} : vector<8x128xf32>, vector<128x1xf32>, vector<8x1xf32> -> vector<8x1xf32>
      %get3A_139 = arith.constant 0 : index
      %get3A_140 = arith.constant 0 : index
      %get3A_141 = vector.load %arg16[%get3A_139, %get3A_140] : memref<1x1xf32, #tpu.memory_space<vmem>>, vector<1x1xf32>
      %add3A_142 = vector.broadcast %get3A_141 : vector<1x1xf32> to vector<8x1xf32>
      %add3A_143 = arith.addf %dot_general3A_138, %add3A_142 : vector<8x1xf32>
      %swap3A_144 = arith.constant 0 : index
      %swap3A_145 = arith.constant 0 : index
      %swap3A_146 = vector.load %arg17[%swap3A_144, %swap3A_145] : memref<8x1xf32, #tpu.memory_space<vmem>>, vector<8x1xf32>
      tpu.vector_store %arg17[%swap3A_144, %swap3A_145], %add3A_143 {strides = array<i32>} : memref<8x1xf32, #tpu.memory_space<vmem>>, vector<8x1xf32>,
    } else {
    }
    return
  }
  func.func @transform_0(%arg0: i32) -> (i32, i32) {
    %c0_i32 = arith.constant 0 : i32
    %c0_i32_0 = arith.constant 0 : i32
    return %arg0, %c0_i32 : i32, i32
  }
  func.func @transform_1(%arg0: i32) -> (i32, i32, i32) {
    %c0_i32 = arith.constant 0 : i32
    %c0_i32_0 = arith.constant 0 : i32
    %c0_i32_1 = arith.constant 0 : i32
    return %c0_i32, %arg0, %c0_i32_0 : i32, i32, i32
  }
  func.func @transform_2(%arg0: i32) -> (i32, i32) {
    %c0_i32 = arith.constant 0 : i32
    %c0_i32_0 = arith.constant 0 : i32
    %c0_i32_1 = arith.constant 0 : i32
    return %c0_i32, %c0_i32_0 : i32, i32
  }
  func.func @transform_3(%arg0: i32) -> (i32, i32) {
    %c0_i32 = arith.constant 0 : i32
    %c0_i32_0 = arith.constant 0 : i32
    %c0_i32_1 = arith.constant 0 : i32
    return %c0_i32, %c0_i32_0 : i32, i32
  }
  func.func @transform_4(%arg0: i32) -> (i32, i32) {
    %c0_i32 = arith.constant 0 : i32
    %c0_i32_0 = arith.constant 0 : i32
    %c0_i32_1 = arith.constant 0 : i32
    return %c0_i32, %c0_i32_0 : i32, i32
  }
  func.func @transform_5(%arg0: i32) -> (i32, i32) {
    %c0_i32 = arith.constant 0 : i32
    %c0_i32_0 = arith.constant 0 : i32
    %c0_i32_1 = arith.constant 0 : i32
    return %c0_i32, %c0_i32_0 : i32, i32
  }
  func.func @transform_6(%arg0: i32) -> (i32, i32) {
    %c0_i32 = arith.constant 0 : i32
    %c0_i32_0 = arith.constant 0 : i32
    %c0_i32_1 = arith.constant 0 : i32
    return %c0_i32, %c0_i32_0 : i32, i32
  }
  func.func @transform_7(%arg0: i32) -> (i32, i32) {
    %c0_i32 = arith.constant 0 : i32
    %c0_i32_0 = arith.constant 0 : i32
    %c0_i32_1 = arith.constant 0 : i32
    return %c0_i32, %c0_i32_0 : i32, i32
  }
  func.func @transform_8(%arg0: i32) -> (i32, i32) {
    %c0_i32 = arith.constant 0 : i32
    %c0_i32_0 = arith.constant 0 : i32
    %c0_i32_1 = arith.constant 0 : i32
    return %c0_i32, %c0_i32_0 : i32, i32
  }
  func.func @transform_9(%arg0: i32) -> (i32, i32) {
    %c0_i32 = arith.constant 0 : i32
    %c0_i32_0 = arith.constant 0 : i32
    return %arg0, %c0_i32 : i32, i32
  }
  func.func @transform_10(%arg0: i32) -> (i32, i32) {
    %c0_i32 = arith.constant 0 : i32
    %c0_i32_0 = arith.constant 0 : i32
    %c0_i32_1 = arith.constant 0 : i32
    return %c0_i32, %c0_i32_0 : i32, i32
  }
  func.func @transform_11(%arg0: i32) -> (i32, i32) {
    %c0_i32 = arith.constant 0 : i32
    %c0_i32_0 = arith.constant 0 : i32
    %c0_i32_1 = arith.constant 0 : i32
    return %c0_i32, %c0_i32_0 : i32, i32
  }
  func.func @transform_12(%arg0: i32) -> (i32, i32) {
    %c0_i32 = arith.constant 0 : i32
    %c0_i32_0 = arith.constant 0 : i32
    %c0_i32_1 = arith.constant 0 : i32
    return %c0_i32, %c0_i32_0 : i32, i32
  }
  func.func @transform_13(%arg0: i32) -> (i32, i32) {
    %c0_i32 = arith.constant 0 : i32
    %c0_i32_0 = arith.constant 0 : i32
    %c0_i32_1 = arith.constant 0 : i32
    return %c0_i32, %c0_i32_0 : i32, i32
  }
  func.func @transform_14(%arg0: i32) -> (i32, i32) {
    %c0_i32 = arith.constant 0 : i32
    %c0_i32_0 = arith.constant 0 : i32
    %c0_i32_1 = arith.constant 0 : i32
    return %c0_i32, %c0_i32_0 : i32, i32
  }
  func.func @transform_15(%arg0: i32) -> (i32, i32) {
    %c0_i32 = arith.constant 0 : i32
    %c0_i32_0 = arith.constant 0 : i32
    %c0_i32_1 = arith.constant 0 : i32
    return %c0_i32, %c0_i32_0 : i32, i32
  }
  func.func @transform_16(%arg0: i32) -> (i32, i32) {
    %c0_i32 = arith.constant 0 : i32
    %c0_i32_0 = arith.constant 0 : i32
    %c0_i32_1 = arith.constant 0 : i32
    return %c0_i32, %c0_i32_0 : i32, i32
  }
}

</mosaic_0001>

<sc_bundles>
// kernel: kernel.15.cloned.1.call-start
scs
__scs_entry_jumppad:
0x0: {  	(pc) =	sbr.rel $0x88, $3  }
0x1: {  	(tag) =	ssettag $0x0;
	lr =	simm.s32 $0x1  }
0x2: {  	[smem:$0x3F67] =	sst lr;
	_ =	strace $0xD0000000  }
0x3: {  	_ = 	snop  }
0x4: {  	_ = 	snop  }
0x5: {  	_ = 	snop  }
0x6: {  	_ = 	snop  }
0x7: {  	_ = 	snop  }
__scs_overlays_trampoline_lowered:
0x8: {  	[smem:$0x3F76] =	sst s0  }
0x9: {  	[smem:$0x3F77] =	sst s1  }
0xa: {  	[smem:$0x3F78] =	sst s2  }
0xb: {  	[smem:$0x3F79] =	sst s3  }
0xc: {  	[smem:$0x3F7A] =	sst s4  }
0xd: {  	[smem:$0x3F7B] =	sst s5  }
0xe: {  	[smem:$0x3F7C] =	sst s6  }
0xf: {  	[smem:$0x3F7D] =	sst s7  }
0x10: {  	[smem:$0x3F7E] =	sst s8  }
0x11: {  	[smem:$0x3F7F] =	sst s9;
	s0 =	simm.s32 @!p0 $0x0  }
0x12: {  	s1 =	sld [smem:$0x3F65];
	s0 =	simm.s32 @p0 $0x1  }
0x13: {  	[smem:$0x3F80] =	sst s0;
	s0 =	simm.s32 @!p1 $0x0  }
0x14: {  	s2 =	sld [smem:$0x3F64];
	s0 =	simm.s32 @p1 $0x1  }
0x15: {  	[smem:$0x3F81] =	sst s0;
	s0 =	simm.s32 @!p2 $0x0  }
0x16: {  	s3 =	sld [smem:$0x3FDB];
	s0 =	simm.s32 @p2 $0x1  }
0x17: {  	s4 =	simm.s32 $0x1BF5;
	[smem:$0x3F83] =	sst s0  }
0x18: {  	s0 =	sld [smem:$0x3F66];
	_ =	swait.ge [sflag:s4], $0x0  }
0x19: {  	s7 =	sld [smem:$0x3F67]  }
0x1a: {  	s8 =	sadd.s32 $0xFFFFE003, lr  }
0x1b: {  	s9 =	sadd.s32 $0xFFFFFEF7, lr;
	s5 =	simm.s32 $0xFFFFFFFF;
	p2 =	slt.u32 s8, $0xFFFFF086  }
0x1c: {  	p1 =	slt.u32 s9, $0xF7A;
	s5 =	simm.s32 @!p2 $0x0  }
0x1d: {  	s5 =	simm.s32 @p1 $0x1;
	p0 =	seq.s32 s7, s2  }
0x1e: {  	s7 =	smul.u32 @!p0 $0xF7A, s2;
	p2 =	seq.s32 @!p0 s5, $0x0  }
0x1f: {  	s9 =	smul.u32 $0xF7A, s1;
	s8 =	simm.s32 @!p0 $0x1BF5;
	p2 =	por !p2, p0  }
0x20: {  	[sflag:s8] =	ssyncset.s32 @!p0 $0xFFFFF086;
	s6 =	sadd.s32 @!p0 s3, s7;
	s7 =	simm.s32 @!p0 $0x108  }
0x21: {  	s3 =	sadd.s32 s3, s9;
	s6 =	sadd.s32 @!p0 $0x88, s6;
	s7 =	simm.s32 @p2 $0x1082  }
0x22: {  	[simem:s7], [sflag:s8] =	dma.local @!p0 [hbm:s6], $0xF7A  }
0x23: {  	s9 =	sor.u32 $0xD0000000, s2;
	s6 =	simm.s32 $0x108;
	_ =	swait.ge @!p0 [sflag:s8], $0x0  }
0x24: {  	s3 =	sadd.s32 $0x88, s3;
	s6 =	simm.s32 @!p1 $0x1082;
	[sflag:s4] =	ssyncset.s32 $0xFFFFF086  }
0x25: {  	[simem:s6], [sflag:s4] =	dma.local [hbm:s3], $0xF7A  }
0x26: {  	[smem:$0x3F67] =	sst s1;
	(tag) =	ssettag s2;
	_ =	strace s9  }
0x27: {  	s1 =	sld [smem:$0x3F77]  }
0x28: {  	s2 =	sld [smem:$0x3F78]  }
0x29: {  	s4 =	sld [smem:$0x3F7A]  }
0x2a: {  	p0 =	seq.s32 s5, $0x0;
	s5 =	sld [smem:$0x3F7B]  }
0x2b: {  	s6 =	sld [smem:$0x3F7C]  }
0x2c: {  	s7 =	sld [smem:$0x3F7D]  }
0x2d: {  	s3 =	simm.s32 $0x108;
	s8 =	sld [smem:$0x3F7E]  }
0x2e: {  	s3 =	simm.s32 @!p0 $0x1082;
	s9 =	sld [smem:$0x3F7F]  }
0x2f: {  	lr =	sadd.s32 s0, s3;
	s0 =	sld [smem:$0x3F76]  }
0x30: {  	s3 =	sld [smem:$0x3F79]  }
0x31: {  	[smem:$0x3F82] =	sst s10  }
0x32: {  	s10 =	sld [smem:$0x3F80];
	_ =	sdelay $0x3  }
0x33: {  	p0 =	seq.s32 s10, $0x1;
	s10 =	sld [smem:$0x3F82];
	_ =	sdelay $0x3  }
0x34: {  	[smem:$0x3F82] =	sst s10  }
0x35: {  	s10 =	sld [smem:$0x3F81];
	_ =	sdelay $0x3  }
0x36: {  	p1 =	seq.s32 s10, $0x1;
	s10 =	sld [smem:$0x3F82];
	_ =	sdelay $0x3  }
0x37: {  	[smem:$0x3F82] =	sst s10  }
0x38: {  	s10 =	sld [smem:$0x3F83]  }
0x39: {  	_ = 	snop;
	(pc) =	sbr.ind lr, $3  }
0x3a: {  	_ = 	snop  }
0x3b: {  	_ = 	snop  }
0x3c: {  	p2 =	seq.s32 s10, $0x1;
	s10 =	sld [smem:$0x3F82]  }
0x3d: {  	_ =	shalt  }
0x3e: {  	_ =	shalt  }
0x3f: {  	_ =	shalt  }
0x40: {  	_ =	shalt  }
0x41: {  	_ =	shalt  }
0x42: {  	_ =	shalt  }
0x43: {  	_ =	shalt  }
0x44: {  	_ =	shalt  }
0x45: {  	_ =	shalt  }
0x46: {  	_ =	shalt  }
0x47: {  	_ =	shalt  }
0x48: {  	_ =	shalt  }
0x49: {  	_ =	shalt  }
0x4a: {  	_ =	shalt  }
0x4b: {  	_ =	shalt  }
0x4c: {  	_ =	shalt  }
0x4d: {  	_ =	shalt  }
0x4e: {  	_ =	shalt  }
0x4f: {  	_ =	shalt  }
0x50: {  	_ =	shalt  }
0x51: {  	_ =	shalt  }
0x52: {  	_ =	shalt  }
0x53: {  	_ =	shalt  }
0x54: {  	_ =	shalt  }
0x55: {  	_ =	shalt  }
0x56: {  	_ =	shalt  }
0x57: {  	_ =	shalt  }
0x58: {  	_ =	shalt  }
0x59: {  	_ =	shalt  }
0x5a: {  	_ =	shalt  }
0x5b: {  	_ =	shalt  }
0x5c: {  	_ =	shalt  }
0x5d: {  	_ =	shalt  }
0x5e: {  	_ =	shalt  }
0x5f: {  	_ =	shalt  }
0x60: {  	_ =	shalt  }
0x61: {  	_ =	shalt  }
0x62: {  	_ =	shalt  }
0x63: {  	_ =	shalt  }
0x64: {  	_ =	shalt  }
0x65: {  	_ =	shalt  }
0x66: {  	_ =	shalt  }
0x67: {  	_ =	shalt  }
0x68: {  	_ =	shalt  }
0x69: {  	_ =	shalt  }
0x6a: {  	_ =	shalt  }
0x6b: {  	_ =	shalt  }
0x6c: {  	_ =	shalt  }
0x6d: {  	_ =	shalt  }
0x6e: {  	_ =	shalt  }
0x6f: {  	_ =	shalt  }
0x70: {  	_ =	shalt  }
0x71: {  	_ =	shalt  }
0x72: {  	_ =	shalt  }
0x73: {  	_ =	shalt  }
0x74: {  	_ =	shalt  }
0x75: {  	_ =	shalt  }
0x76: {  	_ =	shalt  }
0x77: {  	_ =	shalt  }
0x78: {  	_ =	shalt  }
0x79: {  	_ =	shalt  }
0x7a: {  	_ =	shalt  }
0x7b: {  	_ =	shalt  }
0x7c: {  	_ =	shalt  }
0x7d: {  	_ =	shalt  }
0x7e: {  	_ =	shalt  }
0x7f: {  	_ =	shalt  }
0x80: {  	_ =	shalt  }
0x81: {  	_ =	shalt  }
0x82: {  	_ =	shalt  }
0x83: {  	_ =	shalt  }
0x84: {  	_ =	shalt  }
0x85: {  	_ =	shalt  }
0x86: {  	_ =	shalt  }
0x87: {  	_ =	shalt  }
.Lfunc_end0:
.L_simem_size_0:
called_computation_lowered:
.L_overlay_start_0:
0x88: {  	s2 =	sld [smem:$0x3FD9]  }
0x89: {  	s3 =	sld [smem:$0x3FFE];
	_ =	sdelay $0x1  }
0x8a: {  	s1 =	srdreg.scid  }
0x8b: {  	s0 =	sand.u32 $0x1, s1  }
0x8c: {  	s16 =	sshll.u32 s0, $0xA;
	s2 =	sadd.s32 s3, s2  }
0x8d: {  	s2 =	sadd.s32 s2, s16  }
0x8e: {  	[smem:$0x3F8E] =	sst s2  }
0x8f: {  	_ = 	snop  }
0x90: {  	(tm) =	ssettm $0x1  }
0x91: {  	s17 =	sld [smem:$0x3FFB];
	_ =	sdelay $0x3  }
0x92: {  	_ =	strace s17  }
0x93: {  	s2 =	sld [smem:$0x3FFC];
	_ =	sdelay $0x3  }
0x94: {  	_ =	strace s2  }
0x95: {  	s2 =	sld [smem:$0x3FFD];
	_ =	sdelay $0x3  }
0x96: {  	_ =	strace s2  }
0x97: {  	_ =	strace $0x8FFFFFFF  }
0x98: {  	s18 =	sld [smem:$0x3FDB];
	_ =	sdelay $0x1  }
0x99: {  	s19 =	simm.s32 $_scs_section_size  }
0x9a: {  	s4 =	simm.s32 $_size__tile_overlayer_lowered;
	s5 =	simm.s32 $_tile_overlayer_lowered  }
0x9b: {  	s22 =	simm.s32 $0x1BFF;
	s21 =	sshll.u32 s5, $0x1;
	s2 =	sadd.s32 s19, s18  }
0x9c: {  	s6 =	simm.s32 $0x0;
	s20 =	sshll.u32 s4, $0x1;
	s4 =	sadd.s32 s21, s2  }
0x9d: {  	[timem:s6], [sflag:s22] =	dma.local [hbm:s4], s20  }
0x9e: {  	_ =	swait.ge [sflag:s22], s20  }
0x9f: {  	s3 =	ssub.s32 $0x0, s20;
	[sflag:s22] =	ssyncset.done $0x0  }
0xa0: {  	[sflag:s22] =	ssyncadd.s32 s3;
	_ =	sdelay $0x1  }
0xa1: {  	s23 =	simm.s32 $0x1B8B  }
0xa2: {  	_ =	swait.ge [sflag:s23], $0x1  }
0xa3: {  	[sflag:s23] =	ssyncset.done $0x0  }
0xa4: {  	s25 =	simm.s32 $0x1B8E;
	s24 =	sld [smem:$0x3FFE];
	[sflag:s23] =	ssyncadd.s32 $0xFFFFFFFF  }
0xa5: {  	s26 =	simm.s32 $execute0_lowered;
	[smem:$0x3FD2] =	sst s25  }
0xa6: {  	s4 =	sshll.u32 s26, $0x1;
	_ =	strace $0x80000046;
	[dreg:$0x1] =	wrdreg $0xFFFFFFFF  }
0xa7: {  	s28 =	simm.s32 $_size_execute0_lowered;
	s2 =	sadd.s32 s2, s4;
	[dreg:$0x0] =	wrdreg $0x0  }
0xa8: {  	s4 =	sshll.u32 s28, $0x1;
	[dreg:$0x2] =	wrdreg s2  }
0xa9: {  	[dreg:$0x3] =	wrdreg s4  }
0xaa: {  	[dreg:$0x4] =	wrdreg $0xC0  }
0xab: {  	_ =	task [dreg:s6], $0x5FFFF  }
0xac: {  	[dreg:$0x1] =	wrdreg $0xFFFFFFFF  }
0xad: {  	[dreg:$0x0] =	wrdreg $0x60  }
0xae: {  	[dreg:$0x2] =	wrdreg s24  }
0xaf: {  	[dreg:$0x3] =	wrdreg $0x9  }
0xb0: {  	_ =	task.clear_ibuf [dreg:s6], $0x4FFFF;
	_ =	strace $0x90000046  }
0xb1: {  	s29 =	simm.s32 $0x9;
	_ =	strace $0x80000048  }
0xb2: {  	_ =	swait.ge [sflag:s29], $0x1  }
0xb3: {  	[sflag:s29] =	ssyncadd.s32 $0xFFFFFFFF  }
0xb4: {  	_ =	strace $0x90000048  }
0xb5: {  	_ =	sfence  }
0xb6: {  	s30 =	sld [smem:$0x0];
	_ =	sdelay $0x2  }
0xb7: {  	s31 =	sshll.u32 s1, $0xD;
	s1 =	sshrl.u32 s1, $0x2  }
0xb8: {  	s3 =	sand.u32 $0x4000, s31;
	s1 =	sadd.s32 s1, s30  }
0xb9: {  	s0 =	sor.u32 s3, s0;
	s1 =	sshll.u32 s1, $0x11  }
0xba: {  	s0 =	sor.u32 s1, s0  }
0xbb: {  	s0 =	sadd.s32 $0x8F2B, s0  }
0xbc: {  	[sflag:s0] =	ssyncadd.remote.s32 $0x1  }
0xbd: {  	_ =	sfence.sel $0xFFFF  }
0xbe: {  	[dreg:$0x0] =	wrdreg $0xFFFFFFFF;
	(pc) =	sbr.abs _section_cstart, $3  }
0xbf: {  	[dreg:$0x1] =	wrdreg $0xFFFFFFFF  }
0xc0: {  	_ =	task.clear_ibuf [dreg:s6], $0x2FFFF;
	_ =	strace $0x9FFFFFFF  }
0xc1: {  	(tm) =	ssettm $0x7FFFFFFF  }
tec
execute0_lowered:
.L_overlay_start_1:
0x0: {  	(tag) =	ssettag $0x1  }
0x1: {  	s0 =	rddreg [dreg:$0x0];
	s1 =	simm.s32 $0x0;
	s2 =	srdreg.scid  }
0x2: {  	s10 =	stileid.u32;
	s11 =	simm.s32 $0x3;
	s12 =	simm.s32 $0x80  }
0x3: {  	s13 =	simm.s32 $0x100;
	s15 =	simm.s32 $0x1100;
	s16 =	simm.s32 $0x1900  }
0x4: {  	s17 =	simm.s32 $0x2100;
	s18 =	simm.s32 $0x2900;
	s19 =	simm.s32 $0x3100  }
0x5: {  	s20 =	simm.s32 $0x3900;
	s28 =	simm.s32 $0x7100;
	s29 =	simm.s32 $0x7900  }
0x6: {  	s30 =	simm.s32 $0x8100;
	s31 =	simm.s32 $0x1;
	[smem:$0x7FF] =	sst s1  }
0x7: {  	s4 =	sand.u32 $0x1, s2;
	s2 =	sadd.s32 $0x3D600, s0;
	s3 =	sadd.s32 $0x8B800, s0  }
0x8: {  	s23 =	sshll.u32 s10, $0x4;
	s24 =	sshll.u32 s10, $0xC;
	s9 =	sshll.u32 s10, $0xB  }
0x9: {  	_ =	strace $0x80000047;
	s5 =	sshll.u32 s4, $0x8;
	s6 =	sshll.u32 s4, $0x10  }
0xa: {  	s21 =	sshll.u32 s4, $0xF;
	s8 =	ssub.s32 $0x2, s4;
	s4 =	sshll.u32 s4, $0x4  }
0xb: {  	s5 =	sadd.s32 s5, s0;
	s7 =	sadd.s32 s6, s0;
	s0 =	sadd.s32 s21, s0  }
0xc: {  	s22 =	sshrl.u32 s8, $0x1;
	s26 =	sor.u32 s4, s10;
	s21 =	simm.s32 $0x4100  }
0xd: {  	s4 =	simm.s32 $0x0;
	s6 =	ssub.s32 s8, s22;
	s5 =	sadd.s32 s23, s5  }
0xe: {  	s8 =	sadd.s32 s24, s7;
	s0 =	sadd.s32 s9, s0;
	[dreg:$0x5] =	wrdreg s26  }
.Ltmp0:
0xf: {  	s22 =	simm.s32 $0x4900;
	s23 =	simm.s32 $0x5100;
	(pc) =	sbr.rel .LBB2_1-.Ltmp0, $4  }
0x10: {  	s24 =	simm.s32 $0x5900;
	s26 =	simm.s32 $0x6900;
	s6 =	smax.u32 s6, $0x1  }
0x11: {  	v2 =	vlaneseq.u32;
	s7 =	sadd.s32 $0x33400, s5;
	s25 =	sadd.s32 $0xB2A00, s8;
	[dreg:$0x2] =	wrdreg s6  }
0x12: {  	vm0 =	vmmov $0xffff;
	v1 =	vshrl.u32 v2, $0x3;
	s0 =	sadd.s32 $0x594A00, s0;
	s6 =	sadd.s32 $0x38400, s5;
	[dreg:$0x3] =	wrdreg s25  }
0x13: {  	v0 =	vand.u32 $0x7, v2;
	v2 =	vor.u32 $0x8, v2;
	v1 =	vmul.u32 $0x8, v1;
	[dreg:$0x4] =	wrdreg s0;
	s25 =	simm.s32 $0x6100;
	s0 =	simm.s32 $0x2  }
.LBB2_5:
0x14: {  	s4 =	sadd.s32 $0x1, s4;
	s5 =	rddreg [dreg:$0x2]  }
0x15: {  	p0 =	sne.s32 s4, s5  }
.Ltmp1:
0x16: {  	_ = 	snop;
	(pc) =	sbr.rel @!p0 .LBB2_6-.Ltmp1, $1  }
0x17: {  	_ =	sdelay $0x3  }
.LBB2_1:
.Ltmp2:
0x18: {  	(pc) =	sbr.rel .LBB2_2-.Ltmp2, $4  }
0x19: {  	_ = 	snop  }
0x1a: {  	s10 =	rddreg [dreg:$0x5]  }
0x1b: {  	s9 =	rddreg [dreg:$0x4]  }
0x1c: {  	s8 =	rddreg [dreg:$0x3];
	s5 =	simm.s32 $0x0  }
.LBB2_4:
0x1d: {  	s5 =	sadd.s32 $0x200, s5  }
0x1e: {  	p0 =	sne.s32 s5, $0x5000  }
.Ltmp3:
0x1f: {  	_ = 	snop;
	(pc) =	sbr.rel @!p0 .LBB2_5-.Ltmp3, $2  }
0x20: {  	_ =	sdelay $0x2  }
0x21: {  	s8 =	sadd.s32 $0x20000, s8;
	s9 =	sadd.s32 $0x10000, s9;
	s10 =	sadd.s32 $0x20, s10  }
.LBB2_2:
0x22: {  	p0 =	sgt.u32 s10, $0x4E1  }
.Ltmp4:
0x23: {  	_ = 	snop;
	(pc) =	sbr.rel @p0 .LBB2_4-.Ltmp4, $1  }
0x24: {  	_ =	sdelay $0x3  }
0x25: {  	s14 =	sadd.s32 s5, s7  }
0x26: {  	[tilespmem:s1], [sflag:$0x3] =	stream.linear.gather [hbm4b:s14+s1], $0x80, $0x38;
	[tilespmem:$0xC100] =	vst v63  }
0x27: {  	_ =	swait.ge [sflag:s11], $0x80  }
0x28: {  	[sflag:s11] =	ssyncset.done $0x0  }
0x29: {  	s14 =	sadd.s32 s5, s6;
	[sflag:s11] =	ssyncadd.s32 $0xFFFFFF80  }
0x2a: {  	[tilespmem:s12], [sflag:$0x3] =	stream.linear.gather [hbm4b:s14+s1], $0x80, $0x38;
	[tilespmem:$0xC100] =	vst v63  }
0x2b: {  	_ =	swait.ge [sflag:s11], $0x80  }
0x2c: {  	[sflag:s11] =	ssyncset.done $0x0  }
0x2d: {  	[sflag:s11] =	ssyncadd.s32 $0xFFFFFF80  }
0x2e: {  	v3 =	vld [tilespmem:$0x0];
	_ =	sdelay $0x4  }
0x2f: {  	v4 =	vshll.u32 v3, $0x1  }
0x30: {  	v3 =	vand.u32 $0x7, v3;
	v4 =	vand.u32 $0xFFFFFFF0, v4  }
0x31: {  	v3 =	vor.u32 v3, v4  }
0x32: {  	v4 =	vperm.xlane v3, v0;
	_ =	sdelay $0x1  }
0x33: {  	v3 =	vperm.xlane v3, v2;
	v4 =	vadd.s32 v1, v4;
	_ =	sdelay $0x1  }
0x34: {  	v3 =	vadd.s32 v1, v3;
	_ =	sdelay $0x2  }
0x35: {  	[tilespmem:s13], [sflag:$0x1] =	stream.indirect_vreg.gather [hbm4b:s2+s1], $0x80, v4, vm0, $0xb8;
	[tilespmem:$0xC100] =	vst v63  }
0x36: {  	s14 =	simm.s32 $0x900  }
0x37: {  	[tilespmem:s14], [sflag:$0x1] =	stream.indirect_vreg.gather [hbm4b:s2+s1], $0x80, v3, vm0, $0xb8;
	[tilespmem:$0xC100] =	vst v63  }
0x38: {  	v3 =	vld [tilespmem:$0x10];
	_ =	sdelay $0x4  }
0x39: {  	v57 =	vshll.u32 v3, $0x1  }
0x3a: {  	v3 =	vand.u32 $0x7, v3;
	v4 =	vand.u32 $0xFFFFFFF0, v57  }
0x3b: {  	v3 =	vor.u32 v3, v4  }
0x3c: {  	v4 =	vperm.xlane v3, v0;
	_ =	sdelay $0x1  }
0x3d: {  	v3 =	vperm.xlane v3, v2;
	v4 =	vadd.s32 v1, v4;
	_ =	sdelay $0x1  }
0x3e: {  	v3 =	vadd.s32 v1, v3;
	_ =	sdelay $0x2  }
0x3f: {  	[tilespmem:s15], [sflag:$0x1] =	stream.indirect_vreg.gather [hbm4b:s2+s1], $0x80, v4, vm0, $0xb8;
	[tilespmem:$0xC100] =	vst v63  }
0x40: {  	_ = 	snop  }
0x41: {  	[tilespmem:s16], [sflag:$0x1] =	stream.indirect_vreg.gather [hbm4b:s2+s1], $0x80, v3, vm0, $0xb8;
	[tilespmem:$0xC100] =	vst v63  }
0x42: {  	v3 =	vld [tilespmem:$0x20];
	_ =	sdelay $0x4  }
0x43: {  	v58 =	vshll.u32 v3, $0x1  }
0x44: {  	v3 =	vand.u32 $0x7, v3;
	v4 =	vand.u32 $0xFFFFFFF0, v58  }
0x45: {  	v3 =	vor.u32 v3, v4  }
0x46: {  	v4 =	vperm.xlane v3, v0;
	_ =	sdelay $0x1  }
0x47: {  	v3 =	vperm.xlane v3, v2;
	v4 =	vadd.s32 v1, v4;
	_ =	sdelay $0x1  }
0x48: {  	v3 =	vadd.s32 v1, v3;
	_ =	sdelay $0x2  }
0x49: {  	[tilespmem:s17], [sflag:$0x1] =	stream.indirect_vreg.gather [hbm4b:s2+s1], $0x80, v4, vm0, $0xb8;
	[tilespmem:$0xC100] =	vst v63  }
0x4a: {  	_ = 	snop  }
0x4b: {  	[tilespmem:s18], [sflag:$0x1] =	stream.indirect_vreg.gather [hbm4b:s2+s1], $0x80, v3, vm0, $0xb8;
	[tilespmem:$0xC100] =	vst v63  }
0x4c: {  	v3 =	vld [tilespmem:$0x30];
	_ =	sdelay $0x4  }
0x4d: {  	v59 =	vshll.u32 v3, $0x1  }
0x4e: {  	v3 =	vand.u32 $0x7, v3;
	v4 =	vand.u32 $0xFFFFFFF0, v59  }
0x4f: {  	v3 =	vor.u32 v3, v4  }
0x50: {  	v4 =	vperm.xlane v3, v0;
	_ =	sdelay $0x1  }
0x51: {  	v3 =	vperm.xlane v3, v2;
	v4 =	vadd.s32 v1, v4;
	_ =	sdelay $0x1  }
0x52: {  	v3 =	vadd.s32 v1, v3;
	_ =	sdelay $0x2  }
0x53: {  	[tilespmem:s19], [sflag:$0x1] =	stream.indirect_vreg.gather [hbm4b:s2+s1], $0x80, v4, vm0, $0xb8;
	[tilespmem:$0xC100] =	vst v63  }
0x54: {  	_ = 	snop  }
0x55: {  	[tilespmem:s20], [sflag:$0x1] =	stream.indirect_vreg.gather [hbm4b:s2+s1], $0x80, v3, vm0, $0xb8;
	[tilespmem:$0xC100] =	vst v63  }
0x56: {  	v3 =	vld [tilespmem:$0x40];
	_ =	sdelay $0x4  }
0x57: {  	v60 =	vshll.u32 v3, $0x1  }
0x58: {  	v3 =	vand.u32 $0x7, v3;
	v4 =	vand.u32 $0xFFFFFFF0, v60  }
0x59: {  	v3 =	vor.u32 v3, v4  }
0x5a: {  	v4 =	vperm.xlane v3, v0;
	_ =	sdelay $0x1  }
0x5b: {  	v3 =	vperm.xlane v3, v2;
	v4 =	vadd.s32 v1, v4;
	_ =	sdelay $0x1  }
0x5c: {  	v3 =	vadd.s32 v1, v3;
	_ =	sdelay $0x2  }
0x5d: {  	[tilespmem:s21], [sflag:$0x1] =	stream.indirect_vreg.gather [hbm4b:s2+s1], $0x80, v4, vm0, $0xb8;
	[tilespmem:$0xC100] =	vst v63  }
0x5e: {  	_ = 	snop  }
0x5f: {  	[tilespmem:s22], [sflag:$0x1] =	stream.indirect_vreg.gather [hbm4b:s2+s1], $0x80, v3, vm0, $0xb8;
	[tilespmem:$0xC100] =	vst v63  }
0x60: {  	v3 =	vld [tilespmem:$0x50];
	_ =	sdelay $0x4  }
0x61: {  	v61 =	vshll.u32 v3, $0x1  }
0x62: {  	v3 =	vand.u32 $0x7, v3;
	v4 =	vand.u32 $0xFFFFFFF0, v61  }
0x63: {  	v3 =	vor.u32 v3, v4  }
0x64: {  	v4 =	vperm.xlane v3, v0;
	_ =	sdelay $0x1  }
0x65: {  	v3 =	vperm.xlane v3, v2;
	v4 =	vadd.s32 v1, v4;
	_ =	sdelay $0x1  }
0x66: {  	v3 =	vadd.s32 v1, v3;
	_ =	sdelay $0x2  }
0x67: {  	[tilespmem:s23], [sflag:$0x1] =	stream.indirect_vreg.gather [hbm4b:s2+s1], $0x80, v4, vm0, $0xb8;
	[tilespmem:$0xC100] =	vst v63  }
0x68: {  	_ = 	snop  }
0x69: {  	[tilespmem:s24], [sflag:$0x1] =	stream.indirect_vreg.gather [hbm4b:s2+s1], $0x80, v3, vm0, $0xb8;
	[tilespmem:$0xC100] =	vst v63  }
0x6a: {  	v3 =	vld [tilespmem:$0x60];
	_ =	sdelay $0x4  }
0x6b: {  	v62 =	vshll.u32 v3, $0x1  }
0x6c: {  	v3 =	vand.u32 $0x7, v3;
	v4 =	vand.u32 $0xFFFFFFF0, v62  }
0x6d: {  	v3 =	vor.u32 v3, v4  }
0x6e: {  	v4 =	vperm.xlane v3, v0;
	_ =	sdelay $0x1  }
0x6f: {  	v3 =	vperm.xlane v3, v2;
	v4 =	vadd.s32 v1, v4;
	_ =	sdelay $0x1  }
0x70: {  	v3 =	vadd.s32 v1, v3;
	_ =	sdelay $0x2  }
0x71: {  	[tilespmem:s25], [sflag:$0x1] =	stream.indirect_vreg.gather [hbm4b:s2+s1], $0x80, v4, vm0, $0xb8;
	[tilespmem:$0xC100] =	vst v63  }
0x72: {  	_ = 	snop  }
0x73: {  	[tilespmem:s26], [sflag:$0x1] =	stream.indirect_vreg.gather [hbm4b:s2+s1], $0x80, v3, vm0, $0xb8;
	[tilespmem:$0xC100] =	vst v63  }
0x74: {  	v3 =	vld [tilespmem:$0x70];
	_ =	sdelay $0x4  }
0x75: {  	v63 =	vshll.u32 v3, $0x1  }
0x76: {  	v3 =	vand.u32 $0x7, v3;
	v4 =	vand.u32 $0xFFFFFFF0, v63  }
0x77: {  	v3 =	vor.u32 v3, v4  }
0x78: {  	v4 =	vperm.xlane v3, v0;
	_ =	sdelay $0x1  }
0x79: {  	v3 =	vperm.xlane v3, v2;
	v4 =	vadd.s32 v1, v4;
	_ =	sdelay $0x1  }
0x7a: {  	v3 =	vadd.s32 v1, v3;
	_ =	sdelay $0x2  }
0x7b: {  	[tilespmem:s28], [sflag:$0x1] =	stream.indirect_vreg.gather [hbm4b:s2+s1], $0x80, v4, vm0, $0xb8;
	[tilespmem:$0xC100] =	vst v63  }
0x7c: {  	_ = 	snop  }
0x7d: {  	[tilespmem:s29], [sflag:$0x1] =	stream.indirect_vreg.gather [hbm4b:s2+s1], $0x80, v3, vm0, $0xb8;
	[tilespmem:$0xC100] =	vst v63  }
0x7e: {  	_ = 	snop  }
0x7f: {  	[tilespmem:s30], [sflag:$0x1] =	stream.indirect.gather [hbm4b:s3+s12], $0x80, s12, s12, $0xb8;
	[tilespmem:$0xC100] =	vst v63  }
0x80: {  	_ =	swait.ge [sflag:s31], $0x8000  }
0x81: {  	[sflag:s31] =	ssyncset.done $0x0  }
0x82: {  	[sflag:s31] =	ssyncadd.s32 $0xFFFF8000  }
0x83: {  	_ =	swait.ge [sflag:s31], $0x4000  }
0x84: {  	[sflag:s31] =	ssyncset.done $0x0  }
0x85: {  	[sflag:s31] =	ssyncadd.s32 $0xFFFFC000  }
0x86: {  	[hbm4b:s8+s1] =	stream.linear.scatter [tilespmem:s13], [sflag:$0x3], $0x8000, $0x38;
	[tilespmem:$0xC100] =	vst v63  }
0x87: {  	_ =	swait.ge [sflag:s11], $0x8000  }
0x88: {  	[sflag:s11] =	ssyncset.done $0x0  }
.Ltmp5:
0x89: {  	[sflag:s11] =	ssyncadd.s32 $0xFFFF8000;
	(pc) =	sbr.rel .LBB2_4-.Ltmp5, $4  }
0x8a: {  	[hbm4b:s9+s1] =	stream.linear.scatter [tilespmem:s30], [sflag:$0x2], $0x4000, $0x38;
	[tilespmem:$0xC100] =	vst v63  }
0x8b: {  	_ =	swait.ge [sflag:s0], $0x4000  }
0x8c: {  	[sflag:s0] =	ssyncset.done $0x0  }
0x8d: {  	[sflag:s0] =	ssyncadd.s32 $0xFFFFC000  }
.LBB2_6:
0x8e: {  	_ =	sfence.sel $0x180000  }
0x8f: {  	[bflag:$0x0] =	sbarrier.arrive $0xFFFF  }
0x90: {  	_ =	strace $0x90000047  }
0x91: {  	s0 =	stileid.u32;
	[bflag:$0x2] =	sbarrier.arrive $0xFFFF  }
0x92: {  	p0 =	sne.s32 s0, $0x0;
	s0 =	rddreg [dreg:$0x1]  }
0x93: {  	s0 =	sadd.s32 @!p0 $0x100000, s0  }
0x94: {  	[sflag:s0] =	ssyncadd.tile.s32 @!p0 $0x1;
	_ =	shalt  }
.Lfunc_end2:
_tile_overlayer_lowered:
.L_overlay_start_2:
0x95: {  	(tag) =	ssettag $0x2  }
0x96: {  	s0 =	rddreg [dreg:$0x0];
	s2 =	stileid.u32  }
0x97: {  	s1 =	rddreg [dreg:$0x1];
	p0 =	sne.s32 s2, $0x0  }
0x98: {  	s3 =	rddreg [dreg:$0x2];
	[bflag:$0x3] =	sbarrier.arrive $0xFFFF;
	s2 =	simm.s32 @!p0 $0x1C02  }
0x99: {  	[timem:s3], [sflag:s2] =	dma.local @!p0 [hbm:s0], s1  }
0x9a: {  	s0 =	simm.s32 @!p0 $0x2  }
0x9b: {  	_ =	swait.ge @!p0 [sflag:s0], s1  }
0x9c: {  	s1 =	ssub.s32 @!p0 $0x0, s1;
	[sflag:s0] =	ssyncset.done @!p0 $0x0  }
0x9d: {  	[sflag:s0] =	ssyncadd.s32 @!p0 s1  }
0x9e: {  	[bflag:$0x3] =	sbarrier.arrive $0xFFFF  }
0x9f: {  	_ =	shalt  }

// kernel: kernel.18.cloned.1.call-start
scs
__scs_entry_jumppad:
0x0: {  	(pc) =	sbr.rel $0x88, $3  }
0x1: {  	(tag) =	ssettag $0x0;
	lr =	simm.s32 $0x1  }
0x2: {  	[smem:$0x3F67] =	sst lr;
	_ =	strace $0xD0000000  }
0x3: {  	_ = 	snop  }
0x4: {  	_ = 	snop  }
0x5: {  	_ = 	snop  }
0x6: {  	_ = 	snop  }
0x7: {  	_ = 	snop  }
__scs_overlays_trampoline_lowered:
0x8: {  	[smem:$0x3F76] =	sst s0  }
0x9: {  	[smem:$0x3F77] =	sst s1  }
0xa: {  	[smem:$0x3F78] =	sst s2  }
0xb: {  	[smem:$0x3F79] =	sst s3  }
0xc: {  	[smem:$0x3F7A] =	sst s4  }
0xd: {  	[smem:$0x3F7B] =	sst s5  }
0xe: {  	[smem:$0x3F7C] =	sst s6  }
0xf: {  	[smem:$0x3F7D] =	sst s7  }
0x10: {  	[smem:$0x3F7E] =	sst s8  }
0x11: {  	[smem:$0x3F7F] =	sst s9;
	s0 =	simm.s32 @!p0 $0x0  }
0x12: {  	s1 =	sld [smem:$0x3F65];
	s0 =	simm.s32 @p0 $0x1  }
0x13: {  	[smem:$0x3F80] =	sst s0;
	s0 =	simm.s32 @!p1 $0x0  }
0x14: {  	s2 =	sld [smem:$0x3F64];
	s0 =	simm.s32 @p1 $0x1  }
0x15: {  	[smem:$0x3F81] =	sst s0;
	s0 =	simm.s32 @!p2 $0x0  }
0x16: {  	s3 =	sld [smem:$0x3FDB];
	s0 =	simm.s32 @p2 $0x1  }
0x17: {  	s4 =	simm.s32 $0x1BF5;
	[smem:$0x3F83] =	sst s0  }
0x18: {  	s0 =	sld [smem:$0x3F66];
	_ =	swait.ge [sflag:s4], $0x0  }
0x19: {  	s7 =	sld [smem:$0x3F67]  }
0x1a: {  	s8 =	sadd.s32 $0xFFFFE003, lr  }
0x1b: {  	s9 =	sadd.s32 $0xFFFFFEF7, lr;
	s5 =	simm.s32 $0xFFFFFFFF;
	p2 =	slt.u32 s8, $0xFFFFF086  }
0x1c: {  	p1 =	slt.u32 s9, $0xF7A;
	s5 =	simm.s32 @!p2 $0x0  }
0x1d: {  	s5 =	simm.s32 @p1 $0x1;
	p0 =	seq.s32 s7, s2  }
0x1e: {  	s7 =	smul.u32 @!p0 $0xF7A, s2;
	p2 =	seq.s32 @!p0 s5, $0x0  }
0x1f: {  	s9 =	smul.u32 $0xF7A, s1;
	s8 =	simm.s32 @!p0 $0x1BF5;
	p2 =	por !p2, p0  }
0x20: {  	[sflag:s8] =	ssyncset.s32 @!p0 $0xFFFFF086;
	s6 =	sadd.s32 @!p0 s3, s7;
	s7 =	simm.s32 @!p0 $0x108  }
0x21: {  	s3 =	sadd.s32 s3, s9;
	s6 =	sadd.s32 @!p0 $0x88, s6;
	s7 =	simm.s32 @p2 $0x1082  }
0x22: {  	[simem:s7], [sflag:s8] =	dma.local @!p0 [hbm:s6], $0xF7A  }
0x23: {  	s9 =	sor.u32 $0xD0000000, s2;
	s6 =	simm.s32 $0x108;
	_ =	swait.ge @!p0 [sflag:s8], $0x0  }
0x24: {  	s3 =	sadd.s32 $0x88, s3;
	s6 =	simm.s32 @!p1 $0x1082;
	[sflag:s4] =	ssyncset.s32 $0xFFFFF086  }
0x25: {  	[simem:s6], [sflag:s4] =	dma.local [hbm:s3], $0xF7A  }
0x26: {  	[smem:$0x3F67] =	sst s1;
	(tag) =	ssettag s2;
	_ =	strace s9  }
0x27: {  	s1 =	sld [smem:$0x3F77]  }
0x28: {  	s2 =	sld [smem:$0x3F78]  }
0x29: {  	s4 =	sld [smem:$0x3F7A]  }
0x2a: {  	p0 =	seq.s32 s5, $0x0;
	s5 =	sld [smem:$0x3F7B]  }
0x2b: {  	s6 =	sld [smem:$0x3F7C]  }
0x2c: {  	s7 =	sld [smem:$0x3F7D]  }
0x2d: {  	s3 =	simm.s32 $0x108;
	s8 =	sld [smem:$0x3F7E]  }
0x2e: {  	s3 =	simm.s32 @!p0 $0x1082;
	s9 =	sld [smem:$0x3F7F]  }
0x2f: {  	lr =	sadd.s32 s0, s3;
	s0 =	sld [smem:$0x3F76]  }
0x30: {  	s3 =	sld [smem:$0x3F79]  }
0x31: {  	[smem:$0x3F82] =	sst s10  }
0x32: {  	s10 =	sld [smem:$0x3F80];
	_ =	sdelay $0x3  }
0x33: {  	p0 =	seq.s32 s10, $0x1;
	s10 =	sld [smem:$0x3F82];
	_ =	sdelay $0x3  }
0x34: {  	[smem:$0x3F82] =	sst s10  }
0x35: {  	s10 =	sld [smem:$0x3F81];
	_ =	sdelay $0x3  }
0x36: {  	p1 =	seq.s32 s10, $0x1;
	s10 =	sld [smem:$0x3F82];
	_ =	sdelay $0x3  }
0x37: {  	[smem:$0x3F82] =	sst s10  }
0x38: {  	s10 =	sld [smem:$0x3F83]  }
0x39: {  	_ = 	snop;
	(pc) =	sbr.ind lr, $3  }
0x3a: {  	_ = 	snop  }
0x3b: {  	_ = 	snop  }
0x3c: {  	p2 =	seq.s32 s10, $0x1;
	s10 =	sld [smem:$0x3F82]  }
0x3d: {  	_ =	shalt  }
0x3e: {  	_ =	shalt  }
0x3f: {  	_ =	shalt  }
0x40: {  	_ =	shalt  }
0x41: {  	_ =	shalt  }
0x42: {  	_ =	shalt  }
0x43: {  	_ =	shalt  }
0x44: {  	_ =	shalt  }
0x45: {  	_ =	shalt  }
0x46: {  	_ =	shalt  }
0x47: {  	_ =	shalt  }
0x48: {  	_ =	shalt  }
0x49: {  	_ =	shalt  }
0x4a: {  	_ =	shalt  }
0x4b: {  	_ =	shalt  }
0x4c: {  	_ =	shalt  }
0x4d: {  	_ =	shalt  }
0x4e: {  	_ =	shalt  }
0x4f: {  	_ =	shalt  }
0x50: {  	_ =	shalt  }
0x51: {  	_ =	shalt  }
0x52: {  	_ =	shalt  }
0x53: {  	_ =	shalt  }
0x54: {  	_ =	shalt  }
0x55: {  	_ =	shalt  }
0x56: {  	_ =	shalt  }
0x57: {  	_ =	shalt  }
0x58: {  	_ =	shalt  }
0x59: {  	_ =	shalt  }
0x5a: {  	_ =	shalt  }
0x5b: {  	_ =	shalt  }
0x5c: {  	_ =	shalt  }
0x5d: {  	_ =	shalt  }
0x5e: {  	_ =	shalt  }
0x5f: {  	_ =	shalt  }
0x60: {  	_ =	shalt  }
0x61: {  	_ =	shalt  }
0x62: {  	_ =	shalt  }
0x63: {  	_ =	shalt  }
0x64: {  	_ =	shalt  }
0x65: {  	_ =	shalt  }
0x66: {  	_ =	shalt  }
0x67: {  	_ =	shalt  }
0x68: {  	_ =	shalt  }
0x69: {  	_ =	shalt  }
0x6a: {  	_ =	shalt  }
0x6b: {  	_ =	shalt  }
0x6c: {  	_ =	shalt  }
0x6d: {  	_ =	shalt  }
0x6e: {  	_ =	shalt  }
0x6f: {  	_ =	shalt  }
0x70: {  	_ =	shalt  }
0x71: {  	_ =	shalt  }
0x72: {  	_ =	shalt  }
0x73: {  	_ =	shalt  }
0x74: {  	_ =	shalt  }
0x75: {  	_ =	shalt  }
0x76: {  	_ =	shalt  }
0x77: {  	_ =	shalt  }
0x78: {  	_ =	shalt  }
0x79: {  	_ =	shalt  }
0x7a: {  	_ =	shalt  }
0x7b: {  	_ =	shalt  }
0x7c: {  	_ =	shalt  }
0x7d: {  	_ =	shalt  }
0x7e: {  	_ =	shalt  }
0x7f: {  	_ =	shalt  }
0x80: {  	_ =	shalt  }
0x81: {  	_ =	shalt  }
0x82: {  	_ =	shalt  }
0x83: {  	_ =	shalt  }
0x84: {  	_ =	shalt  }
0x85: {  	_ =	shalt  }
0x86: {  	_ =	shalt  }
0x87: {  	_ =	shalt  }
.Lfunc_end0:
.L_simem_size_0:
called_computation.1_lowered:
.L_overlay_start_0:
0x88: {  	s2 =	sld [smem:$0x3FD9]  }
0x89: {  	s3 =	sld [smem:$0x3FFE];
	_ =	sdelay $0x1  }
0x8a: {  	s1 =	srdreg.scid  }
0x8b: {  	s0 =	sand.u32 $0x1, s1  }
0x8c: {  	s16 =	sshll.u32 s0, $0xA;
	s2 =	sadd.s32 s3, s2  }
0x8d: {  	s2 =	sadd.s32 s2, s16  }
0x8e: {  	[smem:$0x3F8E] =	sst s2  }
0x8f: {  	_ = 	snop  }
0x90: {  	(tm) =	ssettm $0x1  }
0x91: {  	s17 =	sld [smem:$0x3FFB];
	_ =	sdelay $0x3  }
0x92: {  	_ =	strace s17  }
0x93: {  	s2 =	sld [smem:$0x3FFC];
	_ =	sdelay $0x3  }
0x94: {  	_ =	strace s2  }
0x95: {  	s2 =	sld [smem:$0x3FFD];
	_ =	sdelay $0x3  }
0x96: {  	_ =	strace s2  }
0x97: {  	_ =	strace $0x8FFFFFFF  }
0x98: {  	s18 =	sld [smem:$0x3FDB];
	_ =	sdelay $0x1  }
0x99: {  	s19 =	simm.s32 $_scs_section_size  }
0x9a: {  	s4 =	simm.s32 $_size__tile_overlayer_lowered;
	s5 =	simm.s32 $_tile_overlayer_lowered  }
0x9b: {  	s22 =	simm.s32 $0x1BFF;
	s21 =	sshll.u32 s5, $0x1;
	s2 =	sadd.s32 s19, s18  }
0x9c: {  	s6 =	simm.s32 $0x0;
	s20 =	sshll.u32 s4, $0x1;
	s4 =	sadd.s32 s21, s2  }
0x9d: {  	[timem:s6], [sflag:s22] =	dma.local [hbm:s4], s20  }
0x9e: {  	_ =	swait.ge [sflag:s22], s20  }
0x9f: {  	s3 =	ssub.s32 $0x0, s20;
	[sflag:s22] =	ssyncset.done $0x0  }
0xa0: {  	[sflag:s22] =	ssyncadd.s32 s3;
	_ =	sdelay $0x1  }
0xa1: {  	s23 =	simm.s32 $0x1B8B  }
0xa2: {  	_ =	swait.ge [sflag:s23], $0x1  }
0xa3: {  	[sflag:s23] =	ssyncset.done $0x0  }
0xa4: {  	s25 =	simm.s32 $0x1B8E;
	s24 =	sld [smem:$0x3FFE];
	[sflag:s23] =	ssyncadd.s32 $0xFFFFFFFF  }
0xa5: {  	s26 =	simm.s32 $execute0_lowered;
	[smem:$0x3FD2] =	sst s25  }
0xa6: {  	s4 =	sshll.u32 s26, $0x1;
	_ =	strace $0x80000049;
	[dreg:$0x1] =	wrdreg $0xFFFFFFFF  }
0xa7: {  	s28 =	simm.s32 $_size_execute0_lowered;
	s2 =	sadd.s32 s2, s4;
	[dreg:$0x0] =	wrdreg $0x0  }
0xa8: {  	s4 =	sshll.u32 s28, $0x1;
	[dreg:$0x2] =	wrdreg s2  }
0xa9: {  	[dreg:$0x3] =	wrdreg s4  }
0xaa: {  	[dreg:$0x4] =	wrdreg $0xC0  }
0xab: {  	_ =	task [dreg:s6], $0x5FFFF  }
0xac: {  	[dreg:$0x1] =	wrdreg $0xFFFFFFFF  }
0xad: {  	[dreg:$0x0] =	wrdreg $0x60  }
0xae: {  	[dreg:$0x2] =	wrdreg s24  }
0xaf: {  	[dreg:$0x3] =	wrdreg $0x40800  }
0xb0: {  	[dreg:$0x4] =	wrdreg $0x9  }
0xb1: {  	_ =	task.clear_ibuf [dreg:s6], $0x5FFFF;
	_ =	strace $0x90000049  }
0xb2: {  	s29 =	simm.s32 $0x9;
	_ =	strace $0x8000004B  }
0xb3: {  	_ =	swait.ge [sflag:s29], $0x1  }
0xb4: {  	[sflag:s29] =	ssyncadd.s32 $0xFFFFFFFF  }
0xb5: {  	_ =	strace $0x9000004B  }
0xb6: {  	_ =	sfence  }
0xb7: {  	s30 =	sld [smem:$0x0];
	_ =	sdelay $0x2  }
0xb8: {  	s31 =	sshll.u32 s1, $0xD;
	s1 =	sshrl.u32 s1, $0x2  }
0xb9: {  	s3 =	sand.u32 $0x4000, s31;
	s1 =	sadd.s32 s1, s30  }
0xba: {  	s0 =	sor.u32 s3, s0;
	s1 =	sshll.u32 s1, $0x11  }
0xbb: {  	s0 =	sor.u32 s1, s0  }
0xbc: {  	s0 =	sadd.s32 $0x8F2B, s0  }
0xbd: {  	[sflag:s0] =	ssyncadd.remote.s32 $0x1  }
0xbe: {  	_ =	sfence.sel $0xFFFF  }
0xbf: {  	[dreg:$0x0] =	wrdreg $0xFFFFFFFF;
	(pc) =	sbr.abs _section_cstart, $3  }
0xc0: {  	[dreg:$0x1] =	wrdreg $0xFFFFFFFF  }
0xc1: {  	_ =	task.clear_ibuf [dreg:s6], $0x2FFFF;
	_ =	strace $0x9FFFFFFF  }
0xc2: {  	(tm) =	ssettm $0x7FFFFFFF  }
0xc3: {  	_ =	shalt  }
tec
execute0_lowered:
.L_overlay_start_1:
0x0: {  	(tag) =	ssettag $0x1  }
0x1: {  	s5 =	rddreg [dreg:$0x0]  }
0x2: {  	s1 =	rddreg [dreg:$0x1];
	s3 =	srdreg.scid  }
0x3: {  	s0 =	rddreg [dreg:$0x2];
	s2 =	simm.s32 $0x0;
	s6 =	sand.u32 $0x1, s3  }
0x4: {  	[smem:$0x7FF] =	sst s2;
	s7 =	smul.u32 $0x138800, s6  }
0x5: {  	s3 =	stileid.u32;
	s4 =	smul.u32 $0x2710, s6  }
0x6: {  	s13 =	sadd.s32 $0x64800, s5;
	s14 =	sadd.s32 $0x138000, s1;
	s9 =	smul.u32 $0x13800, s3  }
0x7: {  	_ =	strace $0x8000004A;
	s6 =	ssub.s32 $0x2, s6;
	s12 =	smul.u32 $0x4E000, s3  }
0x8: {  	s29 =	sshll.u32 s3, $0xB;
	s30 =	sshll.u32 s3, $0x4;
	p0 =	sne.s32 s3, $0x0  }
0x9: {  	s31 =	sshll.u32 s3, $0x6;
	s11 =	sshrl.u32 s6, $0x1;
	s14 =	sshrl.u32 @!p0 s14, $0x3  }
0xa: {  	s8 =	sadd.s32 s7, s5;
	s10 =	sadd.s32 s4, s5;
	s4 =	sadd.s32 $0x3D600, s5  }
0xb: {  	s9 =	sadd.s32 s9, s7;
	s11 =	ssub.s32 s6, s11;
	s26 =	sshrl.u32 s12, $0x2  }
0xc: {  	s7 =	sshrl.u32 s7, $0x3;
	s25 =	sshrl.u32 s9, $0x3;
	s12 =	sadd.s32 s26, s1  }
0xd: {  	s28 =	sadd.s32 s13, s7;
	s8 =	sadd.s32 s29, s8;
	s7 =	smax.u32 s11, $0x1  }
0xe: {  	s9 =	sadd.s32 s30, s10;
	s10 =	sshrl.u32 @!p0 s1, $0x3;
	s11 =	sor.u32 $0x1C01, s31  }
0xf: {  	s5 =	sadd.s32 s13, s25;
	s6 =	sadd.s32 $0x27000, s28;
	s8 =	sadd.s32 $0xA76A00, s8  }
0x10: {  	s9 =	sadd.s32 $0x38400, s9;
	s12 =	sshrl.u32 s12, $0x3;
	s13 =	simm.s32 $0x1  }
.LBB2_1:
0x11: {  	s15 =	simm.s32 @!p0 $0x1C01  }
0x12: {  	[spmem:s10], [sflag:s15] =	dma.local @!p0 [hbm:s4], $0x27100  }
0x13: {  	s15 =	simm.s32 @!p0 $0x1  }
0x14: {  	_ =	swait.ge @!p0 [sflag:s15], $0x27100  }
0x15: {  	s16 =	sadd.s32 $0x0, s3;
	[sflag:s15] =	ssyncset.done @!p0 $0x0  }
0x16: {  	p1 =	sgt.u32 s16, $0x270;
	[sflag:s15] =	ssyncadd.s32 @!p0 $0xFFFD8F00  }
0x17: {  	s17 =	simm.s32 @!p1 $0x2;
	s15 =	simm.s32 @!p1 $0x0;
	[bflag:$0x0] =	sbarrier.arrive $0xFFFF  }
0x18: {  	[tilespmem:s15], [sflag:$0x2] =	stream.linear.gather @!p1 [hbm4b:s9+s15], $0x80, $0x38;
	[tilespmem:$0x17900] =	vst v63  }
0x19: {  	_ =	swait.ge @!p1 [sflag:s17], $0x80  }
0x1a: {  	[sflag:s17] =	ssyncset.done @!p1 $0x0;
	p1 =	por p1, p1  }
0x1b: {  	[sflag:s17] =	ssyncadd.s32 @!p1 $0xFFFFFF80;
	s19 =	simm.s32 @!p1 $0x80  }
0x1c: {  	[tilespmem:s19], [sflag:$0x2] =	stream.linear.gather @!p1 [hbm4b:s8+s15], $0x4000, $0x38;
	[tilespmem:$0x17900] =	vst v63  }
0x1d: {  	_ =	swait.ge @!p1 [sflag:s17], $0x4000  }
0x1e: {  	[sflag:s17] =	ssyncset.done @!p1 $0x0  }
0x1f: {  	s31 =	sadd.s32 $0x10, s3;
	s18 =	simm.s32 @!p1 $0x1;
	[sflag:s17] =	ssyncadd.s32 @!p1 $0xFFFFC000  }
0x20: {  	[spmem:s1] =	stream.indirect.scatter.add.f32 @!p1 [tilespmem:s19], [sflag:$0x1], $0x80, s15, s19, $0xb8;
	[tilespmem:$0x17900] =	vst v63  }
0x21: {  	s16 =	simm.s32 $0x20;
	p2 =	sgt.u32 s31, $0x270;
	_ =	swait.ge @!p1 [sflag:s18], $0x4000  }
0x22: {  	s17 =	sadd.s32 $0x100, s9;
	s15 =	sadd.s32 $0x8000, s8;
	[sflag:s18] =	ssyncset.done @!p1 $0x0  }
.LBB2_2:
0x23: {  	s19 =	simm.s32 @!p2 $0x0;
	s20 =	simm.s32 @!p2 $0x2;
	[sflag:s18] =	ssyncadd.s32 @!p1 $0xFFFFC000  }
0x24: {  	[tilespmem:s19], [sflag:$0x2] =	stream.linear.gather @!p2 [hbm4b:s17+s19], $0x80, $0x38;
	[tilespmem:$0x17900] =	vst v63  }
0x25: {  	s21 =	smov.u32 s16;
	s16 =	sadd.s32 $0x10, s16;
	_ =	swait.ge @!p2 [sflag:s20], $0x80  }
0x26: {  	p1 =	por p2, p2;
	p3 =	sne.s32 s16, $0x280;
	[sflag:s20] =	ssyncset.done @!p2 $0x0  }
0x27: {  	s22 =	simm.s32 @!p1 $0x80;
	[sflag:s20] =	ssyncadd.s32 @!p1 $0xFFFFFF80  }
0x28: {  	[tilespmem:s22], [sflag:$0x2] =	stream.linear.gather @!p1 [hbm4b:s15+s19], $0x4000, $0x38;
	[tilespmem:$0x17900] =	vst v63  }
0x29: {  	_ =	swait.ge @!p1 [sflag:s20], $0x4000  }
.Ltmp0:
0x2a: {  	[sflag:s20] =	ssyncset.done @!p1 $0x0;
	(pc) =	sbr.rel @p3 .LBB2_2-.Ltmp0, $4  }
0x2b: {  	s18 =	simm.s32 @!p1 $0x1;
	[sflag:s20] =	ssyncadd.s32 @!p1 $0xFFFFC000  }
0x2c: {  	[spmem:s1] =	stream.indirect.scatter.add.f32 @!p1 [tilespmem:s22], [sflag:$0x1], $0x80, s19, s22, $0xb8;
	[tilespmem:$0x17900] =	vst v63  }
0x2d: {  	s17 =	sadd.s32 $0x100, s17;
	s19 =	sadd.s32 s21, s3;
	_ =	swait.ge @!p1 [sflag:s18], $0x4000  }
0x2e: {  	s15 =	sadd.s32 $0x8000, s15;
	p2 =	sgt.u32 s19, $0x270;
	[sflag:s18] =	ssyncset.done @!p1 $0x0  }
0x2f: {  	s16 =	simm.s32 @!p2 $0x0;
	s19 =	simm.s32 @!p2 $0x2;
	[sflag:s18] =	ssyncadd.s32 @!p1 $0xFFFFC000  }
0x30: {  	[tilespmem:s16], [sflag:$0x2] =	stream.linear.gather @!p2 [hbm4b:s17+s16], $0x80, $0x38;
	[tilespmem:$0x17900] =	vst v63  }
0x31: {  	_ =	swait.ge @!p2 [sflag:s19], $0x80  }
0x32: {  	p1 =	por p2, p2;
	[sflag:s19] =	ssyncset.done @!p2 $0x0  }
0x33: {  	s17 =	simm.s32 @!p1 $0x80;
	[sflag:s19] =	ssyncadd.s32 @!p1 $0xFFFFFF80  }
0x34: {  	[tilespmem:s17], [sflag:$0x2] =	stream.linear.gather @!p1 [hbm4b:s15+s16], $0x4000, $0x38;
	[tilespmem:$0x17900] =	vst v63  }
0x35: {  	_ =	swait.ge @!p1 [sflag:s19], $0x4000  }
0x36: {  	[sflag:s19] =	ssyncset.done @!p1 $0x0  }
0x37: {  	s15 =	simm.s32 @!p1 $0x1;
	[sflag:s19] =	ssyncadd.s32 @!p1 $0xFFFFC000  }
0x38: {  	[spmem:s1] =	stream.indirect.scatter.add.f32 @!p1 [tilespmem:s17], [sflag:$0x1], $0x80, s16, s17, $0xb8;
	[tilespmem:$0x17900] =	vst v63  }
0x39: {  	_ =	swait.ge @!p1 [sflag:s15], $0x4000  }
0x3a: {  	[sflag:s15] =	ssyncset.done @!p1 $0x0  }
0x3b: {  	[sflag:s15] =	ssyncadd.s32 @!p1 $0xFFFFC000  }
0x3c: {  	[bflag:$0x0] =	sbarrier.arrive $0xFFFF  }
0x3d: {  	[hbm:s5], [sflag:s11] =	dma.local [spmem:s12], $0x2700  }
0x3e: {  	s2 =	sadd.s32 $0x1, s2;
	_ =	swait.ge [sflag:s13], $0x2700  }
0x3f: {  	p1 =	sne.s32 s2, s7;
	[sflag:s13] =	ssyncset.done $0x0  }
.Ltmp1:
0x40: {  	s15 =	simm.s32 @!p0 $0x1;
	[sflag:s13] =	ssyncadd.s32 $0xFFFFD900;
	(pc) =	sbr.rel @p1 .LBB2_1-.Ltmp1, $4  }
0x41: {  	[hbm:s6], [sflag:s11] =	dma.local @!p0 [spmem:s14], $0x100  }
0x42: {  	_ =	swait.ge @!p0 [sflag:s15], $0x100  }
0x43: {  	[sflag:s15] =	ssyncset.done @!p0 $0x0  }
0x44: {  	[sflag:s15] =	ssyncadd.s32 @!p0 $0xFFFFFF00  }
0x45: {  	_ =	sfence.sel $0x180000  }
0x46: {  	[bflag:$0x0] =	sbarrier.arrive $0xFFFF  }
0x47: {  	_ =	strace $0x9000004A  }
0x48: {  	s0 =	sadd.s32 @!p0 $0x100000, s0;
	[bflag:$0x2] =	sbarrier.arrive $0xFFFF  }
0x49: {  	[sflag:s0] =	ssyncadd.tile.s32 @!p0 $0x1;
	_ =	shalt  }
.Lfunc_end2:
_tile_overlayer_lowered:
.L_overlay_start_2:
0x4a: {  	(tag) =	ssettag $0x2  }
0x4b: {  	s0 =	rddreg [dreg:$0x0];
	s2 =	stileid.u32  }
0x4c: {  	s1 =	rddreg [dreg:$0x1];
	p0 =	sne.s32 s2, $0x0  }
0x4d: {  	s3 =	rddreg [dreg:$0x2];
	[bflag:$0x3] =	sbarrier.arrive $0xFFFF;
	s2 =	simm.s32 @!p0 $0x1C01  }
0x4e: {  	[timem:s3], [sflag:s2] =	dma.local @!p0 [hbm:s0], s1  }
0x4f: {  	s0 =	simm.s32 @!p0 $0x1  }
0x50: {  	_ =	swait.ge @!p0 [sflag:s0], s1  }
0x51: {  	s1 =	ssub.s32 @!p0 $0x0, s1;
	[sflag:s0] =	ssyncset.done @!p0 $0x0  }
0x52: {  	[sflag:s0] =	ssyncadd.s32 @!p0 s1  }
0x53: {  	[bflag:$0x3] =	sbarrier.arrive $0xFFFF  }
0x54: {  	_ =	shalt  }

// kernel: kernel.21.cloned.1.call-start
scs
__scs_entry_jumppad:
0x0: {  	(pc) =	sbr.rel $0x88, $3  }
0x1: {  	(tag) =	ssettag $0x0;
	lr =	simm.s32 $0x1  }
0x2: {  	[smem:$0x3F67] =	sst lr;
	_ =	strace $0xD0000000  }
0x3: {  	_ = 	snop  }
0x4: {  	_ = 	snop  }
0x5: {  	_ = 	snop  }
0x6: {  	_ = 	snop  }
0x7: {  	_ = 	snop  }
__scs_overlays_trampoline_lowered:
0x8: {  	[smem:$0x3F76] =	sst s0  }
0x9: {  	[smem:$0x3F77] =	sst s1  }
0xa: {  	[smem:$0x3F78] =	sst s2  }
0xb: {  	[smem:$0x3F79] =	sst s3  }
0xc: {  	[smem:$0x3F7A] =	sst s4  }
0xd: {  	[smem:$0x3F7B] =	sst s5  }
0xe: {  	[smem:$0x3F7C] =	sst s6  }
0xf: {  	[smem:$0x3F7D] =	sst s7  }
0x10: {  	[smem:$0x3F7E] =	sst s8  }
0x11: {  	[smem:$0x3F7F] =	sst s9;
	s0 =	simm.s32 @!p0 $0x0  }
0x12: {  	s1 =	sld [smem:$0x3F65];
	s0 =	simm.s32 @p0 $0x1  }
0x13: {  	[smem:$0x3F80] =	sst s0;
	s0 =	simm.s32 @!p1 $0x0  }
0x14: {  	s2 =	sld [smem:$0x3F64];
	s0 =	simm.s32 @p1 $0x1  }
0x15: {  	[smem:$0x3F81] =	sst s0;
	s0 =	simm.s32 @!p2 $0x0  }
0x16: {  	s3 =	sld [smem:$0x3FDB];
	s0 =	simm.s32 @p2 $0x1  }
0x17: {  	s4 =	simm.s32 $0x1BF5;
	[smem:$0x3F83] =	sst s0  }
0x18: {  	s0 =	sld [smem:$0x3F66];
	_ =	swait.ge [sflag:s4], $0x0  }
0x19: {  	s7 =	sld [smem:$0x3F67]  }
0x1a: {  	s8 =	sadd.s32 $0xFFFFE003, lr  }
0x1b: {  	s9 =	sadd.s32 $0xFFFFFEF7, lr;
	s5 =	simm.s32 $0xFFFFFFFF;
	p2 =	slt.u32 s8, $0xFFFFF086  }
0x1c: {  	p1 =	slt.u32 s9, $0xF7A;
	s5 =	simm.s32 @!p2 $0x0  }
0x1d: {  	s5 =	simm.s32 @p1 $0x1;
	p0 =	seq.s32 s7, s2  }
0x1e: {  	s7 =	smul.u32 @!p0 $0xF7A, s2;
	p2 =	seq.s32 @!p0 s5, $0x0  }
0x1f: {  	s9 =	smul.u32 $0xF7A, s1;
	s8 =	simm.s32 @!p0 $0x1BF5;
	p2 =	por !p2, p0  }
0x20: {  	[sflag:s8] =	ssyncset.s32 @!p0 $0xFFFFF086;
	s6 =	sadd.s32 @!p0 s3, s7;
	s7 =	simm.s32 @!p0 $0x108  }
0x21: {  	s3 =	sadd.s32 s3, s9;
	s6 =	sadd.s32 @!p0 $0x88, s6;
	s7 =	simm.s32 @p2 $0x1082  }
0x22: {  	[simem:s7], [sflag:s8] =	dma.local @!p0 [hbm:s6], $0xF7A  }
0x23: {  	s9 =	sor.u32 $0xD0000000, s2;
	s6 =	simm.s32 $0x108;
	_ =	swait.ge @!p0 [sflag:s8], $0x0  }
0x24: {  	s3 =	sadd.s32 $0x88, s3;
	s6 =	simm.s32 @!p1 $0x1082;
	[sflag:s4] =	ssyncset.s32 $0xFFFFF086  }
0x25: {  	[simem:s6], [sflag:s4] =	dma.local [hbm:s3], $0xF7A  }
0x26: {  	[smem:$0x3F67] =	sst s1;
	(tag) =	ssettag s2;
	_ =	strace s9  }
0x27: {  	s1 =	sld [smem:$0x3F77]  }
0x28: {  	s2 =	sld [smem:$0x3F78]  }
0x29: {  	s4 =	sld [smem:$0x3F7A]  }
0x2a: {  	p0 =	seq.s32 s5, $0x0;
	s5 =	sld [smem:$0x3F7B]  }
0x2b: {  	s6 =	sld [smem:$0x3F7C]  }
0x2c: {  	s7 =	sld [smem:$0x3F7D]  }
0x2d: {  	s3 =	simm.s32 $0x108;
	s8 =	sld [smem:$0x3F7E]  }
0x2e: {  	s3 =	simm.s32 @!p0 $0x1082;
	s9 =	sld [smem:$0x3F7F]  }
0x2f: {  	lr =	sadd.s32 s0, s3;
	s0 =	sld [smem:$0x3F76]  }
0x30: {  	s3 =	sld [smem:$0x3F79]  }
0x31: {  	[smem:$0x3F82] =	sst s10  }
0x32: {  	s10 =	sld [smem:$0x3F80];
	_ =	sdelay $0x3  }
0x33: {  	p0 =	seq.s32 s10, $0x1;
	s10 =	sld [smem:$0x3F82];
	_ =	sdelay $0x3  }
0x34: {  	[smem:$0x3F82] =	sst s10  }
0x35: {  	s10 =	sld [smem:$0x3F81];
	_ =	sdelay $0x3  }
0x36: {  	p1 =	seq.s32 s10, $0x1;
	s10 =	sld [smem:$0x3F82];
	_ =	sdelay $0x3  }
0x37: {  	[smem:$0x3F82] =	sst s10  }
0x38: {  	s10 =	sld [smem:$0x3F83]  }
0x39: {  	_ = 	snop;
	(pc) =	sbr.ind lr, $3  }
0x3a: {  	_ = 	snop  }
0x3b: {  	_ = 	snop  }
0x3c: {  	p2 =	seq.s32 s10, $0x1;
	s10 =	sld [smem:$0x3F82]  }
0x3d: {  	_ =	shalt  }
0x3e: {  	_ =	shalt  }
0x3f: {  	_ =	shalt  }
0x40: {  	_ =	shalt  }
0x41: {  	_ =	shalt  }
0x42: {  	_ =	shalt  }
0x43: {  	_ =	shalt  }
0x44: {  	_ =	shalt  }
0x45: {  	_ =	shalt  }
0x46: {  	_ =	shalt  }
0x47: {  	_ =	shalt  }
0x48: {  	_ =	shalt  }
0x49: {  	_ =	shalt  }
0x4a: {  	_ =	shalt  }
0x4b: {  	_ =	shalt  }
0x4c: {  	_ =	shalt  }
0x4d: {  	_ =	shalt  }
0x4e: {  	_ =	shalt  }
0x4f: {  	_ =	shalt  }
0x50: {  	_ =	shalt  }
0x51: {  	_ =	shalt  }
0x52: {  	_ =	shalt  }
0x53: {  	_ =	shalt  }
0x54: {  	_ =	shalt  }
0x55: {  	_ =	shalt  }
0x56: {  	_ =	shalt  }
0x57: {  	_ =	shalt  }
0x58: {  	_ =	shalt  }
0x59: {  	_ =	shalt  }
0x5a: {  	_ =	shalt  }
0x5b: {  	_ =	shalt  }
0x5c: {  	_ =	shalt  }
0x5d: {  	_ =	shalt  }
0x5e: {  	_ =	shalt  }
0x5f: {  	_ =	shalt  }
0x60: {  	_ =	shalt  }
0x61: {  	_ =	shalt  }
0x62: {  	_ =	shalt  }
0x63: {  	_ =	shalt  }
0x64: {  	_ =	shalt  }
0x65: {  	_ =	shalt  }
0x66: {  	_ =	shalt  }
0x67: {  	_ =	shalt  }
0x68: {  	_ =	shalt  }
0x69: {  	_ =	shalt  }
0x6a: {  	_ =	shalt  }
0x6b: {  	_ =	shalt  }
0x6c: {  	_ =	shalt  }
0x6d: {  	_ =	shalt  }
0x6e: {  	_ =	shalt  }
0x6f: {  	_ =	shalt  }
0x70: {  	_ =	shalt  }
0x71: {  	_ =	shalt  }
0x72: {  	_ =	shalt  }
0x73: {  	_ =	shalt  }
0x74: {  	_ =	shalt  }
0x75: {  	_ =	shalt  }
0x76: {  	_ =	shalt  }
0x77: {  	_ =	shalt  }
0x78: {  	_ =	shalt  }
0x79: {  	_ =	shalt  }
0x7a: {  	_ =	shalt  }
0x7b: {  	_ =	shalt  }
0x7c: {  	_ =	shalt  }
0x7d: {  	_ =	shalt  }
0x7e: {  	_ =	shalt  }
0x7f: {  	_ =	shalt  }
0x80: {  	_ =	shalt  }
0x81: {  	_ =	shalt  }
0x82: {  	_ =	shalt  }
0x83: {  	_ =	shalt  }
0x84: {  	_ =	shalt  }
0x85: {  	_ =	shalt  }
0x86: {  	_ =	shalt  }
0x87: {  	_ =	shalt  }
.Lfunc_end0:
.L_simem_size_0:
called_computation.2_lowered:
.L_overlay_start_0:
0x88: {  	s2 =	sld [smem:$0x3FD9]  }
0x89: {  	s3 =	sld [smem:$0x3FFE];
	_ =	sdelay $0x1  }
0x8a: {  	s1 =	srdreg.scid  }
0x8b: {  	s0 =	sand.u32 $0x1, s1  }
0x8c: {  	s16 =	sshll.u32 s0, $0xA;
	s2 =	sadd.s32 s3, s2  }
0x8d: {  	s2 =	sadd.s32 s2, s16  }
0x8e: {  	[smem:$0x3F8E] =	sst s2  }
0x8f: {  	_ = 	snop  }
0x90: {  	(tm) =	ssettm $0x1  }
0x91: {  	s17 =	sld [smem:$0x3FFB];
	_ =	sdelay $0x3  }
0x92: {  	_ =	strace s17  }
0x93: {  	s2 =	sld [smem:$0x3FFC];
	_ =	sdelay $0x3  }
0x94: {  	_ =	strace s2  }
0x95: {  	s2 =	sld [smem:$0x3FFD];
	_ =	sdelay $0x3  }
0x96: {  	_ =	strace s2  }
0x97: {  	_ =	strace $0x8FFFFFFF  }
0x98: {  	s18 =	sld [smem:$0x3FDB];
	_ =	sdelay $0x1  }
0x99: {  	s19 =	simm.s32 $_scs_section_size  }
0x9a: {  	s4 =	simm.s32 $_size__tile_overlayer_lowered;
	s5 =	simm.s32 $_tile_overlayer_lowered  }
0x9b: {  	s22 =	simm.s32 $0x1BFF;
	s21 =	sshll.u32 s5, $0x1;
	s2 =	sadd.s32 s19, s18  }
0x9c: {  	s6 =	simm.s32 $0x0;
	s20 =	sshll.u32 s4, $0x1;
	s4 =	sadd.s32 s21, s2  }
0x9d: {  	[timem:s6], [sflag:s22] =	dma.local [hbm:s4], s20  }
0x9e: {  	_ =	swait.ge [sflag:s22], s20  }
0x9f: {  	s3 =	ssub.s32 $0x0, s20;
	[sflag:s22] =	ssyncset.done $0x0  }
0xa0: {  	[sflag:s22] =	ssyncadd.s32 s3;
	_ =	sdelay $0x1  }
0xa1: {  	s23 =	simm.s32 $0x1B8B  }
0xa2: {  	_ =	swait.ge [sflag:s23], $0x1  }
0xa3: {  	[sflag:s23] =	ssyncset.done $0x0  }
0xa4: {  	s25 =	simm.s32 $0x1B8E;
	s24 =	sld [smem:$0x3FFE];
	[sflag:s23] =	ssyncadd.s32 $0xFFFFFFFF  }
0xa5: {  	s26 =	simm.s32 $execute0_lowered;
	[smem:$0x3FD2] =	sst s25  }
0xa6: {  	s4 =	sshll.u32 s26, $0x1;
	_ =	strace $0x8000004C;
	[dreg:$0x1] =	wrdreg $0xFFFFFFFF  }
0xa7: {  	s28 =	simm.s32 $_size_execute0_lowered;
	s2 =	sadd.s32 s2, s4;
	[dreg:$0x0] =	wrdreg $0x0  }
0xa8: {  	s4 =	sshll.u32 s28, $0x1;
	[dreg:$0x2] =	wrdreg s2  }
0xa9: {  	[dreg:$0x3] =	wrdreg s4  }
0xaa: {  	[dreg:$0x4] =	wrdreg $0xC0  }
0xab: {  	_ =	task [dreg:s6], $0x5FFFF  }
0xac: {  	[dreg:$0x1] =	wrdreg $0xFFFFFFFF  }
0xad: {  	[dreg:$0x0] =	wrdreg $0x60  }
0xae: {  	[dreg:$0x2] =	wrdreg s24  }
0xaf: {  	[dreg:$0x3] =	wrdreg $0x9  }
0xb0: {  	_ =	task.clear_ibuf [dreg:s6], $0x4FFFF;
	_ =	strace $0x9000004C  }
0xb1: {  	s29 =	simm.s32 $0x9;
	_ =	strace $0x8000004E  }
0xb2: {  	_ =	swait.ge [sflag:s29], $0x1  }
0xb3: {  	[sflag:s29] =	ssyncadd.s32 $0xFFFFFFFF  }
0xb4: {  	_ =	strace $0x9000004E  }
0xb5: {  	_ =	sfence  }
0xb6: {  	s30 =	sld [smem:$0x0];
	_ =	sdelay $0x2  }
0xb7: {  	s31 =	sshll.u32 s1, $0xD;
	s1 =	sshrl.u32 s1, $0x2  }
0xb8: {  	s3 =	sand.u32 $0x4000, s31;
	s1 =	sadd.s32 s1, s30  }
0xb9: {  	s0 =	sor.u32 s3, s0;
	s1 =	sshll.u32 s1, $0x11  }
0xba: {  	s0 =	sor.u32 s1, s0  }
0xbb: {  	s0 =	sadd.s32 $0x8F2B, s0  }
0xbc: {  	[sflag:s0] =	ssyncadd.remote.s32 $0x1  }
0xbd: {  	_ =	sfence.sel $0xFFFF  }
0xbe: {  	[dreg:$0x0] =	wrdreg $0xFFFFFFFF;
	(pc) =	sbr.abs _section_cstart, $3  }
0xbf: {  	[dreg:$0x1] =	wrdreg $0xFFFFFFFF  }
0xc0: {  	_ =	task.clear_ibuf [dreg:s6], $0x2FFFF;
	_ =	strace $0x9FFFFFFF  }
0xc1: {  	(tm) =	ssettm $0x7FFFFFFF  }
tec
execute0_lowered:
.L_overlay_start_1:
0x0: {  	(tag) =	ssettag $0x1  }
0x1: {  	s0 =	rddreg [dreg:$0x0];
	s1 =	simm.s32 $0x0;
	s2 =	srdreg.scid  }
0x2: {  	s10 =	stileid.u32;
	s11 =	simm.s32 $0x3;
	s12 =	simm.s32 $0x80  }
0x3: {  	s13 =	simm.s32 $0x100;
	s15 =	simm.s32 $0x1100;
	s16 =	simm.s32 $0x1900  }
0x4: {  	s17 =	simm.s32 $0x2100;
	s18 =	simm.s32 $0x2900;
	s19 =	simm.s32 $0x3100  }
0x5: {  	s20 =	simm.s32 $0x3900;
	s28 =	simm.s32 $0x7100;
	s29 =	simm.s32 $0x7900  }
0x6: {  	s30 =	simm.s32 $0x8100;
	s31 =	simm.s32 $0x1;
	[smem:$0x7FF] =	sst s1  }
0x7: {  	s4 =	sand.u32 $0x1, s2;
	s2 =	sadd.s32 $0xB2A00, s0;
	s3 =	sadd.s32 $0xC200, s0  }
0x8: {  	s23 =	sshll.u32 s10, $0x4;
	s24 =	sshll.u32 s10, $0xC;
	s9 =	sshll.u32 s10, $0xB  }
0x9: {  	_ =	strace $0x8000004D;
	s5 =	sshll.u32 s4, $0x8;
	s6 =	sshll.u32 s4, $0x10  }
0xa: {  	s21 =	sshll.u32 s4, $0xF;
	s8 =	ssub.s32 $0x2, s4;
	s4 =	sshll.u32 s4, $0x4  }
0xb: {  	s5 =	sadd.s32 s5, s0;
	s7 =	sadd.s32 s6, s0;
	s0 =	sadd.s32 s21, s0  }
0xc: {  	s22 =	sshrl.u32 s8, $0x1;
	s26 =	sor.u32 s4, s10;
	s21 =	simm.s32 $0x4100  }
0xd: {  	s4 =	simm.s32 $0x0;
	s6 =	ssub.s32 s8, s22;
	s5 =	sadd.s32 s23, s5  }
0xe: {  	s8 =	sadd.s32 s24, s7;
	s0 =	sadd.s32 s9, s0;
	[dreg:$0x5] =	wrdreg s26  }
.Ltmp0:
0xf: {  	s22 =	simm.s32 $0x4900;
	s23 =	simm.s32 $0x5100;
	(pc) =	sbr.rel .LBB2_1-.Ltmp0, $4  }
0x10: {  	s24 =	simm.s32 $0x5900;
	s26 =	simm.s32 $0x6900;
	s6 =	smax.u32 s6, $0x1  }
0x11: {  	v2 =	vlaneseq.u32;
	s7 =	sadd.s32 $0x33400, s5;
	s25 =	sadd.s32 $0x100C00, s8;
	[dreg:$0x2] =	wrdreg s6  }
0x12: {  	vm0 =	vmmov $0xffff;
	v1 =	vshrl.u32 v2, $0x3;
	s0 =	sadd.s32 $0x5E2C00, s0;
	s6 =	sadd.s32 $0x38400, s5;
	[dreg:$0x3] =	wrdreg s25  }
0x13: {  	v0 =	vand.u32 $0x7, v2;
	v2 =	vor.u32 $0x8, v2;
	v1 =	vmul.u32 $0x8, v1;
	[dreg:$0x4] =	wrdreg s0;
	s25 =	simm.s32 $0x6100;
	s0 =	simm.s32 $0x2  }
.LBB2_5:
0x14: {  	s4 =	sadd.s32 $0x1, s4;
	s5 =	rddreg [dreg:$0x2]  }
0x15: {  	p0 =	sne.s32 s4, s5  }
.Ltmp1:
0x16: {  	_ = 	snop;
	(pc) =	sbr.rel @!p0 .LBB2_6-.Ltmp1, $1  }
0x17: {  	_ =	sdelay $0x3  }
.LBB2_1:
.Ltmp2:
0x18: {  	(pc) =	sbr.rel .LBB2_2-.Ltmp2, $4  }
0x19: {  	_ = 	snop  }
0x1a: {  	s10 =	rddreg [dreg:$0x5]  }
0x1b: {  	s9 =	rddreg [dreg:$0x4]  }
0x1c: {  	s8 =	rddreg [dreg:$0x3];
	s5 =	simm.s32 $0x0  }
.LBB2_4:
0x1d: {  	s5 =	sadd.s32 $0x200, s5  }
0x1e: {  	p0 =	sne.s32 s5, $0x5000  }
.Ltmp3:
0x1f: {  	_ = 	snop;
	(pc) =	sbr.rel @!p0 .LBB2_5-.Ltmp3, $2  }
0x20: {  	_ =	sdelay $0x2  }
0x21: {  	s8 =	sadd.s32 $0x20000, s8;
	s9 =	sadd.s32 $0x10000, s9;
	s10 =	sadd.s32 $0x20, s10  }
.LBB2_2:
0x22: {  	p0 =	sgt.u32 s10, $0x4E1  }
.Ltmp4:
0x23: {  	_ = 	snop;
	(pc) =	sbr.rel @p0 .LBB2_4-.Ltmp4, $1  }
0x24: {  	_ =	sdelay $0x3  }
0x25: {  	s14 =	sadd.s32 s5, s7  }
0x26: {  	[tilespmem:s1], [sflag:$0x3] =	stream.linear.gather [hbm4b:s14+s1], $0x80, $0x38;
	[tilespmem:$0xC100] =	vst v63  }
0x27: {  	_ =	swait.ge [sflag:s11], $0x80  }
0x28: {  	[sflag:s11] =	ssyncset.done $0x0  }
0x29: {  	s14 =	sadd.s32 s5, s6;
	[sflag:s11] =	ssyncadd.s32 $0xFFFFFF80  }
0x2a: {  	[tilespmem:s12], [sflag:$0x3] =	stream.linear.gather [hbm4b:s14+s1], $0x80, $0x38;
	[tilespmem:$0xC100] =	vst v63  }
0x2b: {  	_ =	swait.ge [sflag:s11], $0x80  }
0x2c: {  	[sflag:s11] =	ssyncset.done $0x0  }
0x2d: {  	[sflag:s11] =	ssyncadd.s32 $0xFFFFFF80  }
0x2e: {  	v3 =	vld [tilespmem:$0x0];
	_ =	sdelay $0x4  }
0x2f: {  	v4 =	vshll.u32 v3, $0x1  }
0x30: {  	v3 =	vand.u32 $0x7, v3;
	v4 =	vand.u32 $0xFFFFFFF0, v4  }
0x31: {  	v3 =	vor.u32 v3, v4  }
0x32: {  	v4 =	vperm.xlane v3, v0;
	_ =	sdelay $0x1  }
0x33: {  	v3 =	vperm.xlane v3, v2;
	v4 =	vadd.s32 v1, v4;
	_ =	sdelay $0x1  }
0x34: {  	v3 =	vadd.s32 v1, v3;
	_ =	sdelay $0x2  }
0x35: {  	[tilespmem:s13], [sflag:$0x1] =	stream.indirect_vreg.gather [hbm4b:s2+s1], $0x80, v4, vm0, $0xb8;
	[tilespmem:$0xC100] =	vst v63  }
0x36: {  	s14 =	simm.s32 $0x900  }
0x37: {  	[tilespmem:s14], [sflag:$0x1] =	stream.indirect_vreg.gather [hbm4b:s2+s1], $0x80, v3, vm0, $0xb8;
	[tilespmem:$0xC100] =	vst v63  }
0x38: {  	v3 =	vld [tilespmem:$0x10];
	_ =	sdelay $0x4  }
0x39: {  	v57 =	vshll.u32 v3, $0x1  }
0x3a: {  	v3 =	vand.u32 $0x7, v3;
	v4 =	vand.u32 $0xFFFFFFF0, v57  }
0x3b: {  	v3 =	vor.u32 v3, v4  }
0x3c: {  	v4 =	vperm.xlane v3, v0;
	_ =	sdelay $0x1  }
0x3d: {  	v3 =	vperm.xlane v3, v2;
	v4 =	vadd.s32 v1, v4;
	_ =	sdelay $0x1  }
0x3e: {  	v3 =	vadd.s32 v1, v3;
	_ =	sdelay $0x2  }
0x3f: {  	[tilespmem:s15], [sflag:$0x1] =	stream.indirect_vreg.gather [hbm4b:s2+s1], $0x80, v4, vm0, $0xb8;
	[tilespmem:$0xC100] =	vst v63  }
0x40: {  	_ = 	snop  }
0x41: {  	[tilespmem:s16], [sflag:$0x1] =	stream.indirect_vreg.gather [hbm4b:s2+s1], $0x80, v3, vm0, $0xb8;
	[tilespmem:$0xC100] =	vst v63  }
0x42: {  	v3 =	vld [tilespmem:$0x20];
	_ =	sdelay $0x4  }
0x43: {  	v58 =	vshll.u32 v3, $0x1  }
0x44: {  	v3 =	vand.u32 $0x7, v3;
	v4 =	vand.u32 $0xFFFFFFF0, v58  }
0x45: {  	v3 =	vor.u32 v3, v4  }
0x46: {  	v4 =	vperm.xlane v3, v0;
	_ =	sdelay $0x1  }
0x47: {  	v3 =	vperm.xlane v3, v2;
	v4 =	vadd.s32 v1, v4;
	_ =	sdelay $0x1  }
0x48: {  	v3 =	vadd.s32 v1, v3;
	_ =	sdelay $0x2  }
0x49: {  	[tilespmem:s17], [sflag:$0x1] =	stream.indirect_vreg.gather [hbm4b:s2+s1], $0x80, v4, vm0, $0xb8;
	[tilespmem:$0xC100] =	vst v63  }
0x4a: {  	_ = 	snop  }
0x4b: {  	[tilespmem:s18], [sflag:$0x1] =	stream.indirect_vreg.gather [hbm4b:s2+s1], $0x80, v3, vm0, $0xb8;
	[tilespmem:$0xC100] =	vst v63  }
0x4c: {  	v3 =	vld [tilespmem:$0x30];
	_ =	sdelay $0x4  }
0x4d: {  	v59 =	vshll.u32 v3, $0x1  }
0x4e: {  	v3 =	vand.u32 $0x7, v3;
	v4 =	vand.u32 $0xFFFFFFF0, v59  }
0x4f: {  	v3 =	vor.u32 v3, v4  }
0x50: {  	v4 =	vperm.xlane v3, v0;
	_ =	sdelay $0x1  }
0x51: {  	v3 =	vperm.xlane v3, v2;
	v4 =	vadd.s32 v1, v4;
	_ =	sdelay $0x1  }
0x52: {  	v3 =	vadd.s32 v1, v3;
	_ =	sdelay $0x2  }
0x53: {  	[tilespmem:s19], [sflag:$0x1] =	stream.indirect_vreg.gather [hbm4b:s2+s1], $0x80, v4, vm0, $0xb8;
	[tilespmem:$0xC100] =	vst v63  }
0x54: {  	_ = 	snop  }
0x55: {  	[tilespmem:s20], [sflag:$0x1] =	stream.indirect_vreg.gather [hbm4b:s2+s1], $0x80, v3, vm0, $0xb8;
	[tilespmem:$0xC100] =	vst v63  }
0x56: {  	v3 =	vld [tilespmem:$0x40];
	_ =	sdelay $0x4  }
0x57: {  	v60 =	vshll.u32 v3, $0x1  }
0x58: {  	v3 =	vand.u32 $0x7, v3;
	v4 =	vand.u32 $0xFFFFFFF0, v60  }
0x59: {  	v3 =	vor.u32 v3, v4  }
0x5a: {  	v4 =	vperm.xlane v3, v0;
	_ =	sdelay $0x1  }
0x5b: {  	v3 =	vperm.xlane v3, v2;
	v4 =	vadd.s32 v1, v4;
	_ =	sdelay $0x1  }
0x5c: {  	v3 =	vadd.s32 v1, v3;
	_ =	sdelay $0x2  }
0x5d: {  	[tilespmem:s21], [sflag:$0x1] =	stream.indirect_vreg.gather [hbm4b:s2+s1], $0x80, v4, vm0, $0xb8;
	[tilespmem:$0xC100] =	vst v63  }
0x5e: {  	_ = 	snop  }
0x5f: {  	[tilespmem:s22], [sflag:$0x1] =	stream.indirect_vreg.gather [hbm4b:s2+s1], $0x80, v3, vm0, $0xb8;
	[tilespmem:$0xC100] =	vst v63  }
0x60: {  	v3 =	vld [tilespmem:$0x50];
	_ =	sdelay $0x4  }
0x61: {  	v61 =	vshll.u32 v3, $0x1  }
0x62: {  	v3 =	vand.u32 $0x7, v3;
	v4 =	vand.u32 $0xFFFFFFF0, v61  }
0x63: {  	v3 =	vor.u32 v3, v4  }
0x64: {  	v4 =	vperm.xlane v3, v0;
	_ =	sdelay $0x1  }
0x65: {  	v3 =	vperm.xlane v3, v2;
	v4 =	vadd.s32 v1, v4;
	_ =	sdelay $0x1  }
0x66: {  	v3 =	vadd.s32 v1, v3;
	_ =	sdelay $0x2  }
0x67: {  	[tilespmem:s23], [sflag:$0x1] =	stream.indirect_vreg.gather [hbm4b:s2+s1], $0x80, v4, vm0, $0xb8;
	[tilespmem:$0xC100] =	vst v63  }
0x68: {  	_ = 	snop  }
0x69: {  	[tilespmem:s24], [sflag:$0x1] =	stream.indirect_vreg.gather [hbm4b:s2+s1], $0x80, v3, vm0, $0xb8;
	[tilespmem:$0xC100] =	vst v63  }
0x6a: {  	v3 =	vld [tilespmem:$0x60];
	_ =	sdelay $0x4  }
0x6b: {  	v62 =	vshll.u32 v3, $0x1  }
0x6c: {  	v3 =	vand.u32 $0x7, v3;
	v4 =	vand.u32 $0xFFFFFFF0, v62  }
0x6d: {  	v3 =	vor.u32 v3, v4  }
0x6e: {  	v4 =	vperm.xlane v3, v0;
	_ =	sdelay $0x1  }
0x6f: {  	v3 =	vperm.xlane v3, v2;
	v4 =	vadd.s32 v1, v4;
	_ =	sdelay $0x1  }
0x70: {  	v3 =	vadd.s32 v1, v3;
	_ =	sdelay $0x2  }
0x71: {  	[tilespmem:s25], [sflag:$0x1] =	stream.indirect_vreg.gather [hbm4b:s2+s1], $0x80, v4, vm0, $0xb8;
	[tilespmem:$0xC100] =	vst v63  }
0x72: {  	_ = 	snop  }
0x73: {  	[tilespmem:s26], [sflag:$0x1] =	stream.indirect_vreg.gather [hbm4b:s2+s1], $0x80, v3, vm0, $0xb8;
	[tilespmem:$0xC100] =	vst v63  }
0x74: {  	v3 =	vld [tilespmem:$0x70];
	_ =	sdelay $0x4  }
0x75: {  	v63 =	vshll.u32 v3, $0x1  }
0x76: {  	v3 =	vand.u32 $0x7, v3;
	v4 =	vand.u32 $0xFFFFFFF0, v63  }
0x77: {  	v3 =	vor.u32 v3, v4  }
0x78: {  	v4 =	vperm.xlane v3, v0;
	_ =	sdelay $0x1  }
0x79: {  	v3 =	vperm.xlane v3, v2;
	v4 =	vadd.s32 v1, v4;
	_ =	sdelay $0x1  }
0x7a: {  	v3 =	vadd.s32 v1, v3;
	_ =	sdelay $0x2  }
0x7b: {  	[tilespmem:s28], [sflag:$0x1] =	stream.indirect_vreg.gather [hbm4b:s2+s1], $0x80, v4, vm0, $0xb8;
	[tilespmem:$0xC100] =	vst v63  }
0x7c: {  	_ = 	snop  }
0x7d: {  	[tilespmem:s29], [sflag:$0x1] =	stream.indirect_vreg.gather [hbm4b:s2+s1], $0x80, v3, vm0, $0xb8;
	[tilespmem:$0xC100] =	vst v63  }
0x7e: {  	_ = 	snop  }
0x7f: {  	[tilespmem:s30], [sflag:$0x1] =	stream.indirect.gather [hbm4b:s3+s12], $0x80, s12, s12, $0xb8;
	[tilespmem:$0xC100] =	vst v63  }
0x80: {  	_ =	swait.ge [sflag:s31], $0x8000  }
0x81: {  	[sflag:s31] =	ssyncset.done $0x0  }
0x82: {  	[sflag:s31] =	ssyncadd.s32 $0xFFFF8000  }
0x83: {  	_ =	swait.ge [sflag:s31], $0x4000  }
0x84: {  	[sflag:s31] =	ssyncset.done $0x0  }
0x85: {  	[sflag:s31] =	ssyncadd.s32 $0xFFFFC000  }
0x86: {  	[hbm4b:s8+s1] =	stream.linear.scatter [tilespmem:s13], [sflag:$0x3], $0x8000, $0x38;
	[tilespmem:$0xC100] =	vst v63  }
0x87: {  	_ =	swait.ge [sflag:s11], $0x8000  }
0x88: {  	[sflag:s11] =	ssyncset.done $0x0  }
.Ltmp5:
0x89: {  	[sflag:s11] =	ssyncadd.s32 $0xFFFF8000;
	(pc) =	sbr.rel .LBB2_4-.Ltmp5, $4  }
0x8a: {  	[hbm4b:s9+s1] =	stream.linear.scatter [tilespmem:s30], [sflag:$0x2], $0x4000, $0x38;
	[tilespmem:$0xC100] =	vst v63  }
0x8b: {  	_ =	swait.ge [sflag:s0], $0x4000  }
0x8c: {  	[sflag:s0] =	ssyncset.done $0x0  }
0x8d: {  	[sflag:s0] =	ssyncadd.s32 $0xFFFFC000  }
.LBB2_6:
0x8e: {  	_ =	sfence.sel $0x180000  }
0x8f: {  	[bflag:$0x0] =	sbarrier.arrive $0xFFFF  }
0x90: {  	_ =	strace $0x9000004D  }
0x91: {  	s0 =	stileid.u32;
	[bflag:$0x2] =	sbarrier.arrive $0xFFFF  }
0x92: {  	p0 =	sne.s32 s0, $0x0;
	s0 =	rddreg [dreg:$0x1]  }
0x93: {  	s0 =	sadd.s32 @!p0 $0x100000, s0  }
0x94: {  	[sflag:s0] =	ssyncadd.tile.s32 @!p0 $0x1;
	_ =	shalt  }
.Lfunc_end2:
_tile_overlayer_lowered:
.L_overlay_start_2:
0x95: {  	(tag) =	ssettag $0x2  }
0x96: {  	s0 =	rddreg [dreg:$0x0];
	s2 =	stileid.u32  }
0x97: {  	s1 =	rddreg [dreg:$0x1];
	p0 =	sne.s32 s2, $0x0  }
0x98: {  	s3 =	rddreg [dreg:$0x2];
	[bflag:$0x3] =	sbarrier.arrive $0xFFFF;
	s2 =	simm.s32 @!p0 $0x1C02  }
0x99: {  	[timem:s3], [sflag:s2] =	dma.local @!p0 [hbm:s0], s1  }
0x9a: {  	s0 =	simm.s32 @!p0 $0x2  }
0x9b: {  	_ =	swait.ge @!p0 [sflag:s0], s1  }
0x9c: {  	s1 =	ssub.s32 @!p0 $0x0, s1;
	[sflag:s0] =	ssyncset.done @!p0 $0x0  }
0x9d: {  	[sflag:s0] =	ssyncadd.s32 @!p0 s1  }
0x9e: {  	[bflag:$0x3] =	sbarrier.arrive $0xFFFF  }
0x9f: {  	_ =	shalt  }

// kernel: kernel.24.cloned.1.call-start
scs
__scs_entry_jumppad:
0x0: {  	(pc) =	sbr.rel $0x88, $3  }
0x1: {  	(tag) =	ssettag $0x0;
	lr =	simm.s32 $0x1  }
0x2: {  	[smem:$0x3F67] =	sst lr;
	_ =	strace $0xD0000000  }
0x3: {  	_ = 	snop  }
0x4: {  	_ = 	snop  }
0x5: {  	_ = 	snop  }
0x6: {  	_ = 	snop  }
0x7: {  	_ = 	snop  }
__scs_overlays_trampoline_lowered:
0x8: {  	[smem:$0x3F76] =	sst s0  }
0x9: {  	[smem:$0x3F77] =	sst s1  }
0xa: {  	[smem:$0x3F78] =	sst s2  }
0xb: {  	[smem:$0x3F79] =	sst s3  }
0xc: {  	[smem:$0x3F7A] =	sst s4  }
0xd: {  	[smem:$0x3F7B] =	sst s5  }
0xe: {  	[smem:$0x3F7C] =	sst s6  }
0xf: {  	[smem:$0x3F7D] =	sst s7  }
0x10: {  	[smem:$0x3F7E] =	sst s8  }
0x11: {  	[smem:$0x3F7F] =	sst s9;
	s0 =	simm.s32 @!p0 $0x0  }
0x12: {  	s1 =	sld [smem:$0x3F65];
	s0 =	simm.s32 @p0 $0x1  }
0x13: {  	[smem:$0x3F80] =	sst s0;
	s0 =	simm.s32 @!p1 $0x0  }
0x14: {  	s2 =	sld [smem:$0x3F64];
	s0 =	simm.s32 @p1 $0x1  }
0x15: {  	[smem:$0x3F81] =	sst s0;
	s0 =	simm.s32 @!p2 $0x0  }
0x16: {  	s3 =	sld [smem:$0x3FDB];
	s0 =	simm.s32 @p2 $0x1  }
0x17: {  	s4 =	simm.s32 $0x1BF5;
	[smem:$0x3F83] =	sst s0  }
0x18: {  	s0 =	sld [smem:$0x3F66];
	_ =	swait.ge [sflag:s4], $0x0  }
0x19: {  	s7 =	sld [smem:$0x3F67]  }
0x1a: {  	s8 =	sadd.s32 $0xFFFFE003, lr  }
0x1b: {  	s9 =	sadd.s32 $0xFFFFFEF7, lr;
	s5 =	simm.s32 $0xFFFFFFFF;
	p2 =	slt.u32 s8, $0xFFFFF086  }
0x1c: {  	p1 =	slt.u32 s9, $0xF7A;
	s5 =	simm.s32 @!p2 $0x0  }
0x1d: {  	s5 =	simm.s32 @p1 $0x1;
	p0 =	seq.s32 s7, s2  }
0x1e: {  	s7 =	smul.u32 @!p0 $0xF7A, s2;
	p2 =	seq.s32 @!p0 s5, $0x0  }
0x1f: {  	s9 =	smul.u32 $0xF7A, s1;
	s8 =	simm.s32 @!p0 $0x1BF5;
	p2 =	por !p2, p0  }
0x20: {  	[sflag:s8] =	ssyncset.s32 @!p0 $0xFFFFF086;
	s6 =	sadd.s32 @!p0 s3, s7;
	s7 =	simm.s32 @!p0 $0x108  }
0x21: {  	s3 =	sadd.s32 s3, s9;
	s6 =	sadd.s32 @!p0 $0x88, s6;
	s7 =	simm.s32 @p2 $0x1082  }
0x22: {  	[simem:s7], [sflag:s8] =	dma.local @!p0 [hbm:s6], $0xF7A  }
0x23: {  	s9 =	sor.u32 $0xD0000000, s2;
	s6 =	simm.s32 $0x108;
	_ =	swait.ge @!p0 [sflag:s8], $0x0  }
0x24: {  	s3 =	sadd.s32 $0x88, s3;
	s6 =	simm.s32 @!p1 $0x1082;
	[sflag:s4] =	ssyncset.s32 $0xFFFFF086  }
0x25: {  	[simem:s6], [sflag:s4] =	dma.local [hbm:s3], $0xF7A  }
0x26: {  	[smem:$0x3F67] =	sst s1;
	(tag) =	ssettag s2;
	_ =	strace s9  }
0x27: {  	s1 =	sld [smem:$0x3F77]  }
0x28: {  	s2 =	sld [smem:$0x3F78]  }
0x29: {  	s4 =	sld [smem:$0x3F7A]  }
0x2a: {  	p0 =	seq.s32 s5, $0x0;
	s5 =	sld [smem:$0x3F7B]  }
0x2b: {  	s6 =	sld [smem:$0x3F7C]  }
0x2c: {  	s7 =	sld [smem:$0x3F7D]  }
0x2d: {  	s3 =	simm.s32 $0x108;
	s8 =	sld [smem:$0x3F7E]  }
0x2e: {  	s3 =	simm.s32 @!p0 $0x1082;
	s9 =	sld [smem:$0x3F7F]  }
0x2f: {  	lr =	sadd.s32 s0, s3;
	s0 =	sld [smem:$0x3F76]  }
0x30: {  	s3 =	sld [smem:$0x3F79]  }
0x31: {  	[smem:$0x3F82] =	sst s10  }
0x32: {  	s10 =	sld [smem:$0x3F80];
	_ =	sdelay $0x3  }
0x33: {  	p0 =	seq.s32 s10, $0x1;
	s10 =	sld [smem:$0x3F82];
	_ =	sdelay $0x3  }
0x34: {  	[smem:$0x3F82] =	sst s10  }
0x35: {  	s10 =	sld [smem:$0x3F81];
	_ =	sdelay $0x3  }
0x36: {  	p1 =	seq.s32 s10, $0x1;
	s10 =	sld [smem:$0x3F82];
	_ =	sdelay $0x3  }
0x37: {  	[smem:$0x3F82] =	sst s10  }
0x38: {  	s10 =	sld [smem:$0x3F83]  }
0x39: {  	_ = 	snop;
	(pc) =	sbr.ind lr, $3  }
0x3a: {  	_ = 	snop  }
0x3b: {  	_ = 	snop  }
0x3c: {  	p2 =	seq.s32 s10, $0x1;
	s10 =	sld [smem:$0x3F82]  }
0x3d: {  	_ =	shalt  }
0x3e: {  	_ =	shalt  }
0x3f: {  	_ =	shalt  }
0x40: {  	_ =	shalt  }
0x41: {  	_ =	shalt  }
0x42: {  	_ =	shalt  }
0x43: {  	_ =	shalt  }
0x44: {  	_ =	shalt  }
0x45: {  	_ =	shalt  }
0x46: {  	_ =	shalt  }
0x47: {  	_ =	shalt  }
0x48: {  	_ =	shalt  }
0x49: {  	_ =	shalt  }
0x4a: {  	_ =	shalt  }
0x4b: {  	_ =	shalt  }
0x4c: {  	_ =	shalt  }
0x4d: {  	_ =	shalt  }
0x4e: {  	_ =	shalt  }
0x4f: {  	_ =	shalt  }
0x50: {  	_ =	shalt  }
0x51: {  	_ =	shalt  }
0x52: {  	_ =	shalt  }
0x53: {  	_ =	shalt  }
0x54: {  	_ =	shalt  }
0x55: {  	_ =	shalt  }
0x56: {  	_ =	shalt  }
0x57: {  	_ =	shalt  }
0x58: {  	_ =	shalt  }
0x59: {  	_ =	shalt  }
0x5a: {  	_ =	shalt  }
0x5b: {  	_ =	shalt  }
0x5c: {  	_ =	shalt  }
0x5d: {  	_ =	shalt  }
0x5e: {  	_ =	shalt  }
0x5f: {  	_ =	shalt  }
0x60: {  	_ =	shalt  }
0x61: {  	_ =	shalt  }
0x62: {  	_ =	shalt  }
0x63: {  	_ =	shalt  }
0x64: {  	_ =	shalt  }
0x65: {  	_ =	shalt  }
0x66: {  	_ =	shalt  }
0x67: {  	_ =	shalt  }
0x68: {  	_ =	shalt  }
0x69: {  	_ =	shalt  }
0x6a: {  	_ =	shalt  }
0x6b: {  	_ =	shalt  }
0x6c: {  	_ =	shalt  }
0x6d: {  	_ =	shalt  }
0x6e: {  	_ =	shalt  }
0x6f: {  	_ =	shalt  }
0x70: {  	_ =	shalt  }
0x71: {  	_ =	shalt  }
0x72: {  	_ =	shalt  }
0x73: {  	_ =	shalt  }
0x74: {  	_ =	shalt  }
0x75: {  	_ =	shalt  }
0x76: {  	_ =	shalt  }
0x77: {  	_ =	shalt  }
0x78: {  	_ =	shalt  }
0x79: {  	_ =	shalt  }
0x7a: {  	_ =	shalt  }
0x7b: {  	_ =	shalt  }
0x7c: {  	_ =	shalt  }
0x7d: {  	_ =	shalt  }
0x7e: {  	_ =	shalt  }
0x7f: {  	_ =	shalt  }
0x80: {  	_ =	shalt  }
0x81: {  	_ =	shalt  }
0x82: {  	_ =	shalt  }
0x83: {  	_ =	shalt  }
0x84: {  	_ =	shalt  }
0x85: {  	_ =	shalt  }
0x86: {  	_ =	shalt  }
0x87: {  	_ =	shalt  }
.Lfunc_end0:
.L_simem_size_0:
called_computation.3_lowered:
.L_overlay_start_0:
0x88: {  	s2 =	sld [smem:$0x3FD9]  }
0x89: {  	s3 =	sld [smem:$0x3FFE];
	_ =	sdelay $0x1  }
0x8a: {  	s1 =	srdreg.scid  }
0x8b: {  	s0 =	sand.u32 $0x1, s1  }
0x8c: {  	s16 =	sshll.u32 s0, $0xA;
	s2 =	sadd.s32 s3, s2  }
0x8d: {  	s2 =	sadd.s32 s2, s16  }
0x8e: {  	[smem:$0x3F8E] =	sst s2  }
0x8f: {  	_ = 	snop  }
0x90: {  	(tm) =	ssettm $0x1  }
0x91: {  	s17 =	sld [smem:$0x3FFB];
	_ =	sdelay $0x3  }
0x92: {  	_ =	strace s17  }
0x93: {  	s2 =	sld [smem:$0x3FFC];
	_ =	sdelay $0x3  }
0x94: {  	_ =	strace s2  }
0x95: {  	s2 =	sld [smem:$0x3FFD];
	_ =	sdelay $0x3  }
0x96: {  	_ =	strace s2  }
0x97: {  	_ =	strace $0x8FFFFFFF  }
0x98: {  	s18 =	sld [smem:$0x3FDB];
	_ =	sdelay $0x1  }
0x99: {  	s19 =	simm.s32 $_scs_section_size  }
0x9a: {  	s4 =	simm.s32 $_size__tile_overlayer_lowered;
	s5 =	simm.s32 $_tile_overlayer_lowered  }
0x9b: {  	s22 =	simm.s32 $0x1BFF;
	s21 =	sshll.u32 s5, $0x1;
	s2 =	sadd.s32 s19, s18  }
0x9c: {  	s6 =	simm.s32 $0x0;
	s20 =	sshll.u32 s4, $0x1;
	s4 =	sadd.s32 s21, s2  }
0x9d: {  	[timem:s6], [sflag:s22] =	dma.local [hbm:s4], s20  }
0x9e: {  	_ =	swait.ge [sflag:s22], s20  }
0x9f: {  	s3 =	ssub.s32 $0x0, s20;
	[sflag:s22] =	ssyncset.done $0x0  }
0xa0: {  	[sflag:s22] =	ssyncadd.s32 s3;
	_ =	sdelay $0x1  }
0xa1: {  	s23 =	simm.s32 $0x1B8B  }
0xa2: {  	_ =	swait.ge [sflag:s23], $0x1  }
0xa3: {  	[sflag:s23] =	ssyncset.done $0x0  }
0xa4: {  	s25 =	simm.s32 $0x1B8E;
	s24 =	sld [smem:$0x3FFE];
	[sflag:s23] =	ssyncadd.s32 $0xFFFFFFFF  }
0xa5: {  	s26 =	simm.s32 $execute0_lowered;
	[smem:$0x3FD2] =	sst s25  }
0xa6: {  	s4 =	sshll.u32 s26, $0x1;
	_ =	strace $0x8000004F;
	[dreg:$0x1] =	wrdreg $0xFFFFFFFF  }
0xa7: {  	s28 =	simm.s32 $_size_execute0_lowered;
	s2 =	sadd.s32 s2, s4;
	[dreg:$0x0] =	wrdreg $0x0  }
0xa8: {  	s4 =	sshll.u32 s28, $0x1;
	[dreg:$0x2] =	wrdreg s2  }
0xa9: {  	[dreg:$0x3] =	wrdreg s4  }
0xaa: {  	[dreg:$0x4] =	wrdreg $0xC0  }
0xab: {  	_ =	task [dreg:s6], $0x5FFFF  }
0xac: {  	[dreg:$0x1] =	wrdreg $0xFFFFFFFF  }
0xad: {  	[dreg:$0x0] =	wrdreg $0x60  }
0xae: {  	[dreg:$0x2] =	wrdreg s24  }
0xaf: {  	[dreg:$0x3] =	wrdreg $0x40800  }
0xb0: {  	[dreg:$0x4] =	wrdreg $0x9  }
0xb1: {  	_ =	task.clear_ibuf [dreg:s6], $0x5FFFF;
	_ =	strace $0x9000004F  }
0xb2: {  	s29 =	simm.s32 $0x9;
	_ =	strace $0x80000051  }
0xb3: {  	_ =	swait.ge [sflag:s29], $0x1  }
0xb4: {  	[sflag:s29] =	ssyncadd.s32 $0xFFFFFFFF  }
0xb5: {  	_ =	strace $0x90000051  }
0xb6: {  	_ =	sfence  }
0xb7: {  	s30 =	sld [smem:$0x0];
	_ =	sdelay $0x2  }
0xb8: {  	s31 =	sshll.u32 s1, $0xD;
	s1 =	sshrl.u32 s1, $0x2  }
0xb9: {  	s3 =	sand.u32 $0x4000, s31;
	s1 =	sadd.s32 s1, s30  }
0xba: {  	s0 =	sor.u32 s3, s0;
	s1 =	sshll.u32 s1, $0x11  }
0xbb: {  	s0 =	sor.u32 s1, s0  }
0xbc: {  	s0 =	sadd.s32 $0x8F2B, s0  }
0xbd: {  	[sflag:s0] =	ssyncadd.remote.s32 $0x1  }
0xbe: {  	_ =	sfence.sel $0xFFFF  }
0xbf: {  	[dreg:$0x0] =	wrdreg $0xFFFFFFFF;
	(pc) =	sbr.abs _section_cstart, $3  }
0xc0: {  	[dreg:$0x1] =	wrdreg $0xFFFFFFFF  }
0xc1: {  	_ =	task.clear_ibuf [dreg:s6], $0x2FFFF;
	_ =	strace $0x9FFFFFFF  }
0xc2: {  	(tm) =	ssettm $0x7FFFFFFF  }
0xc3: {  	_ =	shalt  }
tec
execute0_lowered:
.L_overlay_start_1:
0x0: {  	(tag) =	ssettag $0x1  }
0x1: {  	s5 =	rddreg [dreg:$0x0]  }
0x2: {  	s1 =	rddreg [dreg:$0x1];
	s3 =	srdreg.scid  }
0x3: {  	s0 =	rddreg [dreg:$0x2];
	s2 =	simm.s32 $0x0;
	s6 =	sand.u32 $0x1, s3  }
0x4: {  	[smem:$0x7FF] =	sst s2;
	s7 =	smul.u32 $0x138800, s6  }
0x5: {  	s3 =	stileid.u32;
	s4 =	smul.u32 $0x2710, s6  }
0x6: {  	s13 =	sadd.s32 $0xAC4C00, s5;
	s14 =	sadd.s32 $0x138000, s1;
	s9 =	smul.u32 $0x13800, s3  }
0x7: {  	_ =	strace $0x80000050;
	s6 =	ssub.s32 $0x2, s6;
	s12 =	smul.u32 $0x4E000, s3  }
0x8: {  	s29 =	sshll.u32 s3, $0xB;
	s30 =	sshll.u32 s3, $0x4;
	p0 =	sne.s32 s3, $0x0  }
0x9: {  	s31 =	sshll.u32 s3, $0x6;
	s11 =	sshrl.u32 s6, $0x1;
	s14 =	sshrl.u32 @!p0 s14, $0x3  }
0xa: {  	s8 =	sadd.s32 s7, s5;
	s10 =	sadd.s32 s4, s5;
	s4 =	sadd.s32 $0x3D600, s5  }
0xb: {  	s9 =	sadd.s32 s9, s7;
	s11 =	ssub.s32 s6, s11;
	s26 =	sshrl.u32 s12, $0x2  }
0xc: {  	s7 =	sshrl.u32 s7, $0x3;
	s25 =	sshrl.u32 s9, $0x3;
	s12 =	sadd.s32 s26, s1  }
0xd: {  	s28 =	sadd.s32 s13, s7;
	s8 =	sadd.s32 s29, s8;
	s7 =	smax.u32 s11, $0x1  }
0xe: {  	s9 =	sadd.s32 s30, s10;
	s10 =	sshrl.u32 @!p0 s1, $0x3;
	s11 =	sor.u32 $0x1C01, s31  }
0xf: {  	s5 =	sadd.s32 s13, s25;
	s6 =	sadd.s32 $0x27000, s28;
	s8 =	sadd.s32 $0x853C00, s8  }
0x10: {  	s9 =	sadd.s32 $0x38400, s9;
	s12 =	sshrl.u32 s12, $0x3;
	s13 =	simm.s32 $0x1  }
.LBB2_1:
0x11: {  	s15 =	simm.s32 @!p0 $0x1C01  }
0x12: {  	[spmem:s10], [sflag:s15] =	dma.local @!p0 [hbm:s4], $0x27100  }
0x13: {  	s15 =	simm.s32 @!p0 $0x1  }
0x14: {  	_ =	swait.ge @!p0 [sflag:s15], $0x27100  }
0x15: {  	s16 =	sadd.s32 $0x0, s3;
	[sflag:s15] =	ssyncset.done @!p0 $0x0  }
0x16: {  	p1 =	sgt.u32 s16, $0x270;
	[sflag:s15] =	ssyncadd.s32 @!p0 $0xFFFD8F00  }
0x17: {  	s17 =	simm.s32 @!p1 $0x2;
	s15 =	simm.s32 @!p1 $0x0;
	[bflag:$0x0] =	sbarrier.arrive $0xFFFF  }
0x18: {  	[tilespmem:s15], [sflag:$0x2] =	stream.linear.gather @!p1 [hbm4b:s9+s15], $0x80, $0x38;
	[tilespmem:$0x17900] =	vst v63  }
0x19: {  	_ =	swait.ge @!p1 [sflag:s17], $0x80  }
0x1a: {  	[sflag:s17] =	ssyncset.done @!p1 $0x0;
	p1 =	por p1, p1  }
0x1b: {  	[sflag:s17] =	ssyncadd.s32 @!p1 $0xFFFFFF80;
	s19 =	simm.s32 @!p1 $0x80  }
0x1c: {  	[tilespmem:s19], [sflag:$0x2] =	stream.linear.gather @!p1 [hbm4b:s8+s15], $0x4000, $0x38;
	[tilespmem:$0x17900] =	vst v63  }
0x1d: {  	_ =	swait.ge @!p1 [sflag:s17], $0x4000  }
0x1e: {  	[sflag:s17] =	ssyncset.done @!p1 $0x0  }
0x1f: {  	s31 =	sadd.s32 $0x10, s3;
	s18 =	simm.s32 @!p1 $0x1;
	[sflag:s17] =	ssyncadd.s32 @!p1 $0xFFFFC000  }
0x20: {  	[spmem:s1] =	stream.indirect.scatter.add.f32 @!p1 [tilespmem:s19], [sflag:$0x1], $0x80, s15, s19, $0xb8;
	[tilespmem:$0x17900] =	vst v63  }
0x21: {  	s16 =	simm.s32 $0x20;
	p2 =	sgt.u32 s31, $0x270;
	_ =	swait.ge @!p1 [sflag:s18], $0x4000  }
0x22: {  	s17 =	sadd.s32 $0x100, s9;
	s15 =	sadd.s32 $0x8000, s8;
	[sflag:s18] =	ssyncset.done @!p1 $0x0  }
.LBB2_2:
0x23: {  	s19 =	simm.s32 @!p2 $0x0;
	s20 =	simm.s32 @!p2 $0x2;
	[sflag:s18] =	ssyncadd.s32 @!p1 $0xFFFFC000  }
0x24: {  	[tilespmem:s19], [sflag:$0x2] =	stream.linear.gather @!p2 [hbm4b:s17+s19], $0x80, $0x38;
	[tilespmem:$0x17900] =	vst v63  }
0x25: {  	s21 =	smov.u32 s16;
	s16 =	sadd.s32 $0x10, s16;
	_ =	swait.ge @!p2 [sflag:s20], $0x80  }
0x26: {  	p1 =	por p2, p2;
	p3 =	sne.s32 s16, $0x280;
	[sflag:s20] =	ssyncset.done @!p2 $0x0  }
0x27: {  	s22 =	simm.s32 @!p1 $0x80;
	[sflag:s20] =	ssyncadd.s32 @!p1 $0xFFFFFF80  }
0x28: {  	[tilespmem:s22], [sflag:$0x2] =	stream.linear.gather @!p1 [hbm4b:s15+s19], $0x4000, $0x38;
	[tilespmem:$0x17900] =	vst v63  }
0x29: {  	_ =	swait.ge @!p1 [sflag:s20], $0x4000  }
.Ltmp0:
0x2a: {  	[sflag:s20] =	ssyncset.done @!p1 $0x0;
	(pc) =	sbr.rel @p3 .LBB2_2-.Ltmp0, $4  }
0x2b: {  	s18 =	simm.s32 @!p1 $0x1;
	[sflag:s20] =	ssyncadd.s32 @!p1 $0xFFFFC000  }
0x2c: {  	[spmem:s1] =	stream.indirect.scatter.add.f32 @!p1 [tilespmem:s22], [sflag:$0x1], $0x80, s19, s22, $0xb8;
	[tilespmem:$0x17900] =	vst v63  }
0x2d: {  	s17 =	sadd.s32 $0x100, s17;
	s19 =	sadd.s32 s21, s3;
	_ =	swait.ge @!p1 [sflag:s18], $0x4000  }
0x2e: {  	s15 =	sadd.s32 $0x8000, s15;
	p2 =	sgt.u32 s19, $0x270;
	[sflag:s18] =	ssyncset.done @!p1 $0x0  }
0x2f: {  	s16 =	simm.s32 @!p2 $0x0;
	s19 =	simm.s32 @!p2 $0x2;
	[sflag:s18] =	ssyncadd.s32 @!p1 $0xFFFFC000  }
0x30: {  	[tilespmem:s16], [sflag:$0x2] =	stream.linear.gather @!p2 [hbm4b:s17+s16], $0x80, $0x38;
	[tilespmem:$0x17900] =	vst v63  }
0x31: {  	_ =	swait.ge @!p2 [sflag:s19], $0x80  }
0x32: {  	p1 =	por p2, p2;
	[sflag:s19] =	ssyncset.done @!p2 $0x0  }
0x33: {  	s17 =	simm.s32 @!p1 $0x80;
	[sflag:s19] =	ssyncadd.s32 @!p1 $0xFFFFFF80  }
0x34: {  	[tilespmem:s17], [sflag:$0x2] =	stream.linear.gather @!p1 [hbm4b:s15+s16], $0x4000, $0x38;
	[tilespmem:$0x17900] =	vst v63  }
0x35: {  	_ =	swait.ge @!p1 [sflag:s19], $0x4000  }
0x36: {  	[sflag:s19] =	ssyncset.done @!p1 $0x0  }
0x37: {  	s15 =	simm.s32 @!p1 $0x1;
	[sflag:s19] =	ssyncadd.s32 @!p1 $0xFFFFC000  }
0x38: {  	[spmem:s1] =	stream.indirect.scatter.add.f32 @!p1 [tilespmem:s17], [sflag:$0x1], $0x80, s16, s17, $0xb8;
	[tilespmem:$0x17900] =	vst v63  }
0x39: {  	_ =	swait.ge @!p1 [sflag:s15], $0x4000  }
0x3a: {  	[sflag:s15] =	ssyncset.done @!p1 $0x0  }
0x3b: {  	[sflag:s15] =	ssyncadd.s32 @!p1 $0xFFFFC000  }
0x3c: {  	[bflag:$0x0] =	sbarrier.arrive $0xFFFF  }
0x3d: {  	[hbm:s5], [sflag:s11] =	dma.local [spmem:s12], $0x2700  }
0x3e: {  	s2 =	sadd.s32 $0x1, s2;
	_ =	swait.ge [sflag:s13], $0x2700  }
0x3f: {  	p1 =	sne.s32 s2, s7;
	[sflag:s13] =	ssyncset.done $0x0  }
.Ltmp1:
0x40: {  	s15 =	simm.s32 @!p0 $0x1;
	[sflag:s13] =	ssyncadd.s32 $0xFFFFD900;
	(pc) =	sbr.rel @p1 .LBB2_1-.Ltmp1, $4  }
0x41: {  	[hbm:s6], [sflag:s11] =	dma.local @!p0 [spmem:s14], $0x100  }
0x42: {  	_ =	swait.ge @!p0 [sflag:s15], $0x100  }
0x43: {  	[sflag:s15] =	ssyncset.done @!p0 $0x0  }
0x44: {  	[sflag:s15] =	ssyncadd.s32 @!p0 $0xFFFFFF00  }
0x45: {  	_ =	sfence.sel $0x180000  }
0x46: {  	[bflag:$0x0] =	sbarrier.arrive $0xFFFF  }
0x47: {  	_ =	strace $0x90000050  }
0x48: {  	s0 =	sadd.s32 @!p0 $0x100000, s0;
	[bflag:$0x2] =	sbarrier.arrive $0xFFFF  }
0x49: {  	[sflag:s0] =	ssyncadd.tile.s32 @!p0 $0x1;
	_ =	shalt  }
.Lfunc_end2:
_tile_overlayer_lowered:
.L_overlay_start_2:
0x4a: {  	(tag) =	ssettag $0x2  }
0x4b: {  	s0 =	rddreg [dreg:$0x0];
	s2 =	stileid.u32  }
0x4c: {  	s1 =	rddreg [dreg:$0x1];
	p0 =	sne.s32 s2, $0x0  }
0x4d: {  	s3 =	rddreg [dreg:$0x2];
	[bflag:$0x3] =	sbarrier.arrive $0xFFFF;
	s2 =	simm.s32 @!p0 $0x1C01  }
0x4e: {  	[timem:s3], [sflag:s2] =	dma.local @!p0 [hbm:s0], s1  }
0x4f: {  	s0 =	simm.s32 @!p0 $0x1  }
0x50: {  	_ =	swait.ge @!p0 [sflag:s0], s1  }
0x51: {  	s1 =	ssub.s32 @!p0 $0x0, s1;
	[sflag:s0] =	ssyncset.done @!p0 $0x0  }
0x52: {  	[sflag:s0] =	ssyncadd.s32 @!p0 s1  }
0x53: {  	[bflag:$0x3] =	sbarrier.arrive $0xFFFF  }
0x54: {  	_ =	shalt  }

// kernel: kernel.27.cloned.1.call-start
scs
__scs_entry_jumppad:
0x0: {  	(pc) =	sbr.rel $0x88, $3  }
0x1: {  	(tag) =	ssettag $0x0;
	lr =	simm.s32 $0x1  }
0x2: {  	[smem:$0x3F67] =	sst lr;
	_ =	strace $0xD0000000  }
0x3: {  	_ = 	snop  }
0x4: {  	_ = 	snop  }
0x5: {  	_ = 	snop  }
0x6: {  	_ = 	snop  }
0x7: {  	_ = 	snop  }
__scs_overlays_trampoline_lowered:
0x8: {  	[smem:$0x3F76] =	sst s0  }
0x9: {  	[smem:$0x3F77] =	sst s1  }
0xa: {  	[smem:$0x3F78] =	sst s2  }
0xb: {  	[smem:$0x3F79] =	sst s3  }
0xc: {  	[smem:$0x3F7A] =	sst s4  }
0xd: {  	[smem:$0x3F7B] =	sst s5  }
0xe: {  	[smem:$0x3F7C] =	sst s6  }
0xf: {  	[smem:$0x3F7D] =	sst s7  }
0x10: {  	[smem:$0x3F7E] =	sst s8  }
0x11: {  	[smem:$0x3F7F] =	sst s9;
	s0 =	simm.s32 @!p0 $0x0  }
0x12: {  	s1 =	sld [smem:$0x3F65];
	s0 =	simm.s32 @p0 $0x1  }
0x13: {  	[smem:$0x3F80] =	sst s0;
	s0 =	simm.s32 @!p1 $0x0  }
0x14: {  	s2 =	sld [smem:$0x3F64];
	s0 =	simm.s32 @p1 $0x1  }
0x15: {  	[smem:$0x3F81] =	sst s0;
	s0 =	simm.s32 @!p2 $0x0  }
0x16: {  	s3 =	sld [smem:$0x3FDB];
	s0 =	simm.s32 @p2 $0x1  }
0x17: {  	s4 =	simm.s32 $0x1BF5;
	[smem:$0x3F83] =	sst s0  }
0x18: {  	s0 =	sld [smem:$0x3F66];
	_ =	swait.ge [sflag:s4], $0x0  }
0x19: {  	s7 =	sld [smem:$0x3F67]  }
0x1a: {  	s8 =	sadd.s32 $0xFFFFE003, lr  }
0x1b: {  	s9 =	sadd.s32 $0xFFFFFEF7, lr;
	s5 =	simm.s32 $0xFFFFFFFF;
	p2 =	slt.u32 s8, $0xFFFFF086  }
0x1c: {  	p1 =	slt.u32 s9, $0xF7A;
	s5 =	simm.s32 @!p2 $0x0  }
0x1d: {  	s5 =	simm.s32 @p1 $0x1;
	p0 =	seq.s32 s7, s2  }
0x1e: {  	s7 =	smul.u32 @!p0 $0xF7A, s2;
	p2 =	seq.s32 @!p0 s5, $0x0  }
0x1f: {  	s9 =	smul.u32 $0xF7A, s1;
	s8 =	simm.s32 @!p0 $0x1BF5;
	p2 =	por !p2, p0  }
0x20: {  	[sflag:s8] =	ssyncset.s32 @!p0 $0xFFFFF086;
	s6 =	sadd.s32 @!p0 s3, s7;
	s7 =	simm.s32 @!p0 $0x108  }
0x21: {  	s3 =	sadd.s32 s3, s9;
	s6 =	sadd.s32 @!p0 $0x88, s6;
	s7 =	simm.s32 @p2 $0x1082  }
0x22: {  	[simem:s7], [sflag:s8] =	dma.local @!p0 [hbm:s6], $0xF7A  }
0x23: {  	s9 =	sor.u32 $0xD0000000, s2;
	s6 =	simm.s32 $0x108;
	_ =	swait.ge @!p0 [sflag:s8], $0x0  }
0x24: {  	s3 =	sadd.s32 $0x88, s3;
	s6 =	simm.s32 @!p1 $0x1082;
	[sflag:s4] =	ssyncset.s32 $0xFFFFF086  }
0x25: {  	[simem:s6], [sflag:s4] =	dma.local [hbm:s3], $0xF7A  }
0x26: {  	[smem:$0x3F67] =	sst s1;
	(tag) =	ssettag s2;
	_ =	strace s9  }
0x27: {  	s1 =	sld [smem:$0x3F77]  }
0x28: {  	s2 =	sld [smem:$0x3F78]  }
0x29: {  	s4 =	sld [smem:$0x3F7A]  }
0x2a: {  	p0 =	seq.s32 s5, $0x0;
	s5 =	sld [smem:$0x3F7B]  }
0x2b: {  	s6 =	sld [smem:$0x3F7C]  }
0x2c: {  	s7 =	sld [smem:$0x3F7D]  }
0x2d: {  	s3 =	simm.s32 $0x108;
	s8 =	sld [smem:$0x3F7E]  }
0x2e: {  	s3 =	simm.s32 @!p0 $0x1082;
	s9 =	sld [smem:$0x3F7F]  }
0x2f: {  	lr =	sadd.s32 s0, s3;
	s0 =	sld [smem:$0x3F76]  }
0x30: {  	s3 =	sld [smem:$0x3F79]  }
0x31: {  	[smem:$0x3F82] =	sst s10  }
0x32: {  	s10 =	sld [smem:$0x3F80];
	_ =	sdelay $0x3  }
0x33: {  	p0 =	seq.s32 s10, $0x1;
	s10 =	sld [smem:$0x3F82];
	_ =	sdelay $0x3  }
0x34: {  	[smem:$0x3F82] =	sst s10  }
0x35: {  	s10 =	sld [smem:$0x3F81];
	_ =	sdelay $0x3  }
0x36: {  	p1 =	seq.s32 s10, $0x1;
	s10 =	sld [smem:$0x3F82];
	_ =	sdelay $0x3  }
0x37: {  	[smem:$0x3F82] =	sst s10  }
0x38: {  	s10 =	sld [smem:$0x3F83]  }
0x39: {  	_ = 	snop;
	(pc) =	sbr.ind lr, $3  }
0x3a: {  	_ = 	snop  }
0x3b: {  	_ = 	snop  }
0x3c: {  	p2 =	seq.s32 s10, $0x1;
	s10 =	sld [smem:$0x3F82]  }
0x3d: {  	_ =	shalt  }
0x3e: {  	_ =	shalt  }
0x3f: {  	_ =	shalt  }
0x40: {  	_ =	shalt  }
0x41: {  	_ =	shalt  }
0x42: {  	_ =	shalt  }
0x43: {  	_ =	shalt  }
0x44: {  	_ =	shalt  }
0x45: {  	_ =	shalt  }
0x46: {  	_ =	shalt  }
0x47: {  	_ =	shalt  }
0x48: {  	_ =	shalt  }
0x49: {  	_ =	shalt  }
0x4a: {  	_ =	shalt  }
0x4b: {  	_ =	shalt  }
0x4c: {  	_ =	shalt  }
0x4d: {  	_ =	shalt  }
0x4e: {  	_ =	shalt  }
0x4f: {  	_ =	shalt  }
0x50: {  	_ =	shalt  }
0x51: {  	_ =	shalt  }
0x52: {  	_ =	shalt  }
0x53: {  	_ =	shalt  }
0x54: {  	_ =	shalt  }
0x55: {  	_ =	shalt  }
0x56: {  	_ =	shalt  }
0x57: {  	_ =	shalt  }
0x58: {  	_ =	shalt  }
0x59: {  	_ =	shalt  }
0x5a: {  	_ =	shalt  }
0x5b: {  	_ =	shalt  }
0x5c: {  	_ =	shalt  }
0x5d: {  	_ =	shalt  }
0x5e: {  	_ =	shalt  }
0x5f: {  	_ =	shalt  }
0x60: {  	_ =	shalt  }
0x61: {  	_ =	shalt  }
0x62: {  	_ =	shalt  }
0x63: {  	_ =	shalt  }
0x64: {  	_ =	shalt  }
0x65: {  	_ =	shalt  }
0x66: {  	_ =	shalt  }
0x67: {  	_ =	shalt  }
0x68: {  	_ =	shalt  }
0x69: {  	_ =	shalt  }
0x6a: {  	_ =	shalt  }
0x6b: {  	_ =	shalt  }
0x6c: {  	_ =	shalt  }
0x6d: {  	_ =	shalt  }
0x6e: {  	_ =	shalt  }
0x6f: {  	_ =	shalt  }
0x70: {  	_ =	shalt  }
0x71: {  	_ =	shalt  }
0x72: {  	_ =	shalt  }
0x73: {  	_ =	shalt  }
0x74: {  	_ =	shalt  }
0x75: {  	_ =	shalt  }
0x76: {  	_ =	shalt  }
0x77: {  	_ =	shalt  }
0x78: {  	_ =	shalt  }
0x79: {  	_ =	shalt  }
0x7a: {  	_ =	shalt  }
0x7b: {  	_ =	shalt  }
0x7c: {  	_ =	shalt  }
0x7d: {  	_ =	shalt  }
0x7e: {  	_ =	shalt  }
0x7f: {  	_ =	shalt  }
0x80: {  	_ =	shalt  }
0x81: {  	_ =	shalt  }
0x82: {  	_ =	shalt  }
0x83: {  	_ =	shalt  }
0x84: {  	_ =	shalt  }
0x85: {  	_ =	shalt  }
0x86: {  	_ =	shalt  }
0x87: {  	_ =	shalt  }
.Lfunc_end0:
.L_simem_size_0:
called_computation.4_lowered:
.L_overlay_start_0:
0x88: {  	s2 =	sld [smem:$0x3FD9]  }
0x89: {  	s3 =	sld [smem:$0x3FFE];
	_ =	sdelay $0x1  }
0x8a: {  	s1 =	srdreg.scid  }
0x8b: {  	s0 =	sand.u32 $0x1, s1  }
0x8c: {  	s16 =	sshll.u32 s0, $0xA;
	s2 =	sadd.s32 s3, s2  }
0x8d: {  	s2 =	sadd.s32 s2, s16  }
0x8e: {  	[smem:$0x3F8E] =	sst s2  }
0x8f: {  	_ = 	snop  }
0x90: {  	(tm) =	ssettm $0x1  }
0x91: {  	s17 =	sld [smem:$0x3FFB];
	_ =	sdelay $0x3  }
0x92: {  	_ =	strace s17  }
0x93: {  	s2 =	sld [smem:$0x3FFC];
	_ =	sdelay $0x3  }
0x94: {  	_ =	strace s2  }
0x95: {  	s2 =	sld [smem:$0x3FFD];
	_ =	sdelay $0x3  }
0x96: {  	_ =	strace s2  }
0x97: {  	_ =	strace $0x8FFFFFFF  }
0x98: {  	s18 =	sld [smem:$0x3FDB];
	_ =	sdelay $0x1  }
0x99: {  	s19 =	simm.s32 $_scs_section_size  }
0x9a: {  	s4 =	simm.s32 $_size__tile_overlayer_lowered;
	s5 =	simm.s32 $_tile_overlayer_lowered  }
0x9b: {  	s22 =	simm.s32 $0x1BFF;
	s21 =	sshll.u32 s5, $0x1;
	s2 =	sadd.s32 s19, s18  }
0x9c: {  	s6 =	simm.s32 $0x0;
	s20 =	sshll.u32 s4, $0x1;
	s4 =	sadd.s32 s21, s2  }
0x9d: {  	[timem:s6], [sflag:s22] =	dma.local [hbm:s4], s20  }
0x9e: {  	_ =	swait.ge [sflag:s22], s20  }
0x9f: {  	s3 =	ssub.s32 $0x0, s20;
	[sflag:s22] =	ssyncset.done $0x0  }
0xa0: {  	[sflag:s22] =	ssyncadd.s32 s3;
	_ =	sdelay $0x1  }
0xa1: {  	s23 =	simm.s32 $0x1B8B  }
0xa2: {  	_ =	swait.ge [sflag:s23], $0x1  }
0xa3: {  	[sflag:s23] =	ssyncset.done $0x0  }
0xa4: {  	s25 =	simm.s32 $0x1B8E;
	s24 =	sld [smem:$0x3FFE];
	[sflag:s23] =	ssyncadd.s32 $0xFFFFFFFF  }
0xa5: {  	s26 =	simm.s32 $execute0_lowered;
	[smem:$0x3FD2] =	sst s25  }
0xa6: {  	s4 =	sshll.u32 s26, $0x1;
	_ =	strace $0x80000052;
	[dreg:$0x1] =	wrdreg $0xFFFFFFFF  }
0xa7: {  	s28 =	simm.s32 $_size_execute0_lowered;
	s2 =	sadd.s32 s2, s4;
	[dreg:$0x0] =	wrdreg $0x0  }
0xa8: {  	s4 =	sshll.u32 s28, $0x1;
	[dreg:$0x2] =	wrdreg s2  }
0xa9: {  	[dreg:$0x3] =	wrdreg s4  }
0xaa: {  	[dreg:$0x4] =	wrdreg $0xC0  }
0xab: {  	_ =	task [dreg:s6], $0x5FFFF  }
0xac: {  	[dreg:$0x1] =	wrdreg $0xFFFFFFFF  }
0xad: {  	[dreg:$0x0] =	wrdreg $0x60  }
0xae: {  	[dreg:$0x2] =	wrdreg s24  }
0xaf: {  	[dreg:$0x3] =	wrdreg $0x9  }
0xb0: {  	_ =	task.clear_ibuf [dreg:s6], $0x4FFFF;
	_ =	strace $0x90000052  }
0xb1: {  	s29 =	simm.s32 $0x9;
	_ =	strace $0x80000054  }
0xb2: {  	_ =	swait.ge [sflag:s29], $0x1  }
0xb3: {  	[sflag:s29] =	ssyncadd.s32 $0xFFFFFFFF  }
0xb4: {  	_ =	strace $0x90000054  }
0xb5: {  	_ =	sfence  }
0xb6: {  	s30 =	sld [smem:$0x0];
	_ =	sdelay $0x2  }
0xb7: {  	s31 =	sshll.u32 s1, $0xD;
	s1 =	sshrl.u32 s1, $0x2  }
0xb8: {  	s3 =	sand.u32 $0x4000, s31;
	s1 =	sadd.s32 s1, s30  }
0xb9: {  	s0 =	sor.u32 s3, s0;
	s1 =	sshll.u32 s1, $0x11  }
0xba: {  	s0 =	sor.u32 s1, s0  }
0xbb: {  	s0 =	sadd.s32 $0x8F2B, s0  }
0xbc: {  	[sflag:s0] =	ssyncadd.remote.s32 $0x1  }
0xbd: {  	_ =	sfence.sel $0xFFFF  }
0xbe: {  	[dreg:$0x0] =	wrdreg $0xFFFFFFFF;
	(pc) =	sbr.abs _section_cstart, $3  }
0xbf: {  	[dreg:$0x1] =	wrdreg $0xFFFFFFFF  }
0xc0: {  	_ =	task.clear_ibuf [dreg:s6], $0x2FFFF;
	_ =	strace $0x9FFFFFFF  }
0xc1: {  	(tm) =	ssettm $0x7FFFFFFF  }
tec
execute0_lowered:
.L_overlay_start_1:
0x0: {  	(tag) =	ssettag $0x1  }
0x1: {  	s0 =	rddreg [dreg:$0x0];
	s1 =	simm.s32 $0x0;
	s2 =	srdreg.scid  }
0x2: {  	s10 =	stileid.u32;
	s11 =	simm.s32 $0x3;
	s12 =	simm.s32 $0x80  }
0x3: {  	s13 =	simm.s32 $0x100;
	s15 =	simm.s32 $0x1100;
	s16 =	simm.s32 $0x1900  }
0x4: {  	s17 =	simm.s32 $0x2100;
	s18 =	simm.s32 $0x2900;
	s19 =	simm.s32 $0x3100  }
0x5: {  	s20 =	simm.s32 $0x3900;
	s28 =	simm.s32 $0x7100;
	s29 =	simm.s32 $0x7900  }
0x6: {  	s30 =	simm.s32 $0x8100;
	s31 =	simm.s32 $0x1;
	[smem:$0x7FF] =	sst s1  }
0x7: {  	s4 =	sand.u32 $0x1, s2;
	s2 =	sadd.s32 $0xB12E00, s0;
	s3 =	sadd.s32 $0xC200, s0  }
0x8: {  	s23 =	sshll.u32 s10, $0x4;
	s24 =	sshll.u32 s10, $0xC;
	s9 =	sshll.u32 s10, $0xB  }
0x9: {  	_ =	strace $0x80000053;
	s5 =	sshll.u32 s4, $0x8;
	s6 =	sshll.u32 s4, $0x10  }
0xa: {  	s21 =	sshll.u32 s4, $0xF;
	s8 =	ssub.s32 $0x2, s4;
	s4 =	sshll.u32 s4, $0x4  }
0xb: {  	s5 =	sadd.s32 s5, s0;
	s7 =	sadd.s32 s6, s0;
	s0 =	sadd.s32 s21, s0  }
0xc: {  	s22 =	sshrl.u32 s8, $0x1;
	s26 =	sor.u32 s4, s10;
	s21 =	simm.s32 $0x4100  }
0xd: {  	s4 =	simm.s32 $0x0;
	s6 =	ssub.s32 s8, s22;
	s5 =	sadd.s32 s23, s5  }
0xe: {  	s8 =	sadd.s32 s24, s7;
	s0 =	sadd.s32 s9, s0;
	[dreg:$0x5] =	wrdreg s26  }
.Ltmp0:
0xf: {  	s22 =	simm.s32 $0x4900;
	s23 =	simm.s32 $0x5100;
	(pc) =	sbr.rel .LBB2_1-.Ltmp0, $4  }
0x10: {  	s24 =	simm.s32 $0x5900;
	s26 =	simm.s32 $0x6900;
	s6 =	smax.u32 s6, $0x1  }
0x11: {  	v2 =	vlaneseq.u32;
	s7 =	sadd.s32 $0x33400, s5;
	s25 =	sadd.s32 $0x64800, s8;
	[dreg:$0x2] =	wrdreg s6  }
0x12: {  	vm0 =	vmmov $0xffff;
	v1 =	vshrl.u32 v2, $0x3;
	s0 =	sadd.s32 $0xB88200, s0;
	s6 =	sadd.s32 $0x38400, s5;
	[dreg:$0x3] =	wrdreg s25  }
0x13: {  	v0 =	vand.u32 $0x7, v2;
	v2 =	vor.u32 $0x8, v2;
	v1 =	vmul.u32 $0x8, v1;
	[dreg:$0x4] =	wrdreg s0;
	s25 =	simm.s32 $0x6100;
	s0 =	simm.s32 $0x2  }
.LBB2_5:
0x14: {  	s4 =	sadd.s32 $0x1, s4;
	s5 =	rddreg [dreg:$0x2]  }
0x15: {  	p0 =	sne.s32 s4, s5  }
.Ltmp1:
0x16: {  	_ = 	snop;
	(pc) =	sbr.rel @!p0 .LBB2_6-.Ltmp1, $1  }
0x17: {  	_ =	sdelay $0x3  }
.LBB2_1:
.Ltmp2:
0x18: {  	(pc) =	sbr.rel .LBB2_2-.Ltmp2, $4  }
0x19: {  	_ = 	snop  }
0x1a: {  	s10 =	rddreg [dreg:$0x5]  }
0x1b: {  	s9 =	rddreg [dreg:$0x4]  }
0x1c: {  	s8 =	rddreg [dreg:$0x3];
	s5 =	simm.s32 $0x0  }
.LBB2_4:
0x1d: {  	s5 =	sadd.s32 $0x200, s5  }
0x1e: {  	p0 =	sne.s32 s5, $0x5000  }
.Ltmp3:
0x1f: {  	_ = 	snop;
	(pc) =	sbr.rel @!p0 .LBB2_5-.Ltmp3, $2  }
0x20: {  	_ =	sdelay $0x2  }
0x21: {  	s8 =	sadd.s32 $0x20000, s8;
	s9 =	sadd.s32 $0x10000, s9;
	s10 =	sadd.s32 $0x20, s10  }
.LBB2_2:
0x22: {  	p0 =	sgt.u32 s10, $0x4E1  }
.Ltmp4:
0x23: {  	_ = 	snop;
	(pc) =	sbr.rel @p0 .LBB2_4-.Ltmp4, $1  }
0x24: {  	_ =	sdelay $0x3  }
0x25: {  	s14 =	sadd.s32 s5, s7  }
0x26: {  	[tilespmem:s1], [sflag:$0x3] =	stream.linear.gather [hbm4b:s14+s1], $0x80, $0x38;
	[tilespmem:$0xC100] =	vst v63  }
0x27: {  	_ =	swait.ge [sflag:s11], $0x80  }
0x28: {  	[sflag:s11] =	ssyncset.done $0x0  }
0x29: {  	s14 =	sadd.s32 s5, s6;
	[sflag:s11] =	ssyncadd.s32 $0xFFFFFF80  }
0x2a: {  	[tilespmem:s12], [sflag:$0x3] =	stream.linear.gather [hbm4b:s14+s1], $0x80, $0x38;
	[tilespmem:$0xC100] =	vst v63  }
0x2b: {  	_ =	swait.ge [sflag:s11], $0x80  }
0x2c: {  	[sflag:s11] =	ssyncset.done $0x0  }
0x2d: {  	[sflag:s11] =	ssyncadd.s32 $0xFFFFFF80  }
0x2e: {  	v3 =	vld [tilespmem:$0x0];
	_ =	sdelay $0x4  }
0x2f: {  	v4 =	vshll.u32 v3, $0x1  }
0x30: {  	v3 =	vand.u32 $0x7, v3;
	v4 =	vand.u32 $0xFFFFFFF0, v4  }
0x31: {  	v3 =	vor.u32 v3, v4  }
0x32: {  	v4 =	vperm.xlane v3, v0;
	_ =	sdelay $0x1  }
0x33: {  	v3 =	vperm.xlane v3, v2;
	v4 =	vadd.s32 v1, v4;
	_ =	sdelay $0x1  }
0x34: {  	v3 =	vadd.s32 v1, v3;
	_ =	sdelay $0x2  }
0x35: {  	[tilespmem:s13], [sflag:$0x1] =	stream.indirect_vreg.gather [hbm4b:s2+s1], $0x80, v4, vm0, $0xb8;
	[tilespmem:$0xC100] =	vst v63  }
0x36: {  	s14 =	simm.s32 $0x900  }
0x37: {  	[tilespmem:s14], [sflag:$0x1] =	stream.indirect_vreg.gather [hbm4b:s2+s1], $0x80, v3, vm0, $0xb8;
	[tilespmem:$0xC100] =	vst v63  }
0x38: {  	v3 =	vld [tilespmem:$0x10];
	_ =	sdelay $0x4  }
0x39: {  	v57 =	vshll.u32 v3, $0x1  }
0x3a: {  	v3 =	vand.u32 $0x7, v3;
	v4 =	vand.u32 $0xFFFFFFF0, v57  }
0x3b: {  	v3 =	vor.u32 v3, v4  }
0x3c: {  	v4 =	vperm.xlane v3, v0;
	_ =	sdelay $0x1  }
0x3d: {  	v3 =	vperm.xlane v3, v2;
	v4 =	vadd.s32 v1, v4;
	_ =	sdelay $0x1  }
0x3e: {  	v3 =	vadd.s32 v1, v3;
	_ =	sdelay $0x2  }
0x3f: {  	[tilespmem:s15], [sflag:$0x1] =	stream.indirect_vreg.gather [hbm4b:s2+s1], $0x80, v4, vm0, $0xb8;
	[tilespmem:$0xC100] =	vst v63  }
0x40: {  	_ = 	snop  }
0x41: {  	[tilespmem:s16], [sflag:$0x1] =	stream.indirect_vreg.gather [hbm4b:s2+s1], $0x80, v3, vm0, $0xb8;
	[tilespmem:$0xC100] =	vst v63  }
0x42: {  	v3 =	vld [tilespmem:$0x20];
	_ =	sdelay $0x4  }
0x43: {  	v58 =	vshll.u32 v3, $0x1  }
0x44: {  	v3 =	vand.u32 $0x7, v3;
	v4 =	vand.u32 $0xFFFFFFF0, v58  }
0x45: {  	v3 =	vor.u32 v3, v4  }
0x46: {  	v4 =	vperm.xlane v3, v0;
	_ =	sdelay $0x1  }
0x47: {  	v3 =	vperm.xlane v3, v2;
	v4 =	vadd.s32 v1, v4;
	_ =	sdelay $0x1  }
0x48: {  	v3 =	vadd.s32 v1, v3;
	_ =	sdelay $0x2  }
0x49: {  	[tilespmem:s17], [sflag:$0x1] =	stream.indirect_vreg.gather [hbm4b:s2+s1], $0x80, v4, vm0, $0xb8;
	[tilespmem:$0xC100] =	vst v63  }
0x4a: {  	_ = 	snop  }
0x4b: {  	[tilespmem:s18], [sflag:$0x1] =	stream.indirect_vreg.gather [hbm4b:s2+s1], $0x80, v3, vm0, $0xb8;
	[tilespmem:$0xC100] =	vst v63  }
0x4c: {  	v3 =	vld [tilespmem:$0x30];
	_ =	sdelay $0x4  }
0x4d: {  	v59 =	vshll.u32 v3, $0x1  }
0x4e: {  	v3 =	vand.u32 $0x7, v3;
	v4 =	vand.u32 $0xFFFFFFF0, v59  }
0x4f: {  	v3 =	vor.u32 v3, v4  }
0x50: {  	v4 =	vperm.xlane v3, v0;
	_ =	sdelay $0x1  }
0x51: {  	v3 =	vperm.xlane v3, v2;
	v4 =	vadd.s32 v1, v4;
	_ =	sdelay $0x1  }
0x52: {  	v3 =	vadd.s32 v1, v3;
	_ =	sdelay $0x2  }
0x53: {  	[tilespmem:s19], [sflag:$0x1] =	stream.indirect_vreg.gather [hbm4b:s2+s1], $0x80, v4, vm0, $0xb8;
	[tilespmem:$0xC100] =	vst v63  }
0x54: {  	_ = 	snop  }
0x55: {  	[tilespmem:s20], [sflag:$0x1] =	stream.indirect_vreg.gather [hbm4b:s2+s1], $0x80, v3, vm0, $0xb8;
	[tilespmem:$0xC100] =	vst v63  }
0x56: {  	v3 =	vld [tilespmem:$0x40];
	_ =	sdelay $0x4  }
0x57: {  	v60 =	vshll.u32 v3, $0x1  }
0x58: {  	v3 =	vand.u32 $0x7, v3;
	v4 =	vand.u32 $0xFFFFFFF0, v60  }
0x59: {  	v3 =	vor.u32 v3, v4  }
0x5a: {  	v4 =	vperm.xlane v3, v0;
	_ =	sdelay $0x1  }
0x5b: {  	v3 =	vperm.xlane v3, v2;
	v4 =	vadd.s32 v1, v4;
	_ =	sdelay $0x1  }
0x5c: {  	v3 =	vadd.s32 v1, v3;
	_ =	sdelay $0x2  }
0x5d: {  	[tilespmem:s21], [sflag:$0x1] =	stream.indirect_vreg.gather [hbm4b:s2+s1], $0x80, v4, vm0, $0xb8;
	[tilespmem:$0xC100] =	vst v63  }
0x5e: {  	_ = 	snop  }
0x5f: {  	[tilespmem:s22], [sflag:$0x1] =	stream.indirect_vreg.gather [hbm4b:s2+s1], $0x80, v3, vm0, $0xb8;
	[tilespmem:$0xC100] =	vst v63  }
0x60: {  	v3 =	vld [tilespmem:$0x50];
	_ =	sdelay $0x4  }
0x61: {  	v61 =	vshll.u32 v3, $0x1  }
0x62: {  	v3 =	vand.u32 $0x7, v3;
	v4 =	vand.u32 $0xFFFFFFF0, v61  }
0x63: {  	v3 =	vor.u32 v3, v4  }
0x64: {  	v4 =	vperm.xlane v3, v0;
	_ =	sdelay $0x1  }
0x65: {  	v3 =	vperm.xlane v3, v2;
	v4 =	vadd.s32 v1, v4;
	_ =	sdelay $0x1  }
0x66: {  	v3 =	vadd.s32 v1, v3;
	_ =	sdelay $0x2  }
0x67: {  	[tilespmem:s23], [sflag:$0x1] =	stream.indirect_vreg.gather [hbm4b:s2+s1], $0x80, v4, vm0, $0xb8;
	[tilespmem:$0xC100] =	vst v63  }
0x68: {  	_ = 	snop  }
0x69: {  	[tilespmem:s24], [sflag:$0x1] =	stream.indirect_vreg.gather [hbm4b:s2+s1], $0x80, v3, vm0, $0xb8;
	[tilespmem:$0xC100] =	vst v63  }
0x6a: {  	v3 =	vld [tilespmem:$0x60];
	_ =	sdelay $0x4  }
0x6b: {  	v62 =	vshll.u32 v3, $0x1  }
0x6c: {  	v3 =	vand.u32 $0x7, v3;
	v4 =	vand.u32 $0xFFFFFFF0, v62  }
0x6d: {  	v3 =	vor.u32 v3, v4  }
0x6e: {  	v4 =	vperm.xlane v3, v0;
	_ =	sdelay $0x1  }
0x6f: {  	v3 =	vperm.xlane v3, v2;
	v4 =	vadd.s32 v1, v4;
	_ =	sdelay $0x1  }
0x70: {  	v3 =	vadd.s32 v1, v3;
	_ =	sdelay $0x2  }
0x71: {  	[tilespmem:s25], [sflag:$0x1] =	stream.indirect_vreg.gather [hbm4b:s2+s1], $0x80, v4, vm0, $0xb8;
	[tilespmem:$0xC100] =	vst v63  }
0x72: {  	_ = 	snop  }
0x73: {  	[tilespmem:s26], [sflag:$0x1] =	stream.indirect_vreg.gather [hbm4b:s2+s1], $0x80, v3, vm0, $0xb8;
	[tilespmem:$0xC100] =	vst v63  }
0x74: {  	v3 =	vld [tilespmem:$0x70];
	_ =	sdelay $0x4  }
0x75: {  	v63 =	vshll.u32 v3, $0x1  }
0x76: {  	v3 =	vand.u32 $0x7, v3;
	v4 =	vand.u32 $0xFFFFFFF0, v63  }
0x77: {  	v3 =	vor.u32 v3, v4  }
0x78: {  	v4 =	vperm.xlane v3, v0;
	_ =	sdelay $0x1  }
0x79: {  	v3 =	vperm.xlane v3, v2;
	v4 =	vadd.s32 v1, v4;
	_ =	sdelay $0x1  }
0x7a: {  	v3 =	vadd.s32 v1, v3;
	_ =	sdelay $0x2  }
0x7b: {  	[tilespmem:s28], [sflag:$0x1] =	stream.indirect_vreg.gather [hbm4b:s2+s1], $0x80, v4, vm0, $0xb8;
	[tilespmem:$0xC100] =	vst v63  }
0x7c: {  	_ = 	snop  }
0x7d: {  	[tilespmem:s29], [sflag:$0x1] =	stream.indirect_vreg.gather [hbm4b:s2+s1], $0x80, v3, vm0, $0xb8;
	[tilespmem:$0xC100] =	vst v63  }
0x7e: {  	_ = 	snop  }
0x7f: {  	[tilespmem:s30], [sflag:$0x1] =	stream.indirect.gather [hbm4b:s3+s12], $0x80, s12, s12, $0xb8;
	[tilespmem:$0xC100] =	vst v63  }
0x80: {  	_ =	swait.ge [sflag:s31], $0x8000  }
0x81: {  	[sflag:s31] =	ssyncset.done $0x0  }
0x82: {  	[sflag:s31] =	ssyncadd.s32 $0xFFFF8000  }
0x83: {  	_ =	swait.ge [sflag:s31], $0x4000  }
0x84: {  	[sflag:s31] =	ssyncset.done $0x0  }
0x85: {  	[sflag:s31] =	ssyncadd.s32 $0xFFFFC000  }
0x86: {  	[hbm4b:s8+s1] =	stream.linear.scatter [tilespmem:s13], [sflag:$0x3], $0x8000, $0x38;
	[tilespmem:$0xC100] =	vst v63  }
0x87: {  	_ =	swait.ge [sflag:s11], $0x8000  }
0x88: {  	[sflag:s11] =	ssyncset.done $0x0  }
.Ltmp5:
0x89: {  	[sflag:s11] =	ssyncadd.s32 $0xFFFF8000;
	(pc) =	sbr.rel .LBB2_4-.Ltmp5, $4  }
0x8a: {  	[hbm4b:s9+s1] =	stream.linear.scatter [tilespmem:s30], [sflag:$0x2], $0x4000, $0x38;
	[tilespmem:$0xC100] =	vst v63  }
0x8b: {  	_ =	swait.ge [sflag:s0], $0x4000  }
0x8c: {  	[sflag:s0] =	ssyncset.done $0x0  }
0x8d: {  	[sflag:s0] =	ssyncadd.s32 $0xFFFFC000  }
.LBB2_6:
0x8e: {  	_ =	sfence.sel $0x180000  }
0x8f: {  	[bflag:$0x0] =	sbarrier.arrive $0xFFFF  }
0x90: {  	_ =	strace $0x90000053  }
0x91: {  	s0 =	stileid.u32;
	[bflag:$0x2] =	sbarrier.arrive $0xFFFF  }
0x92: {  	p0 =	sne.s32 s0, $0x0;
	s0 =	rddreg [dreg:$0x1]  }
0x93: {  	s0 =	sadd.s32 @!p0 $0x100000, s0  }
0x94: {  	[sflag:s0] =	ssyncadd.tile.s32 @!p0 $0x1;
	_ =	shalt  }
.Lfunc_end2:
_tile_overlayer_lowered:
.L_overlay_start_2:
0x95: {  	(tag) =	ssettag $0x2  }
0x96: {  	s0 =	rddreg [dreg:$0x0];
	s2 =	stileid.u32  }
0x97: {  	s1 =	rddreg [dreg:$0x1];
	p0 =	sne.s32 s2, $0x0  }
0x98: {  	s3 =	rddreg [dreg:$0x2];
	[bflag:$0x3] =	sbarrier.arrive $0xFFFF;
	s2 =	simm.s32 @!p0 $0x1C02  }
0x99: {  	[timem:s3], [sflag:s2] =	dma.local @!p0 [hbm:s0], s1  }
0x9a: {  	s0 =	simm.s32 @!p0 $0x2  }
0x9b: {  	_ =	swait.ge @!p0 [sflag:s0], s1  }
0x9c: {  	s1 =	ssub.s32 @!p0 $0x0, s1;
	[sflag:s0] =	ssyncset.done @!p0 $0x0  }
0x9d: {  	[sflag:s0] =	ssyncadd.s32 @!p0 s1  }
0x9e: {  	[bflag:$0x3] =	sbarrier.arrive $0xFFFF  }
0x9f: {  	_ =	shalt  }

// kernel: kernel.30.cloned.1.call-start
scs
__scs_entry_jumppad:
0x0: {  	(pc) =	sbr.rel $0x88, $3  }
0x1: {  	(tag) =	ssettag $0x0;
	lr =	simm.s32 $0x1  }
0x2: {  	[smem:$0x3F67] =	sst lr;
	_ =	strace $0xD0000000  }
0x3: {  	_ = 	snop  }
0x4: {  	_ = 	snop  }
0x5: {  	_ = 	snop  }
0x6: {  	_ = 	snop  }
0x7: {  	_ = 	snop  }
__scs_overlays_trampoline_lowered:
0x8: {  	[smem:$0x3F76] =	sst s0  }
0x9: {  	[smem:$0x3F77] =	sst s1  }
0xa: {  	[smem:$0x3F78] =	sst s2  }
0xb: {  	[smem:$0x3F79] =	sst s3  }
0xc: {  	[smem:$0x3F7A] =	sst s4  }
0xd: {  	[smem:$0x3F7B] =	sst s5  }
0xe: {  	[smem:$0x3F7C] =	sst s6  }
0xf: {  	[smem:$0x3F7D] =	sst s7  }
0x10: {  	[smem:$0x3F7E] =	sst s8  }
0x11: {  	[smem:$0x3F7F] =	sst s9;
	s0 =	simm.s32 @!p0 $0x0  }
0x12: {  	s1 =	sld [smem:$0x3F65];
	s0 =	simm.s32 @p0 $0x1  }
0x13: {  	[smem:$0x3F80] =	sst s0;
	s0 =	simm.s32 @!p1 $0x0  }
0x14: {  	s2 =	sld [smem:$0x3F64];
	s0 =	simm.s32 @p1 $0x1  }
0x15: {  	[smem:$0x3F81] =	sst s0;
	s0 =	simm.s32 @!p2 $0x0  }
0x16: {  	s3 =	sld [smem:$0x3FDB];
	s0 =	simm.s32 @p2 $0x1  }
0x17: {  	s4 =	simm.s32 $0x1BF5;
	[smem:$0x3F83] =	sst s0  }
0x18: {  	s0 =	sld [smem:$0x3F66];
	_ =	swait.ge [sflag:s4], $0x0  }
0x19: {  	s7 =	sld [smem:$0x3F67]  }
0x1a: {  	s8 =	sadd.s32 $0xFFFFE003, lr  }
0x1b: {  	s9 =	sadd.s32 $0xFFFFFEF7, lr;
	s5 =	simm.s32 $0xFFFFFFFF;
	p2 =	slt.u32 s8, $0xFFFFF086  }
0x1c: {  	p1 =	slt.u32 s9, $0xF7A;
	s5 =	simm.s32 @!p2 $0x0  }
0x1d: {  	s5 =	simm.s32 @p1 $0x1;
	p0 =	seq.s32 s7, s2  }
0x1e: {  	s7 =	smul.u32 @!p0 $0xF7A, s2;
	p2 =	seq.s32 @!p0 s5, $0x0  }
0x1f: {  	s9 =	smul.u32 $0xF7A, s1;
	s8 =	simm.s32 @!p0 $0x1BF5;
	p2 =	por !p2, p0  }
0x20: {  	[sflag:s8] =	ssyncset.s32 @!p0 $0xFFFFF086;
	s6 =	sadd.s32 @!p0 s3, s7;
	s7 =	simm.s32 @!p0 $0x108  }
0x21: {  	s3 =	sadd.s32 s3, s9;
	s6 =	sadd.s32 @!p0 $0x88, s6;
	s7 =	simm.s32 @p2 $0x1082  }
0x22: {  	[simem:s7], [sflag:s8] =	dma.local @!p0 [hbm:s6], $0xF7A  }
0x23: {  	s9 =	sor.u32 $0xD0000000, s2;
	s6 =	simm.s32 $0x108;
	_ =	swait.ge @!p0 [sflag:s8], $0x0  }
0x24: {  	s3 =	sadd.s32 $0x88, s3;
	s6 =	simm.s32 @!p1 $0x1082;
	[sflag:s4] =	ssyncset.s32 $0xFFFFF086  }
0x25: {  	[simem:s6], [sflag:s4] =	dma.local [hbm:s3], $0xF7A  }
0x26: {  	[smem:$0x3F67] =	sst s1;
	(tag) =	ssettag s2;
	_ =	strace s9  }
0x27: {  	s1 =	sld [smem:$0x3F77]  }
0x28: {  	s2 =	sld [smem:$0x3F78]  }
0x29: {  	s4 =	sld [smem:$0x3F7A]  }
0x2a: {  	p0 =	seq.s32 s5, $0x0;
	s5 =	sld [smem:$0x3F7B]  }
0x2b: {  	s6 =	sld [smem:$0x3F7C]  }
0x2c: {  	s7 =	sld [smem:$0x3F7D]  }
0x2d: {  	s3 =	simm.s32 $0x108;
	s8 =	sld [smem:$0x3F7E]  }
0x2e: {  	s3 =	simm.s32 @!p0 $0x1082;
	s9 =	sld [smem:$0x3F7F]  }
0x2f: {  	lr =	sadd.s32 s0, s3;
	s0 =	sld [smem:$0x3F76]  }
0x30: {  	s3 =	sld [smem:$0x3F79]  }
0x31: {  	[smem:$0x3F82] =	sst s10  }
0x32: {  	s10 =	sld [smem:$0x3F80];
	_ =	sdelay $0x3  }
0x33: {  	p0 =	seq.s32 s10, $0x1;
	s10 =	sld [smem:$0x3F82];
	_ =	sdelay $0x3  }
0x34: {  	[smem:$0x3F82] =	sst s10  }
0x35: {  	s10 =	sld [smem:$0x3F81];
	_ =	sdelay $0x3  }
0x36: {  	p1 =	seq.s32 s10, $0x1;
	s10 =	sld [smem:$0x3F82];
	_ =	sdelay $0x3  }
0x37: {  	[smem:$0x3F82] =	sst s10  }
0x38: {  	s10 =	sld [smem:$0x3F83]  }
0x39: {  	_ = 	snop;
	(pc) =	sbr.ind lr, $3  }
0x3a: {  	_ = 	snop  }
0x3b: {  	_ = 	snop  }
0x3c: {  	p2 =	seq.s32 s10, $0x1;
	s10 =	sld [smem:$0x3F82]  }
0x3d: {  	_ =	shalt  }
0x3e: {  	_ =	shalt  }
0x3f: {  	_ =	shalt  }
0x40: {  	_ =	shalt  }
0x41: {  	_ =	shalt  }
0x42: {  	_ =	shalt  }
0x43: {  	_ =	shalt  }
0x44: {  	_ =	shalt  }
0x45: {  	_ =	shalt  }
0x46: {  	_ =	shalt  }
0x47: {  	_ =	shalt  }
0x48: {  	_ =	shalt  }
0x49: {  	_ =	shalt  }
0x4a: {  	_ =	shalt  }
0x4b: {  	_ =	shalt  }
0x4c: {  	_ =	shalt  }
0x4d: {  	_ =	shalt  }
0x4e: {  	_ =	shalt  }
0x4f: {  	_ =	shalt  }
0x50: {  	_ =	shalt  }
0x51: {  	_ =	shalt  }
0x52: {  	_ =	shalt  }
0x53: {  	_ =	shalt  }
0x54: {  	_ =	shalt  }
0x55: {  	_ =	shalt  }
0x56: {  	_ =	shalt  }
0x57: {  	_ =	shalt  }
0x58: {  	_ =	shalt  }
0x59: {  	_ =	shalt  }
0x5a: {  	_ =	shalt  }
0x5b: {  	_ =	shalt  }
0x5c: {  	_ =	shalt  }
0x5d: {  	_ =	shalt  }
0x5e: {  	_ =	shalt  }
0x5f: {  	_ =	shalt  }
0x60: {  	_ =	shalt  }
0x61: {  	_ =	shalt  }
0x62: {  	_ =	shalt  }
0x63: {  	_ =	shalt  }
0x64: {  	_ =	shalt  }
0x65: {  	_ =	shalt  }
0x66: {  	_ =	shalt  }
0x67: {  	_ =	shalt  }
0x68: {  	_ =	shalt  }
0x69: {  	_ =	shalt  }
0x6a: {  	_ =	shalt  }
0x6b: {  	_ =	shalt  }
0x6c: {  	_ =	shalt  }
0x6d: {  	_ =	shalt  }
0x6e: {  	_ =	shalt  }
0x6f: {  	_ =	shalt  }
0x70: {  	_ =	shalt  }
0x71: {  	_ =	shalt  }
0x72: {  	_ =	shalt  }
0x73: {  	_ =	shalt  }
0x74: {  	_ =	shalt  }
0x75: {  	_ =	shalt  }
0x76: {  	_ =	shalt  }
0x77: {  	_ =	shalt  }
0x78: {  	_ =	shalt  }
0x79: {  	_ =	shalt  }
0x7a: {  	_ =	shalt  }
0x7b: {  	_ =	shalt  }
0x7c: {  	_ =	shalt  }
0x7d: {  	_ =	shalt  }
0x7e: {  	_ =	shalt  }
0x7f: {  	_ =	shalt  }
0x80: {  	_ =	shalt  }
0x81: {  	_ =	shalt  }
0x82: {  	_ =	shalt  }
0x83: {  	_ =	shalt  }
0x84: {  	_ =	shalt  }
0x85: {  	_ =	shalt  }
0x86: {  	_ =	shalt  }
0x87: {  	_ =	shalt  }
.Lfunc_end0:
.L_simem_size_0:
called_computation.5_lowered:
.L_overlay_start_0:
0x88: {  	s2 =	sld [smem:$0x3FD9]  }
0x89: {  	s3 =	sld [smem:$0x3FFE];
	_ =	sdelay $0x1  }
0x8a: {  	s1 =	srdreg.scid  }
0x8b: {  	s0 =	sand.u32 $0x1, s1  }
0x8c: {  	s16 =	sshll.u32 s0, $0xA;
	s2 =	sadd.s32 s3, s2  }
0x8d: {  	s2 =	sadd.s32 s2, s16  }
0x8e: {  	[smem:$0x3F8E] =	sst s2  }
0x8f: {  	_ = 	snop  }
0x90: {  	(tm) =	ssettm $0x1  }
0x91: {  	s17 =	sld [smem:$0x3FFB];
	_ =	sdelay $0x3  }
0x92: {  	_ =	strace s17  }
0x93: {  	s2 =	sld [smem:$0x3FFC];
	_ =	sdelay $0x3  }
0x94: {  	_ =	strace s2  }
0x95: {  	s2 =	sld [smem:$0x3FFD];
	_ =	sdelay $0x3  }
0x96: {  	_ =	strace s2  }
0x97: {  	_ =	strace $0x8FFFFFFF  }
0x98: {  	s18 =	sld [smem:$0x3FDB];
	_ =	sdelay $0x1  }
0x99: {  	s19 =	simm.s32 $_scs_section_size  }
0x9a: {  	s4 =	simm.s32 $_size__tile_overlayer_lowered;
	s5 =	simm.s32 $_tile_overlayer_lowered  }
0x9b: {  	s22 =	simm.s32 $0x1BFF;
	s21 =	sshll.u32 s5, $0x1;
	s2 =	sadd.s32 s19, s18  }
0x9c: {  	s6 =	simm.s32 $0x0;
	s20 =	sshll.u32 s4, $0x1;
	s4 =	sadd.s32 s21, s2  }
0x9d: {  	[timem:s6], [sflag:s22] =	dma.local [hbm:s4], s20  }
0x9e: {  	_ =	swait.ge [sflag:s22], s20  }
0x9f: {  	s3 =	ssub.s32 $0x0, s20;
	[sflag:s22] =	ssyncset.done $0x0  }
0xa0: {  	[sflag:s22] =	ssyncadd.s32 s3;
	_ =	sdelay $0x1  }
0xa1: {  	s23 =	simm.s32 $0x1B8B  }
0xa2: {  	_ =	swait.ge [sflag:s23], $0x1  }
0xa3: {  	[sflag:s23] =	ssyncset.done $0x0  }
0xa4: {  	s25 =	simm.s32 $0x1B8E;
	s24 =	sld [smem:$0x3FFE];
	[sflag:s23] =	ssyncadd.s32 $0xFFFFFFFF  }
0xa5: {  	s26 =	simm.s32 $execute0_lowered;
	[smem:$0x3FD2] =	sst s25  }
0xa6: {  	s4 =	sshll.u32 s26, $0x1;
	_ =	strace $0x80000055;
	[dreg:$0x1] =	wrdreg $0xFFFFFFFF  }
0xa7: {  	s28 =	simm.s32 $_size_execute0_lowered;
	s2 =	sadd.s32 s2, s4;
	[dreg:$0x0] =	wrdreg $0x0  }
0xa8: {  	s4 =	sshll.u32 s28, $0x1;
	[dreg:$0x2] =	wrdreg s2  }
0xa9: {  	[dreg:$0x3] =	wrdreg s4  }
0xaa: {  	[dreg:$0x4] =	wrdreg $0xC0  }
0xab: {  	_ =	task [dreg:s6], $0x5FFFF  }
0xac: {  	[dreg:$0x1] =	wrdreg $0xFFFFFFFF  }
0xad: {  	[dreg:$0x0] =	wrdreg $0x60  }
0xae: {  	[dreg:$0x2] =	wrdreg s24  }
0xaf: {  	[dreg:$0x3] =	wrdreg $0x40800  }
0xb0: {  	[dreg:$0x4] =	wrdreg $0x9  }
0xb1: {  	_ =	task.clear_ibuf [dreg:s6], $0x5FFFF;
	_ =	strace $0x90000055  }
0xb2: {  	s29 =	simm.s32 $0x9;
	_ =	strace $0x80000057  }
0xb3: {  	_ =	swait.ge [sflag:s29], $0x1  }
0xb4: {  	[sflag:s29] =	ssyncadd.s32 $0xFFFFFFFF  }
0xb5: {  	_ =	strace $0x90000057  }
0xb6: {  	_ =	sfence  }
0xb7: {  	s30 =	sld [smem:$0x0];
	_ =	sdelay $0x2  }
0xb8: {  	s31 =	sshll.u32 s1, $0xD;
	s1 =	sshrl.u32 s1, $0x2  }
0xb9: {  	s3 =	sand.u32 $0x4000, s31;
	s1 =	sadd.s32 s1, s30  }
0xba: {  	s0 =	sor.u32 s3, s0;
	s1 =	sshll.u32 s1, $0x11  }
0xbb: {  	s0 =	sor.u32 s1, s0  }
0xbc: {  	s0 =	sadd.s32 $0x8F2B, s0  }
0xbd: {  	[sflag:s0] =	ssyncadd.remote.s32 $0x1  }
0xbe: {  	_ =	sfence.sel $0xFFFF  }
0xbf: {  	[dreg:$0x0] =	wrdreg $0xFFFFFFFF;
	(pc) =	sbr.abs _section_cstart, $3  }
0xc0: {  	[dreg:$0x1] =	wrdreg $0xFFFFFFFF  }
0xc1: {  	_ =	task.clear_ibuf [dreg:s6], $0x2FFFF;
	_ =	strace $0x9FFFFFFF  }
0xc2: {  	(tm) =	ssettm $0x7FFFFFFF  }
0xc3: {  	_ =	shalt  }
tec
execute0_lowered:
.L_overlay_start_1:
0x0: {  	(tag) =	ssettag $0x1  }
0x1: {  	s5 =	rddreg [dreg:$0x0]  }
0x2: {  	s1 =	rddreg [dreg:$0x1];
	s3 =	srdreg.scid  }
0x3: {  	s0 =	rddreg [dreg:$0x2];
	s2 =	simm.s32 $0x0;
	s6 =	sand.u32 $0x1, s3  }
0x4: {  	[smem:$0x7FF] =	sst s2;
	s7 =	smul.u32 $0x138800, s6  }
0x5: {  	s3 =	stileid.u32;
	s4 =	smul.u32 $0x2710, s6  }
0x6: {  	s13 =	sadd.s32 $0xA28800, s5;
	s14 =	sadd.s32 $0x138000, s1;
	s9 =	smul.u32 $0x13800, s3  }
0x7: {  	_ =	strace $0x80000056;
	s6 =	ssub.s32 $0x2, s6;
	s12 =	smul.u32 $0x4E000, s3  }
0x8: {  	s29 =	sshll.u32 s3, $0xB;
	s30 =	sshll.u32 s3, $0x4;
	p0 =	sne.s32 s3, $0x0  }
0x9: {  	s31 =	sshll.u32 s3, $0x6;
	s11 =	sshrl.u32 s6, $0x1;
	s14 =	sshrl.u32 @!p0 s14, $0x3  }
0xa: {  	s8 =	sadd.s32 s7, s5;
	s10 =	sadd.s32 s4, s5;
	s4 =	sadd.s32 $0x3D600, s5  }
0xb: {  	s9 =	sadd.s32 s9, s7;
	s11 =	ssub.s32 s6, s11;
	s26 =	sshrl.u32 s12, $0x2  }
0xc: {  	s7 =	sshrl.u32 s7, $0x3;
	s25 =	sshrl.u32 s9, $0x3;
	s12 =	sadd.s32 s26, s1  }
0xd: {  	s28 =	sadd.s32 s13, s7;
	s8 =	sadd.s32 s29, s8;
	s7 =	smax.u32 s11, $0x1  }
0xe: {  	s9 =	sadd.s32 s30, s10;
	s10 =	sshrl.u32 @!p0 s1, $0x3;
	s11 =	sor.u32 $0x1C01, s31  }
0xf: {  	s5 =	sadd.s32 s13, s25;
	s6 =	sadd.s32 $0x27000, s28;
	s8 =	sadd.s32 $0x7B7800, s8  }
0x10: {  	s9 =	sadd.s32 $0x38400, s9;
	s12 =	sshrl.u32 s12, $0x3;
	s13 =	simm.s32 $0x1  }
.LBB2_1:
0x11: {  	s15 =	simm.s32 @!p0 $0x1C01  }
0x12: {  	[spmem:s10], [sflag:s15] =	dma.local @!p0 [hbm:s4], $0x27100  }
0x13: {  	s15 =	simm.s32 @!p0 $0x1  }
0x14: {  	_ =	swait.ge @!p0 [sflag:s15], $0x27100  }
0x15: {  	s16 =	sadd.s32 $0x0, s3;
	[sflag:s15] =	ssyncset.done @!p0 $0x0  }
0x16: {  	p1 =	sgt.u32 s16, $0x270;
	[sflag:s15] =	ssyncadd.s32 @!p0 $0xFFFD8F00  }
0x17: {  	s17 =	simm.s32 @!p1 $0x2;
	s15 =	simm.s32 @!p1 $0x0;
	[bflag:$0x0] =	sbarrier.arrive $0xFFFF  }
0x18: {  	[tilespmem:s15], [sflag:$0x2] =	stream.linear.gather @!p1 [hbm4b:s9+s15], $0x80, $0x38;
	[tilespmem:$0x17900] =	vst v63  }
0x19: {  	_ =	swait.ge @!p1 [sflag:s17], $0x80  }
0x1a: {  	[sflag:s17] =	ssyncset.done @!p1 $0x0;
	p1 =	por p1, p1  }
0x1b: {  	[sflag:s17] =	ssyncadd.s32 @!p1 $0xFFFFFF80;
	s19 =	simm.s32 @!p1 $0x80  }
0x1c: {  	[tilespmem:s19], [sflag:$0x2] =	stream.linear.gather @!p1 [hbm4b:s8+s15], $0x4000, $0x38;
	[tilespmem:$0x17900] =	vst v63  }
0x1d: {  	_ =	swait.ge @!p1 [sflag:s17], $0x4000  }
0x1e: {  	[sflag:s17] =	ssyncset.done @!p1 $0x0  }
0x1f: {  	s31 =	sadd.s32 $0x10, s3;
	s18 =	simm.s32 @!p1 $0x1;
	[sflag:s17] =	ssyncadd.s32 @!p1 $0xFFFFC000  }
0x20: {  	[spmem:s1] =	stream.indirect.scatter.add.f32 @!p1 [tilespmem:s19], [sflag:$0x1], $0x80, s15, s19, $0xb8;
	[tilespmem:$0x17900] =	vst v63  }
0x21: {  	s16 =	simm.s32 $0x20;
	p2 =	sgt.u32 s31, $0x270;
	_ =	swait.ge @!p1 [sflag:s18], $0x4000  }
0x22: {  	s17 =	sadd.s32 $0x100, s9;
	s15 =	sadd.s32 $0x8000, s8;
	[sflag:s18] =	ssyncset.done @!p1 $0x0  }
.LBB2_2:
0x23: {  	s19 =	simm.s32 @!p2 $0x0;
	s20 =	simm.s32 @!p2 $0x2;
	[sflag:s18] =	ssyncadd.s32 @!p1 $0xFFFFC000  }
0x24: {  	[tilespmem:s19], [sflag:$0x2] =	stream.linear.gather @!p2 [hbm4b:s17+s19], $0x80, $0x38;
	[tilespmem:$0x17900] =	vst v63  }
0x25: {  	s21 =	smov.u32 s16;
	s16 =	sadd.s32 $0x10, s16;
	_ =	swait.ge @!p2 [sflag:s20], $0x80  }
0x26: {  	p1 =	por p2, p2;
	p3 =	sne.s32 s16, $0x280;
	[sflag:s20] =	ssyncset.done @!p2 $0x0  }
0x27: {  	s22 =	simm.s32 @!p1 $0x80;
	[sflag:s20] =	ssyncadd.s32 @!p1 $0xFFFFFF80  }
0x28: {  	[tilespmem:s22], [sflag:$0x2] =	stream.linear.gather @!p1 [hbm4b:s15+s19], $0x4000, $0x38;
	[tilespmem:$0x17900] =	vst v63  }
0x29: {  	_ =	swait.ge @!p1 [sflag:s20], $0x4000  }
.Ltmp0:
0x2a: {  	[sflag:s20] =	ssyncset.done @!p1 $0x0;
	(pc) =	sbr.rel @p3 .LBB2_2-.Ltmp0, $4  }
0x2b: {  	s18 =	simm.s32 @!p1 $0x1;
	[sflag:s20] =	ssyncadd.s32 @!p1 $0xFFFFC000  }
0x2c: {  	[spmem:s1] =	stream.indirect.scatter.add.f32 @!p1 [tilespmem:s22], [sflag:$0x1], $0x80, s19, s22, $0xb8;
	[tilespmem:$0x17900] =	vst v63  }
0x2d: {  	s17 =	sadd.s32 $0x100, s17;
	s19 =	sadd.s32 s21, s3;
	_ =	swait.ge @!p1 [sflag:s18], $0x4000  }
0x2e: {  	s15 =	sadd.s32 $0x8000, s15;
	p2 =	sgt.u32 s19, $0x270;
	[sflag:s18] =	ssyncset.done @!p1 $0x0  }
0x2f: {  	s16 =	simm.s32 @!p2 $0x0;
	s19 =	simm.s32 @!p2 $0x2;
	[sflag:s18] =	ssyncadd.s32 @!p1 $0xFFFFC000  }
0x30: {  	[tilespmem:s16], [sflag:$0x2] =	stream.linear.gather @!p2 [hbm4b:s17+s16], $0x80, $0x38;
	[tilespmem:$0x17900] =	vst v63  }
0x31: {  	_ =	swait.ge @!p2 [sflag:s19], $0x80  }
0x32: {  	p1 =	por p2, p2;
	[sflag:s19] =	ssyncset.done @!p2 $0x0  }
0x33: {  	s17 =	simm.s32 @!p1 $0x80;
	[sflag:s19] =	ssyncadd.s32 @!p1 $0xFFFFFF80  }
0x34: {  	[tilespmem:s17], [sflag:$0x2] =	stream.linear.gather @!p1 [hbm4b:s15+s16], $0x4000, $0x38;
	[tilespmem:$0x17900] =	vst v63  }
0x35: {  	_ =	swait.ge @!p1 [sflag:s19], $0x4000  }
0x36: {  	[sflag:s19] =	ssyncset.done @!p1 $0x0  }
0x37: {  	s15 =	simm.s32 @!p1 $0x1;
	[sflag:s19] =	ssyncadd.s32 @!p1 $0xFFFFC000  }
0x38: {  	[spmem:s1] =	stream.indirect.scatter.add.f32 @!p1 [tilespmem:s17], [sflag:$0x1], $0x80, s16, s17, $0xb8;
	[tilespmem:$0x17900] =	vst v63  }
0x39: {  	_ =	swait.ge @!p1 [sflag:s15], $0x4000  }
0x3a: {  	[sflag:s15] =	ssyncset.done @!p1 $0x0  }
0x3b: {  	[sflag:s15] =	ssyncadd.s32 @!p1 $0xFFFFC000  }
0x3c: {  	[bflag:$0x0] =	sbarrier.arrive $0xFFFF  }
0x3d: {  	[hbm:s5], [sflag:s11] =	dma.local [spmem:s12], $0x2700  }
0x3e: {  	s2 =	sadd.s32 $0x1, s2;
	_ =	swait.ge [sflag:s13], $0x2700  }
0x3f: {  	p1 =	sne.s32 s2, s7;
	[sflag:s13] =	ssyncset.done $0x0  }
.Ltmp1:
0x40: {  	s15 =	simm.s32 @!p0 $0x1;
	[sflag:s13] =	ssyncadd.s32 $0xFFFFD900;
	(pc) =	sbr.rel @p1 .LBB2_1-.Ltmp1, $4  }
0x41: {  	[hbm:s6], [sflag:s11] =	dma.local @!p0 [spmem:s14], $0x100  }
0x42: {  	_ =	swait.ge @!p0 [sflag:s15], $0x100  }
0x43: {  	[sflag:s15] =	ssyncset.done @!p0 $0x0  }
0x44: {  	[sflag:s15] =	ssyncadd.s32 @!p0 $0xFFFFFF00  }
0x45: {  	_ =	sfence.sel $0x180000  }
0x46: {  	[bflag:$0x0] =	sbarrier.arrive $0xFFFF  }
0x47: {  	_ =	strace $0x90000056  }
0x48: {  	s0 =	sadd.s32 @!p0 $0x100000, s0;
	[bflag:$0x2] =	sbarrier.arrive $0xFFFF  }
0x49: {  	[sflag:s0] =	ssyncadd.tile.s32 @!p0 $0x1;
	_ =	shalt  }
.Lfunc_end2:
_tile_overlayer_lowered:
.L_overlay_start_2:
0x4a: {  	(tag) =	ssettag $0x2  }
0x4b: {  	s0 =	rddreg [dreg:$0x0];
	s2 =	stileid.u32  }
0x4c: {  	s1 =	rddreg [dreg:$0x1];
	p0 =	sne.s32 s2, $0x0  }
0x4d: {  	s3 =	rddreg [dreg:$0x2];
	[bflag:$0x3] =	sbarrier.arrive $0xFFFF;
	s2 =	simm.s32 @!p0 $0x1C01  }
0x4e: {  	[timem:s3], [sflag:s2] =	dma.local @!p0 [hbm:s0], s1  }
0x4f: {  	s0 =	simm.s32 @!p0 $0x1  }
0x50: {  	_ =	swait.ge @!p0 [sflag:s0], s1  }
0x51: {  	s1 =	ssub.s32 @!p0 $0x0, s1;
	[sflag:s0] =	ssyncset.done @!p0 $0x0  }
0x52: {  	[sflag:s0] =	ssyncadd.s32 @!p0 s1  }
0x53: {  	[bflag:$0x3] =	sbarrier.arrive $0xFFFF  }
0x54: {  	_ =	shalt  }

</sc_bundles>
